<compile_context>
chip_gen: v7x
topology: tpu7x:2x2x1
jax: 0.10.2.dev20260603
libtpu: 0.0.44.dev20260713+nightly
codegen_flags: <defaults>
</compile_context>

<pallas_src>
import jax
import jax.numpy as jnp
from jax import lax
from jax.experimental import pallas as pl
from jax.experimental.pallas import tpu as pltpu
from jax.experimental.pallas import tpu_sc as plsc

H = 512
W = 512
N = H * W
NC = 2
NS = 16
L = 16
NW = NC * NS
SPW = N // NW
TPB = N // NS
CH = 8192
NSRC = N // NC
NBIN = NSRC + NS * L + CH
STW = NBIN // NS


def _round_half_even_nonneg(x):
    n = x.astype(jnp.int32)
    f = x - n.astype(jnp.float32)
    half = jnp.full((L,), 0.5, jnp.float32)
    up = (f > half) | ((f == half) & ((n & 1) == 1))
    return jnp.where(up, n + 1, n)


def _flat_vreg(bx, by, base, j):
    off = j * L
    lin = base + off + lax.iota(jnp.int32, L)
    xi = lin & (W - 1)
    yi = lax.shift_right_logical(lin, 9)
    px = xi.astype(jnp.float32) + bx[pl.ds(off, L)]
    py = yi.astype(jnp.float32) + by[pl.ds(off, L)]
    px = jnp.minimum(jnp.maximum(px, 0.0), float(W - 1))
    py = jnp.minimum(jnp.maximum(py, 0.0), float(H - 1))
    tx = _round_half_even_nonneg(px)
    ty = _round_half_even_nonneg(py)
    return lax.shift_left(ty, 9) | tx


def _any_f32(p):
    return jnp.sum(jnp.where(p, jnp.full((L,), 1.0, jnp.float32),
                             jnp.zeros((L,), jnp.float32)))


def _bucket_layout(bh, sid):
    zero_i = jnp.zeros((L,), jnp.int32)

    def _acc(wi, carry):
        t, p = carry
        row = bh[pl.ds(wi * NS, L)]
        sel = jnp.full((L,), jnp.where(wi < sid, 1, 0), jnp.int32)
        return (t + row, p + row * sel)

    tot, pre = lax.fori_loop(0, NS, _acc, (zero_i, zero_i))
    padt = (tot + (L - 1)) & ~(L - 1)
    excl = plsc.cumsum(padt) - padt
    return excl, tot, pre, padt


def _lane_scalar(vec, sid):
    iot = lax.iota(jnp.int32, L)
    lane = jnp.where(iot == jnp.full((L,), sid),
                     jnp.full((L,), 1, jnp.int32), jnp.zeros((L,), jnp.int32))
    return jnp.sum(vec * lane)


def _bin_body(fx_hbm, fy_hbm, d_hbm, i0_hbm, i1_hbm, i2_hbm,
              pz_hbm, histo_hbm, fb_hbm, db_hbm, v0_hbm, v1_hbm, v2_hbm,
              bfl, bx, by, bdp, b2p, didx, bf, zbuf, bh, cnt16, padv,
              sfb, sdb, s0b, s1b, s2b, histS, sem):
    c = lax.axis_index("c")
    sid = lax.axis_index("s")
    wid = sid * NC + c
    sbase = wid * SPW
    tbase = sid * TPB

    cx = pltpu.async_copy(fx_hbm.at[pl.ds(sbase, SPW)], bx, sem)
    cy = pltpu.async_copy(fy_hbm.at[pl.ds(sbase, SPW)], by, sem)
    cx.wait()
    cy.wait()

    cnt16[pl.ds(0, L)] = jnp.zeros((L,), jnp.int32)

    @pl.loop(0, SPW // L)
    def _p1(j):
        fl = _flat_vreg(bx, by, sbase, j)
        bfl[pl.ds(j * L, L)] = fl
        o = lax.shift_right_logical(fl, 14)
        cc, last = plsc.scan_count(o)
        cur = plsc.load_gather(cnt16, [o])
        plsc.store_scatter(cnt16, [o], cur + cc, mask=last)

    pltpu.sync_copy(cnt16, histS.at[pl.ds(sid * NS, NS)])
    pltpu.sync_copy(cnt16, histo_hbm.at[pl.ds((c * NS + sid) * NS, NS)])
    cd = pltpu.async_copy(d_hbm.at[pl.ds(sbase, SPW)], bdp, sem)
    c0 = pltpu.async_copy(i0_hbm.at[pl.ds(sbase, SPW)], bx, sem)
    c1 = pltpu.async_copy(i1_hbm.at[pl.ds(sbase, SPW)], by, sem)
    c2 = pltpu.async_copy(i2_hbm.at[pl.ds(sbase, SPW)], b2p, sem)
    cd.wait()
    c0.wait()
    c1.wait()
    c2.wait()
    plsc.subcore_barrier()

    pltpu.sync_copy(histS, bh)
    excl, tot, pre, padt = _bucket_layout(bh, sid)
    rstart = pl.multiple_of(_lane_scalar(excl, sid), L)
    rcnt_pad = pl.multiple_of(_lane_scalar(padt, sid), L)
    gapstart = rstart + _lane_scalar(tot, sid)

    padv[pl.ds(0, L)] = jnp.full((L,), -1, jnp.int32)
    iot = lax.iota(jnp.int32, L)
    pltpu.async_copy(padv, sfb.at[gapstart + iot], sem).wait()
    plsc.subcore_barrier()

    cnt16[pl.ds(0, L)] = excl + pre

    @pl.loop(0, SPW // L)
    def _p2(j):
        fl = bfl[pl.ds(j * L, L)]
        o = lax.shift_right_logical(fl, 14)
        cc, last = plsc.scan_count(o)
        cur = plsc.load_gather(cnt16, [o])
        didx[j // 8, pl.ds((j % 8) * L, L)] = cur + cc - 1
        plsc.store_scatter(cnt16, [o], cur + cc, mask=last)

    @pl.loop(0, SPW // 128)
    def _scat(r):
        off = r * 128
        sf = pltpu.async_copy(bfl.at[pl.ds(off, 128)], sfb.at[didx.at[r]], sem)
        sd = pltpu.async_copy(bdp.at[pl.ds(off, 128)], sdb.at[didx.at[r]], sem)
        s0 = pltpu.async_copy(bx.at[pl.ds(off, 128)], s0b.at[didx.at[r]], sem)
        s1 = pltpu.async_copy(by.at[pl.ds(off, 128)], s1b.at[didx.at[r]], sem)
        s2 = pltpu.async_copy(b2p.at[pl.ds(off, 128)], s2b.at[didx.at[r]], sem)
        sf.wait()
        sd.wait()
        s0.wait()
        s1.wait()
        s2.wait()

    plsc.subcore_barrier()

    big = jnp.full((L,), 1e30, jnp.float32)

    @pl.loop(0, TPB // L)
    def _init(i):
        zbuf[pl.ds(i * L, L)] = big

    nch = (rcnt_pad + CH - 1) // CH

    @pl.loop(0, nch)
    def _pass1(ci):
        cbase = pl.multiple_of(rstart + ci * CH, L)
        cf = pltpu.async_copy(sfb.at[pl.ds(cbase, CH)], bf, sem)
        cdd = pltpu.async_copy(sdb.at[pl.ds(cbase, CH)], bdp, sem)
        cf.wait()
        cdd.wait()
        done = ci * CH

        @pl.loop(0, CH // L)
        def _vreg(j):
            off = j * L
            fl = bf[pl.ds(off, L)]
            dd = bdp[pl.ds(off, L)]
            valid = ((done + off + iot) < rcnt_pad) & (fl >= 0)
            ridx = (fl - tbase) & (TPB - 1)

            def _body(_):
                cur = plsc.load_gather(zbuf, [ridx], mask=valid)
                pend = valid & (dd < cur)
                plsc.store_scatter(zbuf, [ridx], dd, mask=pend)
                cur2 = plsc.load_gather(zbuf, [ridx], mask=valid)
                return _any_f32(valid & (dd < cur2))

            lax.while_loop(lambda t: t > 0.0, _body, jnp.float32(1.0))

    pltpu.sync_copy(zbuf, pz_hbm.at[pl.ds(c * N + tbase, TPB)])

    half = STW // 2

    @pl.loop(0, 2)
    def _dump(hh):
        strip = sid * STW + hh * half
        hb = c * NBIN + strip
        stage = ((sfb, bf, fb_hbm), (sdb, bdp, db_hbm), (s0b, bx, v0_hbm),
                 (s1b, by, v1_hbm), (s2b, b2p, v2_hbm))
        ins = [pltpu.async_copy(spm.at[pl.ds(strip, half)],
                                vm.at[pl.ds(0, half)], sem)
               for spm, vm, _ in stage]
        for cp in ins:
            cp.wait()
        outs = [pltpu.async_copy(vm.at[pl.ds(0, half)],
                                 hbm.at[pl.ds(hb, half)], sem)
                for _, vm, hbm in stage]
        for cp in outs:
            cp.wait()


def _acc_body(histo_hbm, pz_hbm, fb_hbm, db_hbm, v0_hbm, v1_hbm, v2_hbm,
              sr_hbm, pa0_hbm, pa1_hbm, pa2_hbm, pcn_hbm,
              zbufG, acc0, acc1, acc2, cnt, bh, bf, bd, b0, b1, b2, bsr, sem):
    c = lax.axis_index("c")
    sid = lax.axis_index("s")
    tbase = sid * TPB

    pltpu.sync_copy(sr_hbm, bsr)
    srv = bsr[...]

    @pl.loop(0, 2)
    def _zmerge(hhalf):
        zoff = hhalf * CH
        pltpu.sync_copy(pz_hbm.at[pl.ds(tbase + zoff, CH)],
                        zbufG.at[pl.ds(zoff, CH)])
        pltpu.sync_copy(pz_hbm.at[pl.ds(N + tbase + zoff, CH)], bd)

        @pl.loop(0, CH // L)
        def _mn(i):
            off = zoff + i * L
            zbufG[pl.ds(off, L)] = jnp.minimum(zbufG[pl.ds(off, L)],
                                               bd[pl.ds(i * L, L)])

    zero = jnp.zeros((L,), jnp.float32)

    @pl.loop(0, TPB // L)
    def _init(i):
        off = i * L
        acc0[pl.ds(off, L)] = zero
        acc1[pl.ds(off, L)] = zero
        acc2[pl.ds(off, L)] = zero
        cnt[pl.ds(off, L)] = zero

    pltpu.sync_copy(histo_hbm.at[pl.ds(c * NS * NS, NS * NS)], bh)
    excl, _, _, padt = _bucket_layout(bh, sid)
    rstart = pl.multiple_of(_lane_scalar(excl, sid), L)
    rcnt_pad = pl.multiple_of(_lane_scalar(padt, sid), L)
    nch = (rcnt_pad + CH - 1) // CH
    iot = lax.iota(jnp.int32, L)

    @pl.loop(0, nch)
    def _pass2(ci):
        cbase = pl.multiple_of(c * NBIN + rstart + ci * CH, L)
        cf = pltpu.async_copy(fb_hbm.at[pl.ds(cbase, CH)], bf, sem)
        cd = pltpu.async_copy(db_hbm.at[pl.ds(cbase, CH)], bd, sem)
        c0 = pltpu.async_copy(v0_hbm.at[pl.ds(cbase, CH)], b0, sem)
        c1 = pltpu.async_copy(v1_hbm.at[pl.ds(cbase, CH)], b1, sem)
        c2 = pltpu.async_copy(v2_hbm.at[pl.ds(cbase, CH)], b2, sem)
        cf.wait()
        cd.wait()
        c0.wait()
        c1.wait()
        c2.wait()
        done = ci * CH

        @pl.loop(0, CH // L)
        def _vreg(j):
            off = j * L
            fl = bf[pl.ds(off, L)]
            dd = bd[pl.ds(off, L)]
            valid = ((done + off + iot) < rcnt_pad) & (fl >= 0)
            ridx = (fl - tbase) & (TPB - 1)
            zm = plsc.load_gather(zbufG, [ridx], mask=valid)
            ok = valid & (dd <= zm + srv)
            one = jnp.where(ok, jnp.full((L,), 1.0, jnp.float32), zero)
            plsc.addupdate_scatter(cnt, [ridx], one, mask=ok)
            plsc.addupdate_scatter(acc0, [ridx], b0[pl.ds(off, L)], mask=ok)
            plsc.addupdate_scatter(acc1, [ridx], b1[pl.ds(off, L)], mask=ok)
            plsc.addupdate_scatter(acc2, [ridx], b2[pl.ds(off, L)], mask=ok)

    base = c * N + tbase
    w0 = pltpu.async_copy(acc0, pa0_hbm.at[pl.ds(base, TPB)], sem)
    w1 = pltpu.async_copy(acc1, pa1_hbm.at[pl.ds(base, TPB)], sem)
    w2 = pltpu.async_copy(acc2, pa2_hbm.at[pl.ds(base, TPB)], sem)
    w3 = pltpu.async_copy(cnt, pcn_hbm.at[pl.ds(base, TPB)], sem)
    w0.wait()
    w1.wait()
    w2.wait()
    w3.wait()


def _merge_body(pa0_hbm, pa1_hbm, pa2_hbm, pcn_hbm,
                o0_hbm, o1_hbm, o2_hbm,
                ca_, cb_, a0, b0, a1, b1, a2, b2, binv, sem):
    wid = lax.axis_index("s") * NC + lax.axis_index("c")
    base = wid * SPW

    pairs = ((pcn_hbm, ca_, cb_), (pa0_hbm, a0, b0), (pa1_hbm, a1, b1),
             (pa2_hbm, a2, b2))
    ins = []
    for src, pa, pb in pairs:
        ins.append(pltpu.async_copy(src.at[pl.ds(base, SPW)], pa, sem))
        ins.append(pltpu.async_copy(src.at[pl.ds(N + base, SPW)], pb, sem))
    ins[0].wait()
    ins[1].wait()

    @pl.loop(0, SPW // L)
    def _inv(i):
        off = i * L
        tot = ca_[pl.ds(off, L)] + cb_[pl.ds(off, L)]
        binv[pl.ds(off, L)] = 1.0 / jnp.maximum(tot, 1.0)

    for cp in ins[2:]:
        cp.wait()

    outs = []
    for (_, pa, pb), dst in zip(pairs[1:], (o0_hbm, o1_hbm, o2_hbm)):
        @pl.loop(0, SPW // L)
        def _avg(i, pa=pa, pb=pb):
            off = i * L
            pa[pl.ds(off, L)] = ((pa[pl.ds(off, L)] + pb[pl.ds(off, L)])
                                 * binv[pl.ds(off, L)])

        outs.append(pltpu.async_copy(pa, dst.at[pl.ds(base, SPW)], sem))
    for cp in outs:
        cp.wait()


@jax.jit
def _run(fx, fy, d, i0, i1, i2, srv):
    mesh = plsc.VectorSubcoreMesh(core_axis_name="c", subcore_axis_name="s")
    params = pltpu.CompilerParams(needs_layout_passes=False)
    f32 = jnp.float32
    i32 = jnp.int32

    pz, histo, fb, db, v0, v1, v2 = pl.kernel(
        _bin_body,
        out_type=(
            jax.ShapeDtypeStruct((NC * N,), f32),
            jax.ShapeDtypeStruct((NC * NS * NS,), i32),
            jax.ShapeDtypeStruct((NC * NBIN,), i32),
            jax.ShapeDtypeStruct((NC * NBIN,), f32),
            jax.ShapeDtypeStruct((NC * NBIN,), f32),
            jax.ShapeDtypeStruct((NC * NBIN,), f32),
            jax.ShapeDtypeStruct((NC * NBIN,), f32),
        ),
        mesh=mesh,
        compiler_params=params,
        scratch_types=[
            pltpu.VMEM((SPW,), i32),
            pltpu.VMEM((SPW,), f32),
            pltpu.VMEM((SPW,), f32),
            pltpu.VMEM((SPW,), f32),
            pltpu.VMEM((SPW,), f32),
            pltpu.VMEM((SPW // 128, 128), i32),
            pltpu.VMEM((CH,), i32),
            pltpu.VMEM((TPB,), f32),
            pltpu.VMEM((NS * NS,), i32),
            pltpu.VMEM((L,), i32),
            pltpu.VMEM((L,), i32),
            pltpu.VMEM_SHARED((NBIN,), i32),
            pltpu.VMEM_SHARED((NBIN,), f32),
            pltpu.VMEM_SHARED((NBIN,), f32),
            pltpu.VMEM_SHARED((NBIN,), f32),
            pltpu.VMEM_SHARED((NBIN,), f32),
            pltpu.VMEM_SHARED((NS * NS,), i32),
            pltpu.SemaphoreType.DMA,
        ],
    )(fx, fy, d, i0, i1, i2)

    pa0, pa1, pa2, pcn = pl.kernel(
        _acc_body,
        out_type=(
            jax.ShapeDtypeStruct((NC * N,), f32),
            jax.ShapeDtypeStruct((NC * N,), f32),
            jax.ShapeDtypeStruct((NC * N,), f32),
            jax.ShapeDtypeStruct((NC * N,), f32),
        ),
        mesh=mesh,
        compiler_params=params,
        scratch_types=[
            pltpu.VMEM((TPB,), f32),
            pltpu.VMEM((TPB,), f32),
            pltpu.VMEM((TPB,), f32),
            pltpu.VMEM((TPB,), f32),
            pltpu.VMEM((TPB,), f32),
            pltpu.VMEM((NS * NS,), i32),
            pltpu.VMEM((CH,), i32),
            pltpu.VMEM((CH,), f32),
            pltpu.VMEM((CH,), f32),
            pltpu.VMEM((CH,), f32),
            pltpu.VMEM((CH,), f32),
            pltpu.VMEM((L,), f32),
            pltpu.SemaphoreType.DMA,
        ],
    )(histo, pz, fb, db, v0, v1, v2, srv)

    o0, o1, o2 = pl.kernel(
        _merge_body,
        out_type=(
            jax.ShapeDtypeStruct((N,), f32),
            jax.ShapeDtypeStruct((N,), f32),
            jax.ShapeDtypeStruct((N,), f32),
        ),
        mesh=mesh,
        compiler_params=params,
        scratch_types=[
            pltpu.VMEM((SPW,), f32),
            pltpu.VMEM((SPW,), f32),
            pltpu.VMEM((SPW,), f32),
            pltpu.VMEM((SPW,), f32),
            pltpu.VMEM((SPW,), f32),
            pltpu.VMEM((SPW,), f32),
            pltpu.VMEM((SPW,), f32),
            pltpu.VMEM((SPW,), f32),
            pltpu.VMEM((SPW,), f32),
            pltpu.SemaphoreType.DMA,
        ],
    )(pa0, pa1, pa2, pcn)

    out = jnp.stack([o0, o1, o2], axis=-1)
    return out.reshape(H, W, 3)


def kernel(img, flow, depth, same_range):
    fx = flow[0, :, :, 0].reshape(-1)
    fy = flow[0, :, :, 1].reshape(-1)
    d = depth.reshape(-1)
    i0 = img[:, :, 0].reshape(-1)
    i1 = img[:, :, 1].reshape(-1)
    i2 = img[:, :, 2].reshape(-1)
    srv = jnp.full((L,), same_range, jnp.float32)
    return _run(fx, fy, d, i0, i1, i2, srv)

# --- scband reference (transcript-rebuilt; emitter-appended) ---
"""Pipeline reference for scband-forward-warping-46531675684962 (READ-ONLY COPY).

The authoritative reference and input builder live on the scoring server;
editing this copy changes nothing except your own understanding.
"""

import jax, jax.numpy as jnp
import numpy as np

H, W, C = 512, 512, 3

def setup_inputs(seed: int = 0) -> dict:
    key = jax.random.key(seed)
    k1, k2, k3 = jax.random.split(key, 3)
    img = jax.random.normal(k1, (H, W, C), dtype=jnp.float32)
    flow = jax.random.normal(k2, (1, H, W, 2), dtype=jnp.float32) * 8.0
    depth = jax.random.uniform(k3, (H, W), dtype=jnp.float32, minval=0.5, maxval=50.0)
    return {"img": img, "flow": flow, "depth": depth, "same_range": 1.0}


def reference(img, flow, depth, same_range):
    # Forward warping with depth-based z-buffering (faithful JAX port of the
    # C-library warp_img kernel semantics):
    #   p1 = p0 + flow; clamp to image bounds; each source pixel splats its
    #   value to the rounded target location; among colliders only pixels whose
    #   depth is within `same_range` of the minimum depth at that target
    #   contribute; contributions are averaged.
    h, w = depth.shape
    xs = jnp.arange(w, dtype=jnp.float32)
    ys = jnp.arange(h, dtype=jnp.float32)
    gx, gy = jnp.meshgrid(xs, ys, indexing='xy')  # [h, w] each; p0[...,0]=x, p0[...,1]=y
    p1x = gx + flow[0, :, :, 0]
    p1y = gy + flow[0, :, :, 1]
    safe_x = jnp.clip(p1x, 0.0, float(w - 1))
    safe_y = jnp.clip(p1y, 0.0, float(h - 1))
    tx = jnp.round(safe_x).astype(jnp.int32).reshape(-1)
    ty = jnp.round(safe_y).astype(jnp.int32).reshape(-1)
    flat = ty * w + tx  # [h*w] target flat indices
    d = depth.reshape(-1)
    # z-buffer: scatter-min of source depth into target pixels
    zbuf = jnp.full((h * w,), jnp.inf, dtype=depth.dtype).at[flat].min(d)
    zmin_at_src = zbuf[flat]  # gather min depth at each source's target
    mask = (d <= zmin_at_src + same_range)
    maskf = mask.astype(img.dtype)
    vals = img.reshape(h * w, -1) * maskf[:, None]
    acc = jnp.zeros((h * w, img.shape[-1]), dtype=img.dtype).at[flat].add(vals)
    cnt = jnp.zeros((h * w,), dtype=img.dtype).at[flat].add(maskf)
    out = acc / jnp.maximum(cnt, 1.0)[:, None]
    return out.reshape(h, w, img.shape[-1])

if __name__ == "__main__":
    import jax
    _d = setup_inputs()
    print(jax.jit(kernel)(*tuple(_d.values())))

</pallas_src>

<mosaic_0001>
#map = affine_map<(d0, d1) -> (0)>
module attributes {stable_mosaic.version = 14 : i64} {
  func.func @_acc_body(%arg0: i32, %arg1: i32, %arg2: memref<512xi32, #tpu.memory_space<hbm>>, %arg3: memref<524288xf32, #tpu.memory_space<hbm>>, %arg4: memref<279040xi32, #tpu.memory_space<hbm>>, %arg5: memref<279040xf32, #tpu.memory_space<hbm>>, %arg6: memref<279040xf32, #tpu.memory_space<hbm>>, %arg7: memref<279040xf32, #tpu.memory_space<hbm>>, %arg8: memref<279040xf32, #tpu.memory_space<hbm>>, %arg9: memref<16xf32, #tpu.memory_space<hbm>>, %arg10: memref<524288xf32, #tpu.memory_space<hbm>>, %arg11: memref<524288xf32, #tpu.memory_space<hbm>>, %arg12: memref<524288xf32, #tpu.memory_space<hbm>>, %arg13: memref<524288xf32, #tpu.memory_space<hbm>>, %arg14: memref<16384xf32, #tpu.memory_space<vmem>>, %arg15: memref<16384xf32, #tpu.memory_space<vmem>>, %arg16: memref<16384xf32, #tpu.memory_space<vmem>>, %arg17: memref<16384xf32, #tpu.memory_space<vmem>>, %arg18: memref<16384xf32, #tpu.memory_space<vmem>>, %arg19: memref<256xi32, #tpu.memory_space<vmem>>, %arg20: memref<8192xi32, #tpu.memory_space<vmem>>, %arg21: memref<8192xf32, #tpu.memory_space<vmem>>, %arg22: memref<8192xf32, #tpu.memory_space<vmem>>, %arg23: memref<8192xf32, #tpu.memory_space<vmem>>, %arg24: memref<8192xf32, #tpu.memory_space<vmem>>, %arg25: memref<16xf32, #tpu.memory_space<vmem>>, %arg26: memref<!tpu.dma_semaphore, #tpu.memory_space<semaphore_mem>>) attributes {dimension_semantics = [#tpu.dimension_semantics<core_parallel>, #tpu.dimension_semantics<subcore_parallel>], iteration_bounds = array<i64: 2, 16>, scalar_prefetch = 0 : i64, scratch_operands = 13 : i64, tpu.core_type = #tpu.core_type<sc_vector_subcore>, window_params = [{transform_indices = #map}, {transform_indices = #map}, {transform_indices = #map}, {transform_indices = #map}, {transform_indices = #map}, {transform_indices = #map}, {transform_indices = #map}, {transform_indices = #map}, {transform_indices = #map}, {transform_indices = #map}, {transform_indices = #map}, {transform_indices = #map}]} {
    %mul3A = arith.constant 16384 : i32
    %mul3A_0 = arith.muli %arg1, %mul3A : i32
    "tpu.region"() ({
      %run_scoped3A = tpu.sem_alloc : memref<!tpu.dma_semaphore, #tpu.memory_space<semaphore_mem>>
      tpu.enqueue_dma source(%arg9 : memref<16xf32, #tpu.memory_space<hbm>>) target(%arg25 : memref<16xf32, #tpu.memory_space<vmem>>) target_semaphore(%run_scoped3A : memref<!tpu.dma_semaphore, #tpu.memory_space<semaphore_mem>>)
      tpu.wait_dma2 semaphore(%run_scoped3A : memref<!tpu.dma_semaphore, #tpu.memory_space<semaphore_mem>>) src(%arg9 : memref<16xf32, #tpu.memory_space<hbm>>) dst(%arg25 : memref<16xf32, #tpu.memory_space<vmem>>)
      tpu.yield
    }) : () -> ()
    %get3A = arith.constant 0 : index
    %get3A_1 = tpu.vector_load %arg25[%get3A] {strides = array<i32>} : memref<16xf32, #tpu.memory_space<vmem>>, vector<16xf32>,
    %scan3A = arith.constant 0 : i32
    %scan3A_2 = arith.constant 2 : i32
    %scan3A_3 = arith.addi %scan3A, %scan3A_2 : i32
    %scan3A_4 = arith.constant 1 : i32
    scf.for %scan3A_112 = %scan3A to %scan3A_3 step %scan3A_4  : i32 {
      %mul3A_113 = arith.constant 1 : i32
      %mul3A_114 = arith.muli %scan3A_112, %mul3A_113 : i32
      %add3A_115 = arith.constant 0 : i32
      %add3A_116 = arith.addi %add3A_115, %mul3A_114 : i32
      %mul3A_117 = arith.constant 8192 : i32
      %mul3A_118 = arith.muli %add3A_116, %mul3A_117 : i32
      %add3A_119 = arith.addi %mul3A_0, %mul3A_118 : i32
      "tpu.region"() ({
        %run_scoped3A = tpu.sem_alloc : memref<!tpu.dma_semaphore, #tpu.memory_space<semaphore_mem>>
        %dma_start3A_128 = tpu.memref_slice %arg14[%mul3A_118] : memref<16384xf32, #tpu.memory_space<vmem>> -> memref<8192xf32, #tpu.memory_space<vmem>>
        %dma_start3A_129 = tpu.memref_slice %arg3[%add3A_119] : memref<524288xf32, #tpu.memory_space<hbm>> -> memref<8192xf32, #tpu.memory_space<hbm>>
        %dma_start3A_130 = tpu.memref_slice %arg14[%mul3A_118] : memref<16384xf32, #tpu.memory_space<vmem>> -> memref<8192xf32, #tpu.memory_space<vmem>>
        %dma_start3A_131 = tpu.memref_slice %arg3[%add3A_119] : memref<524288xf32, #tpu.memory_space<hbm>> -> memref<8192xf32, #tpu.memory_space<hbm>>
        tpu.enqueue_dma source(%dma_start3A_131 : memref<8192xf32, #tpu.memory_space<hbm>>) target(%dma_start3A_130 : memref<8192xf32, #tpu.memory_space<vmem>>) target_semaphore(%run_scoped3A : memref<!tpu.dma_semaphore, #tpu.memory_space<semaphore_mem>>)
        %dma_wait3A_132 = tpu.memref_slice %arg14[%mul3A_118] : memref<16384xf32, #tpu.memory_space<vmem>> -> memref<8192xf32, #tpu.memory_space<vmem>>
        %dma_wait3A_133 = tpu.memref_slice %arg3[%add3A_119] : memref<524288xf32, #tpu.memory_space<hbm>> -> memref<8192xf32, #tpu.memory_space<hbm>>
        %dma_wait3A_134 = tpu.memref_slice %arg14[%mul3A_118] : memref<16384xf32, #tpu.memory_space<vmem>> -> memref<8192xf32, #tpu.memory_space<vmem>>
        %dma_wait3A_135 = tpu.memref_slice %arg3[%add3A_119] : memref<524288xf32, #tpu.memory_space<hbm>> -> memref<8192xf32, #tpu.memory_space<hbm>>
        tpu.wait_dma2 semaphore(%run_scoped3A : memref<!tpu.dma_semaphore, #tpu.memory_space<semaphore_mem>>) src(%dma_wait3A_135 : memref<8192xf32, #tpu.memory_space<hbm>>) dst(%dma_wait3A_134 : memref<8192xf32, #tpu.memory_space<vmem>>)
        tpu.yield
      }) : () -> ()
      %add3A_120 = arith.constant 262144 : i32
      %add3A_121 = arith.addi %add3A_120, %mul3A_0 : i32
      %add3A_122 = arith.addi %add3A_121, %mul3A_118 : i32
      "tpu.region"() ({
        %run_scoped3A = tpu.sem_alloc : memref<!tpu.dma_semaphore, #tpu.memory_space<semaphore_mem>>
        %dma_start3A_128 = tpu.memref_slice %arg3[%add3A_122] : memref<524288xf32, #tpu.memory_space<hbm>> -> memref<8192xf32, #tpu.memory_space<hbm>>
        %dma_start3A_129 = tpu.memref_slice %arg3[%add3A_122] : memref<524288xf32, #tpu.memory_space<hbm>> -> memref<8192xf32, #tpu.memory_space<hbm>>
        tpu.enqueue_dma source(%dma_start3A_129 : memref<8192xf32, #tpu.memory_space<hbm>>) target(%arg21 : memref<8192xf32, #tpu.memory_space<vmem>>) target_semaphore(%run_scoped3A : memref<!tpu.dma_semaphore, #tpu.memory_space<semaphore_mem>>)
        %dma_wait3A_130 = tpu.memref_slice %arg3[%add3A_122] : memref<524288xf32, #tpu.memory_space<hbm>> -> memref<8192xf32, #tpu.memory_space<hbm>>
        %dma_wait3A_131 = tpu.memref_slice %arg3[%add3A_122] : memref<524288xf32, #tpu.memory_space<hbm>> -> memref<8192xf32, #tpu.memory_space<hbm>>
        tpu.wait_dma2 semaphore(%run_scoped3A : memref<!tpu.dma_semaphore, #tpu.memory_space<semaphore_mem>>) src(%dma_wait3A_131 : memref<8192xf32, #tpu.memory_space<hbm>>) dst(%arg21 : memref<8192xf32, #tpu.memory_space<vmem>>)
        tpu.yield
      }) : () -> ()
      %scan3A_123 = arith.constant 0 : i32
      %scan3A_124 = arith.constant 512 : i32
      %scan3A_125 = arith.addi %scan3A_123, %scan3A_124 : i32
      %scan3A_126 = arith.constant 1 : i32
      scf.for %scan3A_128 = %scan3A_123 to %scan3A_125 step %scan3A_126  : i32 {
        %mul3A_129 = arith.constant 1 : i32
        %mul3A_130 = arith.muli %scan3A_128, %mul3A_129 : i32
        %add3A_131 = arith.constant 0 : i32
        %add3A_132 = arith.addi %add3A_131, %mul3A_130 : i32
        %mul3A_133 = arith.constant 16 : i32
        %mul3A_134 = arith.muli %add3A_132, %mul3A_133 : i32
        %add3A_135 = arith.addi %mul3A_118, %mul3A_134 : i32
        %get3A_136 = arith.index_cast %add3A_135 : i32 to index
        %get3A_137 = tpu.vector_load %arg14[%get3A_136] {strides = array<i32>} : memref<16384xf32, #tpu.memory_space<vmem>>, vector<16xf32>,
        %mul3A_138 = arith.constant 16 : i32
        %mul3A_139 = arith.muli %add3A_132, %mul3A_138 : i32
        %get3A_140 = arith.index_cast %mul3A_139 : i32 to index
        %get3A_141 = tpu.vector_load %arg21[%get3A_140] {strides = array<i32>} : memref<8192xf32, #tpu.memory_space<vmem>>, vector<16xf32>,
        %min3A = arith.minimumf %get3A_137, %get3A_141 : vector<16xf32>
        %swap3A = arith.index_cast %add3A_135 : i32 to index
        %swap3A_142 = tpu.vector_load %arg14[%swap3A] {strides = array<i32>} : memref<16384xf32, #tpu.memory_space<vmem>>, vector<16xf32>,
        tpu.vector_store %arg14[%swap3A], %min3A {strides = array<i32>} : memref<16384xf32, #tpu.memory_space<vmem>>, vector<16xf32>,
      }
      %scan3A_127 = arith.constant 512 : i32
    }
    %scan3A_5 = arith.constant 2 : i32
    %broadcast_in_dim3A = arith.constant 0.000000e+00 : f32
    %broadcast_in_dim3A_6 = vector.broadcast %broadcast_in_dim3A : f32 to vector<16xf32>
    %scan3A_7 = arith.constant 0 : i32
    %scan3A_8 = arith.constant 1024 : i32
    %scan3A_9 = arith.addi %scan3A_7, %scan3A_8 : i32
    %scan3A_10 = arith.constant 1 : i32
    scf.for %scan3A_112 = %scan3A_7 to %scan3A_9 step %scan3A_10  : i32 {
      %mul3A_113 = arith.constant 1 : i32
      %mul3A_114 = arith.muli %scan3A_112, %mul3A_113 : i32
      %add3A_115 = arith.constant 0 : i32
      %add3A_116 = arith.addi %add3A_115, %mul3A_114 : i32
      %mul3A_117 = arith.constant 16 : i32
      %mul3A_118 = arith.muli %add3A_116, %mul3A_117 : i32
      %swap3A = arith.index_cast %mul3A_118 : i32 to index
      %swap3A_119 = tpu.vector_load %arg15[%swap3A] {strides = array<i32>} : memref<16384xf32, #tpu.memory_space<vmem>>, vector<16xf32>,
      tpu.vector_store %arg15[%swap3A], %broadcast_in_dim3A_6 {strides = array<i32>} : memref<16384xf32, #tpu.memory_space<vmem>>, vector<16xf32>,
      %swap3A_120 = arith.index_cast %mul3A_118 : i32 to index
      %swap3A_121 = tpu.vector_load %arg16[%swap3A_120] {strides = array<i32>} : memref<16384xf32, #tpu.memory_space<vmem>>, vector<16xf32>,
      tpu.vector_store %arg16[%swap3A_120], %broadcast_in_dim3A_6 {strides = array<i32>} : memref<16384xf32, #tpu.memory_space<vmem>>, vector<16xf32>,
      %swap3A_122 = arith.index_cast %mul3A_118 : i32 to index
      %swap3A_123 = tpu.vector_load %arg17[%swap3A_122] {strides = array<i32>} : memref<16384xf32, #tpu.memory_space<vmem>>, vector<16xf32>,
      tpu.vector_store %arg17[%swap3A_122], %broadcast_in_dim3A_6 {strides = array<i32>} : memref<16384xf32, #tpu.memory_space<vmem>>, vector<16xf32>,
      %swap3A_124 = arith.index_cast %mul3A_118 : i32 to index
      %swap3A_125 = tpu.vector_load %arg18[%swap3A_124] {strides = array<i32>} : memref<16384xf32, #tpu.memory_space<vmem>>, vector<16xf32>,
      tpu.vector_store %arg18[%swap3A_124], %broadcast_in_dim3A_6 {strides = array<i32>} : memref<16384xf32, #tpu.memory_space<vmem>>, vector<16xf32>,
    }
    %scan3A_11 = arith.constant 1024 : i32
    %mul3A_12 = arith.constant 16 : i32
    %mul3A_13 = arith.muli %arg0, %mul3A_12 : i32
    %mul3A_14 = arith.constant 16 : i32
    %mul3A_15 = arith.muli %mul3A_13, %mul3A_14 : i32
    "tpu.region"() ({
      %run_scoped3A = tpu.sem_alloc : memref<!tpu.dma_semaphore, #tpu.memory_space<semaphore_mem>>
      %dma_start3A_112 = tpu.memref_slice %arg2[%mul3A_15] : memref<512xi32, #tpu.memory_space<hbm>> -> memref<256xi32, #tpu.memory_space<hbm>>
      %dma_start3A_113 = tpu.memref_slice %arg2[%mul3A_15] : memref<512xi32, #tpu.memory_space<hbm>> -> memref<256xi32, #tpu.memory_space<hbm>>
      tpu.enqueue_dma source(%dma_start3A_113 : memref<256xi32, #tpu.memory_space<hbm>>) target(%arg19 : memref<256xi32, #tpu.memory_space<vmem>>) target_semaphore(%run_scoped3A : memref<!tpu.dma_semaphore, #tpu.memory_space<semaphore_mem>>)
      %dma_wait3A_114 = tpu.memref_slice %arg2[%mul3A_15] : memref<512xi32, #tpu.memory_space<hbm>> -> memref<256xi32, #tpu.memory_space<hbm>>
      %dma_wait3A_115 = tpu.memref_slice %arg2[%mul3A_15] : memref<512xi32, #tpu.memory_space<hbm>> -> memref<256xi32, #tpu.memory_space<hbm>>
      tpu.wait_dma2 semaphore(%run_scoped3A : memref<!tpu.dma_semaphore, #tpu.memory_space<semaphore_mem>>) src(%dma_wait3A_115 : memref<256xi32, #tpu.memory_space<hbm>>) dst(%arg19 : memref<256xi32, #tpu.memory_space<vmem>>)
      tpu.yield
    }) : () -> ()
    %broadcast_in_dim3A_16 = arith.constant 0 : i32
    %broadcast_in_dim3A_17 = vector.broadcast %broadcast_in_dim3A_16 : i32 to vector<16xi32>
    %scan3A_18 = arith.constant 0 : i32
    %scan3A_19 = arith.constant 16 : i32
    %scan3A_20 = arith.addi %scan3A_18, %scan3A_19 : i32
    %scan3A_21 = arith.constant 1 : i32
    %scan3A_22:2 = scf.for %scan3A_112 = %scan3A_18 to %scan3A_20 step %scan3A_21 iter_args(%scan3A_113 = %broadcast_in_dim3A_17, %scan3A_114 = %broadcast_in_dim3A_17) -> (vector<16xi32>, vector<16xi32>)  : i32 {
      %mul3A_115 = arith.constant 16 : i32
      %mul3A_116 = arith.muli %scan3A_112, %mul3A_115 : i32
      %get3A_117 = arith.index_cast %mul3A_116 : i32 to index
      %get3A_118 = tpu.vector_load %arg19[%get3A_117] {strides = array<i32>} : memref<256xi32, #tpu.memory_space<vmem>>, vector<16xi32>,
      %lt3A = arith.cmpi slt, %scan3A_112, %arg1 : i32
      %jit3A_119 = arith.constant 1 : i32
      %jit3A_120 = arith.constant 0 : i32
      %select_n3A_121 = arith.select %lt3A, %jit3A_119, %jit3A_120 : i32
      %broadcast_in_dim3A_122 = vector.broadcast %select_n3A_121 : i32 to vector<16xi32>
      %add3A_123 = arith.addi %scan3A_113, %get3A_118 : vector<16xi32>
      %mul3A_124 = arith.muli %get3A_118, %broadcast_in_dim3A_122 : vector<16xi32>
      %add3A_125 = arith.addi %scan3A_114, %mul3A_124 : vector<16xi32>
      scf.yield %add3A_123, %add3A_125 : vector<16xi32>, vector<16xi32>
    }
    %scan3A_23 = arith.constant 16 : i32
    %add3A = arith.constant 15 : i32
    %add3A_24 = vector.broadcast %add3A : i32 to vector<16xi32>
    %add3A_25 = arith.addi %scan3A_22#0, %add3A_24 : vector<16xi32>
    %and3A = arith.constant -16 : i32
    %and3A_26 = vector.broadcast %and3A : i32 to vector<16xi32>
    %and3A_27 = arith.andi %add3A_25, %and3A_26 : vector<16xi32>
    %broadcast_in_dim3A_28 = arith.constant true
    %broadcast_in_dim3A_29 = vector.broadcast %broadcast_in_dim3A_28 : i1 to vector<16xi1>
    %masked_cumsum3A = tpu.scan <sum>, %and3A_27 masked %broadcast_in_dim3A_29 : vector<16xi32>, vector<16xi1> -> vector<16xi32>
    %sub3A = arith.subi %masked_cumsum3A, %and3A_27 : vector<16xi32>
    %iota3A = tpu.iota {dimensions = array<i32: 0>} : vector<16xi32>
    %broadcast_in_dim3A_30 = vector.broadcast %arg1 : i32 to vector<16xi32>
    %eq3A = arith.cmpi eq, %iota3A, %broadcast_in_dim3A_30 : vector<16xi32>
    %broadcast_in_dim3A_31 = arith.constant 1 : i32
    %broadcast_in_dim3A_32 = vector.broadcast %broadcast_in_dim3A_31 : i32 to vector<16xi32>
    %broadcast_in_dim3A_33 = arith.constant 0 : i32
    %broadcast_in_dim3A_34 = vector.broadcast %broadcast_in_dim3A_33 : i32 to vector<16xi32>
    %select_n3A = arith.select %eq3A, %broadcast_in_dim3A_32, %broadcast_in_dim3A_34 : vector<16xi1>, vector<16xi32>
    %mul3A_35 = arith.muli %sub3A, %select_n3A : vector<16xi32>
    %reduce_sum3A = arith.constant true
    %reduce_sum3A_36 = vector.broadcast %reduce_sum3A : i1 to vector<16xi1>
    %reduce_sum3A_37 = tpu.scan <sum>, %mul3A_35 masked %reduce_sum3A_36 : vector<16xi32>, vector<16xi1> -> vector<16xi32>
    %reduce_sum3A_38 = vector.extract %reduce_sum3A_37[15] : i32 from vector<16xi32>
    %multiple_of3A = tpu.assume_multiple %reduce_sum3A_38, 16 : i32
    %iota3A_39 = tpu.iota {dimensions = array<i32: 0>} : vector<16xi32>
    %broadcast_in_dim3A_40 = vector.broadcast %arg1 : i32 to vector<16xi32>
    %eq3A_41 = arith.cmpi eq, %iota3A_39, %broadcast_in_dim3A_40 : vector<16xi32>
    %broadcast_in_dim3A_42 = arith.constant 1 : i32
    %broadcast_in_dim3A_43 = vector.broadcast %broadcast_in_dim3A_42 : i32 to vector<16xi32>
    %broadcast_in_dim3A_44 = arith.constant 0 : i32
    %broadcast_in_dim3A_45 = vector.broadcast %broadcast_in_dim3A_44 : i32 to vector<16xi32>
    %select_n3A_46 = arith.select %eq3A_41, %broadcast_in_dim3A_43, %broadcast_in_dim3A_45 : vector<16xi1>, vector<16xi32>
    %mul3A_47 = arith.muli %and3A_27, %select_n3A_46 : vector<16xi32>
    %reduce_sum3A_48 = arith.constant true
    %reduce_sum3A_49 = vector.broadcast %reduce_sum3A_48 : i1 to vector<16xi1>
    %reduce_sum3A_50 = tpu.scan <sum>, %mul3A_47 masked %reduce_sum3A_49 : vector<16xi32>, vector<16xi1> -> vector<16xi32>
    %reduce_sum3A_51 = vector.extract %reduce_sum3A_50[15] : i32 from vector<16xi32>
    %multiple_of3A_52 = tpu.assume_multiple %reduce_sum3A_51, 16 : i32
    %add3A_53 = arith.constant 8192 : i32
    %add3A_54 = arith.addi %multiple_of3A_52, %add3A_53 : i32
    %sub3A_55 = arith.constant 1 : i32
    %sub3A_56 = arith.subi %add3A_54, %sub3A_55 : i32
    %jit3A = arith.constant 8192 : i32
    %div3A = arith.divsi %sub3A_56, %jit3A : i32
    %sign3A = arith.constant 0 : i32
    %sign3A_57 = arith.cmpi sgt, %sub3A_56, %sign3A : i32
    %sign3A_58 = arith.extui %sign3A_57 : i1 to i32
    %sign3A_59 = arith.constant 0 : i32
    %sign3A_60 = arith.cmpi slt, %sub3A_56, %sign3A_59 : i32
    %sign3A_61 = arith.extui %sign3A_60 : i1 to i32
    %sign3A_62 = arith.subi %sign3A_58, %sign3A_61 : i32
    %sign3A_63 = arith.constant 0 : i32
    %sign3A_64 = arith.cmpi sgt, %jit3A, %sign3A_63 : i32
    %sign3A_65 = arith.extui %sign3A_64 : i1 to i32
    %sign3A_66 = arith.constant 0 : i32
    %sign3A_67 = arith.cmpi slt, %jit3A, %sign3A_66 : i32
    %sign3A_68 = arith.extui %sign3A_67 : i1 to i32
    %sign3A_69 = arith.subi %sign3A_65, %sign3A_68 : i32
    %ne3A = arith.cmpi ne, %sign3A_62, %sign3A_69 : i32
    %rem3A = arith.remsi %sub3A_56, %jit3A : i32
    %ne3A_70 = arith.constant 0 : i32
    %ne3A_71 = arith.cmpi ne, %rem3A, %ne3A_70 : i32
    %and3A_72 = arith.andi %ne3A, %ne3A_71 : i1
    %sub3A_73 = arith.constant 1 : i32
    %sub3A_74 = arith.subi %div3A, %sub3A_73 : i32
    %select_n3A_75 = arith.select %and3A_72, %sub3A_74, %div3A : i32
    %iota3A_76 = tpu.iota {dimensions = array<i32: 0>} : vector<16xi32>
    %sub3A_77 = arith.constant 0 : i32
    %sub3A_78 = arith.subi %select_n3A_75, %sub3A_77 : i32
    %sub3A_79 = arith.constant 1 : i32
    %sub3A_80 = arith.constant 1 : i32
    %sub3A_81 = arith.subi %sub3A_79, %sub3A_80 : i32
    %add3A_82 = arith.addi %sub3A_78, %sub3A_81 : i32
    %div3A_83 = arith.constant 1 : i32
    %div3A_84 = arith.divsi %add3A_82, %div3A_83 : i32
    %while3A = arith.constant 1 : i32
    %while3A_85 = arith.constant 0 : i32
    %while3A_86 = arith.constant 0 : i32
    %while3A_87 = arith.subi %div3A_84, %while3A_86 : i32
    %while3A_88 = arith.addi %while3A_86, %while3A_87 : i32
    %while3A_89 = arith.constant 1 : i32
    %while3A_90 = arith.divsi %while3A_87, %while3A_89 : i32
    %while3A_91 = arith.muli %while3A_90, %while3A_89 : i32
    %while3A_92 = arith.addi %while3A_86, %while3A_91 : i32
    %while3A_93 = arith.constant 1 : i32
    scf.for %while3A_112 = %while3A_86 to %while3A_92 step %while3A_93  : i32 {
      %mul3A_113 = arith.muli %while3A_112, %while3A : i32
      %add3A_114 = arith.addi %while3A_85, %mul3A_113 : i32
      %mul3A_115 = arith.constant 139520 : i32
      %mul3A_116 = arith.muli %arg0, %mul3A_115 : i32
      %add3A_117 = arith.addi %mul3A_116, %multiple_of3A : i32
      %mul3A_118 = arith.constant 8192 : i32
      %mul3A_119 = arith.muli %add3A_114, %mul3A_118 : i32
      %add3A_120 = arith.addi %add3A_117, %mul3A_119 : i32
      %multiple_of3A_121 = tpu.assume_multiple %add3A_120, 16 : i32
      %dma_start3A_122 = tpu.memref_slice %arg4[%multiple_of3A_121] : memref<279040xi32, #tpu.memory_space<hbm>> -> memref<8192xi32, #tpu.memory_space<hbm>>
      %dma_start3A_123 = tpu.memref_slice %arg4[%multiple_of3A_121] : memref<279040xi32, #tpu.memory_space<hbm>> -> memref<8192xi32, #tpu.memory_space<hbm>>
      tpu.enqueue_dma source(%dma_start3A_123 : memref<8192xi32, #tpu.memory_space<hbm>>) target(%arg20 : memref<8192xi32, #tpu.memory_space<vmem>>) target_semaphore(%arg26 : memref<!tpu.dma_semaphore, #tpu.memory_space<semaphore_mem>>)
      %dma_start3A_124 = tpu.memref_slice %arg5[%multiple_of3A_121] : memref<279040xf32, #tpu.memory_space<hbm>> -> memref<8192xf32, #tpu.memory_space<hbm>>
      %dma_start3A_125 = tpu.memref_slice %arg5[%multiple_of3A_121] : memref<279040xf32, #tpu.memory_space<hbm>> -> memref<8192xf32, #tpu.memory_space<hbm>>
      tpu.enqueue_dma source(%dma_start3A_125 : memref<8192xf32, #tpu.memory_space<hbm>>) target(%arg21 : memref<8192xf32, #tpu.memory_space<vmem>>) target_semaphore(%arg26 : memref<!tpu.dma_semaphore, #tpu.memory_space<semaphore_mem>>)
      %dma_start3A_126 = tpu.memref_slice %arg6[%multiple_of3A_121] : memref<279040xf32, #tpu.memory_space<hbm>> -> memref<8192xf32, #tpu.memory_space<hbm>>
      %dma_start3A_127 = tpu.memref_slice %arg6[%multiple_of3A_121] : memref<279040xf32, #tpu.memory_space<hbm>> -> memref<8192xf32, #tpu.memory_space<hbm>>
      tpu.enqueue_dma source(%dma_start3A_127 : memref<8192xf32, #tpu.memory_space<hbm>>) target(%arg22 : memref<8192xf32, #tpu.memory_space<vmem>>) target_semaphore(%arg26 : memref<!tpu.dma_semaphore, #tpu.memory_space<semaphore_mem>>)
      %dma_start3A_128 = tpu.memref_slice %arg7[%multiple_of3A_121] : memref<279040xf32, #tpu.memory_space<hbm>> -> memref<8192xf32, #tpu.memory_space<hbm>>
      %dma_start3A_129 = tpu.memref_slice %arg7[%multiple_of3A_121] : memref<279040xf32, #tpu.memory_space<hbm>> -> memref<8192xf32, #tpu.memory_space<hbm>>
      tpu.enqueue_dma source(%dma_start3A_129 : memref<8192xf32, #tpu.memory_space<hbm>>) target(%arg23 : memref<8192xf32, #tpu.memory_space<vmem>>) target_semaphore(%arg26 : memref<!tpu.dma_semaphore, #tpu.memory_space<semaphore_mem>>)
      %dma_start3A_130 = tpu.memref_slice %arg8[%multiple_of3A_121] : memref<279040xf32, #tpu.memory_space<hbm>> -> memref<8192xf32, #tpu.memory_space<hbm>>
      %dma_start3A_131 = tpu.memref_slice %arg8[%multiple_of3A_121] : memref<279040xf32, #tpu.memory_space<hbm>> -> memref<8192xf32, #tpu.memory_space<hbm>>
      tpu.enqueue_dma source(%dma_start3A_131 : memref<8192xf32, #tpu.memory_space<hbm>>) target(%arg24 : memref<8192xf32, #tpu.memory_space<vmem>>) target_semaphore(%arg26 : memref<!tpu.dma_semaphore, #tpu.memory_space<semaphore_mem>>)
      %dma_wait3A_132 = tpu.memref_slice %arg4[%multiple_of3A_121] : memref<279040xi32, #tpu.memory_space<hbm>> -> memref<8192xi32, #tpu.memory_space<hbm>>
      %dma_wait3A_133 = tpu.memref_slice %arg4[%multiple_of3A_121] : memref<279040xi32, #tpu.memory_space<hbm>> -> memref<8192xi32, #tpu.memory_space<hbm>>
      tpu.wait_dma2 semaphore(%arg26 : memref<!tpu.dma_semaphore, #tpu.memory_space<semaphore_mem>>) src(%dma_wait3A_133 : memref<8192xi32, #tpu.memory_space<hbm>>) dst(%arg20 : memref<8192xi32, #tpu.memory_space<vmem>>)
      %dma_wait3A_134 = tpu.memref_slice %arg5[%multiple_of3A_121] : memref<279040xf32, #tpu.memory_space<hbm>> -> memref<8192xf32, #tpu.memory_space<hbm>>
      %dma_wait3A_135 = tpu.memref_slice %arg5[%multiple_of3A_121] : memref<279040xf32, #tpu.memory_space<hbm>> -> memref<8192xf32, #tpu.memory_space<hbm>>
      tpu.wait_dma2 semaphore(%arg26 : memref<!tpu.dma_semaphore, #tpu.memory_space<semaphore_mem>>) src(%dma_wait3A_135 : memref<8192xf32, #tpu.memory_space<hbm>>) dst(%arg21 : memref<8192xf32, #tpu.memory_space<vmem>>)
      %dma_wait3A_136 = tpu.memref_slice %arg6[%multiple_of3A_121] : memref<279040xf32, #tpu.memory_space<hbm>> -> memref<8192xf32, #tpu.memory_space<hbm>>
      %dma_wait3A_137 = tpu.memref_slice %arg6[%multiple_of3A_121] : memref<279040xf32, #tpu.memory_space<hbm>> -> memref<8192xf32, #tpu.memory_space<hbm>>
      tpu.wait_dma2 semaphore(%arg26 : memref<!tpu.dma_semaphore, #tpu.memory_space<semaphore_mem>>) src(%dma_wait3A_137 : memref<8192xf32, #tpu.memory_space<hbm>>) dst(%arg22 : memref<8192xf32, #tpu.memory_space<vmem>>)
      %dma_wait3A_138 = tpu.memref_slice %arg7[%multiple_of3A_121] : memref<279040xf32, #tpu.memory_space<hbm>> -> memref<8192xf32, #tpu.memory_space<hbm>>
      %dma_wait3A_139 = tpu.memref_slice %arg7[%multiple_of3A_121] : memref<279040xf32, #tpu.memory_space<hbm>> -> memref<8192xf32, #tpu.memory_space<hbm>>
      tpu.wait_dma2 semaphore(%arg26 : memref<!tpu.dma_semaphore, #tpu.memory_space<semaphore_mem>>) src(%dma_wait3A_139 : memref<8192xf32, #tpu.memory_space<hbm>>) dst(%arg23 : memref<8192xf32, #tpu.memory_space<vmem>>)
      %dma_wait3A_140 = tpu.memref_slice %arg8[%multiple_of3A_121] : memref<279040xf32, #tpu.memory_space<hbm>> -> memref<8192xf32, #tpu.memory_space<hbm>>
      %dma_wait3A_141 = tpu.memref_slice %arg8[%multiple_of3A_121] : memref<279040xf32, #tpu.memory_space<hbm>> -> memref<8192xf32, #tpu.memory_space<hbm>>
      tpu.wait_dma2 semaphore(%arg26 : memref<!tpu.dma_semaphore, #tpu.memory_space<semaphore_mem>>) src(%dma_wait3A_141 : memref<8192xf32, #tpu.memory_space<hbm>>) dst(%arg24 : memref<8192xf32, #tpu.memory_space<vmem>>)
      %mul3A_142 = arith.constant 8192 : i32
      %mul3A_143 = arith.muli %add3A_114, %mul3A_142 : i32
      %scan3A_144 = arith.constant 0 : i32
      %scan3A_145 = arith.constant 512 : i32
      %scan3A_146 = arith.addi %scan3A_144, %scan3A_145 : i32
      %scan3A_147 = arith.constant 1 : i32
      scf.for %scan3A_149 = %scan3A_144 to %scan3A_146 step %scan3A_147  : i32 {
        %mul3A_150 = arith.constant 1 : i32
        %mul3A_151 = arith.muli %scan3A_149, %mul3A_150 : i32
        %add3A_152 = arith.constant 0 : i32
        %add3A_153 = arith.addi %add3A_152, %mul3A_151 : i32
        %mul3A_154 = arith.constant 16 : i32
        %mul3A_155 = arith.muli %add3A_153, %mul3A_154 : i32
        %get3A_156 = arith.index_cast %mul3A_155 : i32 to index
        %get3A_157 = tpu.vector_load %arg20[%get3A_156] {strides = array<i32>} : memref<8192xi32, #tpu.memory_space<vmem>>, vector<16xi32>,
        %get3A_158 = arith.index_cast %mul3A_155 : i32 to index
        %get3A_159 = tpu.vector_load %arg21[%get3A_158] {strides = array<i32>} : memref<8192xf32, #tpu.memory_space<vmem>>, vector<16xf32>,
        %add3A_160 = arith.addi %mul3A_143, %mul3A_155 : i32
        %add3A_161 = vector.broadcast %add3A_160 : i32 to vector<16xi32>
        %add3A_162 = arith.addi %add3A_161, %iota3A_76 : vector<16xi32>
        %lt3A = vector.broadcast %multiple_of3A_52 : i32 to vector<16xi32>
        %lt3A_163 = arith.cmpi slt, %add3A_162, %lt3A : vector<16xi32>
        %ge3A = arith.constant 0 : i32
        %ge3A_164 = vector.broadcast %ge3A : i32 to vector<16xi32>
        %ge3A_165 = arith.cmpi sge, %get3A_157, %ge3A_164 : vector<16xi32>
        %and3A_166 = arith.andi %lt3A_163, %ge3A_165 : vector<16xi1>
        %sub3A_167 = vector.broadcast %mul3A_0 : i32 to vector<16xi32>
        %sub3A_168 = arith.subi %get3A_157, %sub3A_167 : vector<16xi32>
        %and3A_169 = arith.constant 16383 : i32
        %and3A_170 = vector.broadcast %and3A_169 : i32 to vector<16xi32>
        %and3A_171 = arith.andi %sub3A_168, %and3A_170 : vector<16xi32>
        %gather3A = tpu.vector_load_idx %arg14[%and3A_171] masked %and3A_166 : memref<16384xf32, #tpu.memory_space<vmem>>[vector<16xi32>], vector<16xf32>, vector<16xi1>
        %add3A_172 = arith.addf %gather3A, %get3A_1 : vector<16xf32>
        %le3A = arith.cmpf ole, %get3A_159, %add3A_172 : vector<16xf32>
        %and3A_173 = arith.andi %and3A_166, %le3A : vector<16xi1>
        %broadcast_in_dim3A_174 = arith.constant 1.000000e+00 : f32
        %broadcast_in_dim3A_175 = vector.broadcast %broadcast_in_dim3A_174 : f32 to vector<16xf32>
        %select_n3A_176 = arith.select %and3A_173, %broadcast_in_dim3A_175, %broadcast_in_dim3A_6 : vector<16xi1>, vector<16xf32>
        tpu.vector_store_idx %arg18[%and3A_171], %select_n3A_176 masked %and3A_173 {add = true} : memref<16384xf32, #tpu.memory_space<vmem>>[vector<16xi32>], vector<16xf32>, vector<16xi1>
        %get3A_177 = arith.index_cast %mul3A_155 : i32 to index
        %get3A_178 = tpu.vector_load %arg22[%get3A_177] {strides = array<i32>} : memref<8192xf32, #tpu.memory_space<vmem>>, vector<16xf32>,
        tpu.vector_store_idx %arg15[%and3A_171], %get3A_178 masked %and3A_173 {add = true} : memref<16384xf32, #tpu.memory_space<vmem>>[vector<16xi32>], vector<16xf32>, vector<16xi1>
        %get3A_179 = arith.index_cast %mul3A_155 : i32 to index
        %get3A_180 = tpu.vector_load %arg23[%get3A_179] {strides = array<i32>} : memref<8192xf32, #tpu.memory_space<vmem>>, vector<16xf32>,
        tpu.vector_store_idx %arg16[%and3A_171], %get3A_180 masked %and3A_173 {add = true} : memref<16384xf32, #tpu.memory_space<vmem>>[vector<16xi32>], vector<16xf32>, vector<16xi1>
        %get3A_181 = arith.index_cast %mul3A_155 : i32 to index
        %get3A_182 = tpu.vector_load %arg24[%get3A_181] {strides = array<i32>} : memref<8192xf32, #tpu.memory_space<vmem>>, vector<16xf32>,
        tpu.vector_store_idx %arg17[%and3A_171], %get3A_182 masked %and3A_173 {add = true} : memref<16384xf32, #tpu.memory_space<vmem>>[vector<16xi32>], vector<16xf32>, vector<16xi1>
      }
      %scan3A_148 = arith.constant 512 : i32
    }
    %while3A_94 = arith.constant 1 : i32
    scf.for %while3A_112 = %while3A_92 to %while3A_88 step %while3A_94  : i32 {
      %mul3A_113 = arith.muli %while3A_112, %while3A : i32
      %add3A_114 = arith.addi %while3A_85, %mul3A_113 : i32
      %mul3A_115 = arith.constant 139520 : i32
      %mul3A_116 = arith.muli %arg0, %mul3A_115 : i32
      %add3A_117 = arith.addi %mul3A_116, %multiple_of3A : i32
      %mul3A_118 = arith.constant 8192 : i32
      %mul3A_119 = arith.muli %add3A_114, %mul3A_118 : i32
      %add3A_120 = arith.addi %add3A_117, %mul3A_119 : i32
      %multiple_of3A_121 = tpu.assume_multiple %add3A_120, 16 : i32
      %dma_start3A_122 = tpu.memref_slice %arg4[%multiple_of3A_121] : memref<279040xi32, #tpu.memory_space<hbm>> -> memref<8192xi32, #tpu.memory_space<hbm>>
      %dma_start3A_123 = tpu.memref_slice %arg4[%multiple_of3A_121] : memref<279040xi32, #tpu.memory_space<hbm>> -> memref<8192xi32, #tpu.memory_space<hbm>>
      tpu.enqueue_dma source(%dma_start3A_123 : memref<8192xi32, #tpu.memory_space<hbm>>) target(%arg20 : memref<8192xi32, #tpu.memory_space<vmem>>) target_semaphore(%arg26 : memref<!tpu.dma_semaphore, #tpu.memory_space<semaphore_mem>>)
      %dma_start3A_124 = tpu.memref_slice %arg5[%multiple_of3A_121] : memref<279040xf32, #tpu.memory_space<hbm>> -> memref<8192xf32, #tpu.memory_space<hbm>>
      %dma_start3A_125 = tpu.memref_slice %arg5[%multiple_of3A_121] : memref<279040xf32, #tpu.memory_space<hbm>> -> memref<8192xf32, #tpu.memory_space<hbm>>
      tpu.enqueue_dma source(%dma_start3A_125 : memref<8192xf32, #tpu.memory_space<hbm>>) target(%arg21 : memref<8192xf32, #tpu.memory_space<vmem>>) target_semaphore(%arg26 : memref<!tpu.dma_semaphore, #tpu.memory_space<semaphore_mem>>)
      %dma_start3A_126 = tpu.memref_slice %arg6[%multiple_of3A_121] : memref<279040xf32, #tpu.memory_space<hbm>> -> memref<8192xf32, #tpu.memory_space<hbm>>
      %dma_start3A_127 = tpu.memref_slice %arg6[%multiple_of3A_121] : memref<279040xf32, #tpu.memory_space<hbm>> -> memref<8192xf32, #tpu.memory_space<hbm>>
      tpu.enqueue_dma source(%dma_start3A_127 : memref<8192xf32, #tpu.memory_space<hbm>>) target(%arg22 : memref<8192xf32, #tpu.memory_space<vmem>>) target_semaphore(%arg26 : memref<!tpu.dma_semaphore, #tpu.memory_space<semaphore_mem>>)
      %dma_start3A_128 = tpu.memref_slice %arg7[%multiple_of3A_121] : memref<279040xf32, #tpu.memory_space<hbm>> -> memref<8192xf32, #tpu.memory_space<hbm>>
      %dma_start3A_129 = tpu.memref_slice %arg7[%multiple_of3A_121] : memref<279040xf32, #tpu.memory_space<hbm>> -> memref<8192xf32, #tpu.memory_space<hbm>>
      tpu.enqueue_dma source(%dma_start3A_129 : memref<8192xf32, #tpu.memory_space<hbm>>) target(%arg23 : memref<8192xf32, #tpu.memory_space<vmem>>) target_semaphore(%arg26 : memref<!tpu.dma_semaphore, #tpu.memory_space<semaphore_mem>>)
      %dma_start3A_130 = tpu.memref_slice %arg8[%multiple_of3A_121] : memref<279040xf32, #tpu.memory_space<hbm>> -> memref<8192xf32, #tpu.memory_space<hbm>>
      %dma_start3A_131 = tpu.memref_slice %arg8[%multiple_of3A_121] : memref<279040xf32, #tpu.memory_space<hbm>> -> memref<8192xf32, #tpu.memory_space<hbm>>
      tpu.enqueue_dma source(%dma_start3A_131 : memref<8192xf32, #tpu.memory_space<hbm>>) target(%arg24 : memref<8192xf32, #tpu.memory_space<vmem>>) target_semaphore(%arg26 : memref<!tpu.dma_semaphore, #tpu.memory_space<semaphore_mem>>)
      %dma_wait3A_132 = tpu.memref_slice %arg4[%multiple_of3A_121] : memref<279040xi32, #tpu.memory_space<hbm>> -> memref<8192xi32, #tpu.memory_space<hbm>>
      %dma_wait3A_133 = tpu.memref_slice %arg4[%multiple_of3A_121] : memref<279040xi32, #tpu.memory_space<hbm>> -> memref<8192xi32, #tpu.memory_space<hbm>>
      tpu.wait_dma2 semaphore(%arg26 : memref<!tpu.dma_semaphore, #tpu.memory_space<semaphore_mem>>) src(%dma_wait3A_133 : memref<8192xi32, #tpu.memory_space<hbm>>) dst(%arg20 : memref<8192xi32, #tpu.memory_space<vmem>>)
      %dma_wait3A_134 = tpu.memref_slice %arg5[%multiple_of3A_121] : memref<279040xf32, #tpu.memory_space<hbm>> -> memref<8192xf32, #tpu.memory_space<hbm>>
      %dma_wait3A_135 = tpu.memref_slice %arg5[%multiple_of3A_121] : memref<279040xf32, #tpu.memory_space<hbm>> -> memref<8192xf32, #tpu.memory_space<hbm>>
      tpu.wait_dma2 semaphore(%arg26 : memref<!tpu.dma_semaphore, #tpu.memory_space<semaphore_mem>>) src(%dma_wait3A_135 : memref<8192xf32, #tpu.memory_space<hbm>>) dst(%arg21 : memref<8192xf32, #tpu.memory_space<vmem>>)
      %dma_wait3A_136 = tpu.memref_slice %arg6[%multiple_of3A_121] : memref<279040xf32, #tpu.memory_space<hbm>> -> memref<8192xf32, #tpu.memory_space<hbm>>
      %dma_wait3A_137 = tpu.memref_slice %arg6[%multiple_of3A_121] : memref<279040xf32, #tpu.memory_space<hbm>> -> memref<8192xf32, #tpu.memory_space<hbm>>
      tpu.wait_dma2 semaphore(%arg26 : memref<!tpu.dma_semaphore, #tpu.memory_space<semaphore_mem>>) src(%dma_wait3A_137 : memref<8192xf32, #tpu.memory_space<hbm>>) dst(%arg22 : memref<8192xf32, #tpu.memory_space<vmem>>)
      %dma_wait3A_138 = tpu.memref_slice %arg7[%multiple_of3A_121] : memref<279040xf32, #tpu.memory_space<hbm>> -> memref<8192xf32, #tpu.memory_space<hbm>>
      %dma_wait3A_139 = tpu.memref_slice %arg7[%multiple_of3A_121] : memref<279040xf32, #tpu.memory_space<hbm>> -> memref<8192xf32, #tpu.memory_space<hbm>>
      tpu.wait_dma2 semaphore(%arg26 : memref<!tpu.dma_semaphore, #tpu.memory_space<semaphore_mem>>) src(%dma_wait3A_139 : memref<8192xf32, #tpu.memory_space<hbm>>) dst(%arg23 : memref<8192xf32, #tpu.memory_space<vmem>>)
      %dma_wait3A_140 = tpu.memref_slice %arg8[%multiple_of3A_121] : memref<279040xf32, #tpu.memory_space<hbm>> -> memref<8192xf32, #tpu.memory_space<hbm>>
      %dma_wait3A_141 = tpu.memref_slice %arg8[%multiple_of3A_121] : memref<279040xf32, #tpu.memory_space<hbm>> -> memref<8192xf32, #tpu.memory_space<hbm>>
      tpu.wait_dma2 semaphore(%arg26 : memref<!tpu.dma_semaphore, #tpu.memory_space<semaphore_mem>>) src(%dma_wait3A_141 : memref<8192xf32, #tpu.memory_space<hbm>>) dst(%arg24 : memref<8192xf32, #tpu.memory_space<vmem>>)
      %mul3A_142 = arith.constant 8192 : i32
      %mul3A_143 = arith.muli %add3A_114, %mul3A_142 : i32
      %scan3A_144 = arith.constant 0 : i32
      %scan3A_145 = arith.constant 512 : i32
      %scan3A_146 = arith.addi %scan3A_144, %scan3A_145 : i32
      %scan3A_147 = arith.constant 1 : i32
      scf.for %scan3A_149 = %scan3A_144 to %scan3A_146 step %scan3A_147  : i32 {
        %mul3A_150 = arith.constant 1 : i32
        %mul3A_151 = arith.muli %scan3A_149, %mul3A_150 : i32
        %add3A_152 = arith.constant 0 : i32
        %add3A_153 = arith.addi %add3A_152, %mul3A_151 : i32
        %mul3A_154 = arith.constant 16 : i32
        %mul3A_155 = arith.muli %add3A_153, %mul3A_154 : i32
        %get3A_156 = arith.index_cast %mul3A_155 : i32 to index
        %get3A_157 = tpu.vector_load %arg20[%get3A_156] {strides = array<i32>} : memref<8192xi32, #tpu.memory_space<vmem>>, vector<16xi32>,
        %get3A_158 = arith.index_cast %mul3A_155 : i32 to index
        %get3A_159 = tpu.vector_load %arg21[%get3A_158] {strides = array<i32>} : memref<8192xf32, #tpu.memory_space<vmem>>, vector<16xf32>,
        %add3A_160 = arith.addi %mul3A_143, %mul3A_155 : i32
        %add3A_161 = vector.broadcast %add3A_160 : i32 to vector<16xi32>
        %add3A_162 = arith.addi %add3A_161, %iota3A_76 : vector<16xi32>
        %lt3A = vector.broadcast %multiple_of3A_52 : i32 to vector<16xi32>
        %lt3A_163 = arith.cmpi slt, %add3A_162, %lt3A : vector<16xi32>
        %ge3A = arith.constant 0 : i32
        %ge3A_164 = vector.broadcast %ge3A : i32 to vector<16xi32>
        %ge3A_165 = arith.cmpi sge, %get3A_157, %ge3A_164 : vector<16xi32>
        %and3A_166 = arith.andi %lt3A_163, %ge3A_165 : vector<16xi1>
        %sub3A_167 = vector.broadcast %mul3A_0 : i32 to vector<16xi32>
        %sub3A_168 = arith.subi %get3A_157, %sub3A_167 : vector<16xi32>
        %and3A_169 = arith.constant 16383 : i32
        %and3A_170 = vector.broadcast %and3A_169 : i32 to vector<16xi32>
        %and3A_171 = arith.andi %sub3A_168, %and3A_170 : vector<16xi32>
        %gather3A = tpu.vector_load_idx %arg14[%and3A_171] masked %and3A_166 : memref<16384xf32, #tpu.memory_space<vmem>>[vector<16xi32>], vector<16xf32>, vector<16xi1>
        %add3A_172 = arith.addf %gather3A, %get3A_1 : vector<16xf32>
        %le3A = arith.cmpf ole, %get3A_159, %add3A_172 : vector<16xf32>
        %and3A_173 = arith.andi %and3A_166, %le3A : vector<16xi1>
        %broadcast_in_dim3A_174 = arith.constant 1.000000e+00 : f32
        %broadcast_in_dim3A_175 = vector.broadcast %broadcast_in_dim3A_174 : f32 to vector<16xf32>
        %select_n3A_176 = arith.select %and3A_173, %broadcast_in_dim3A_175, %broadcast_in_dim3A_6 : vector<16xi1>, vector<16xf32>
        tpu.vector_store_idx %arg18[%and3A_171], %select_n3A_176 masked %and3A_173 {add = true} : memref<16384xf32, #tpu.memory_space<vmem>>[vector<16xi32>], vector<16xf32>, vector<16xi1>
        %get3A_177 = arith.index_cast %mul3A_155 : i32 to index
        %get3A_178 = tpu.vector_load %arg22[%get3A_177] {strides = array<i32>} : memref<8192xf32, #tpu.memory_space<vmem>>, vector<16xf32>,
        tpu.vector_store_idx %arg15[%and3A_171], %get3A_178 masked %and3A_173 {add = true} : memref<16384xf32, #tpu.memory_space<vmem>>[vector<16xi32>], vector<16xf32>, vector<16xi1>
        %get3A_179 = arith.index_cast %mul3A_155 : i32 to index
        %get3A_180 = tpu.vector_load %arg23[%get3A_179] {strides = array<i32>} : memref<8192xf32, #tpu.memory_space<vmem>>, vector<16xf32>,
        tpu.vector_store_idx %arg16[%and3A_171], %get3A_180 masked %and3A_173 {add = true} : memref<16384xf32, #tpu.memory_space<vmem>>[vector<16xi32>], vector<16xf32>, vector<16xi1>
        %get3A_181 = arith.index_cast %mul3A_155 : i32 to index
        %get3A_182 = tpu.vector_load %arg24[%get3A_181] {strides = array<i32>} : memref<8192xf32, #tpu.memory_space<vmem>>, vector<16xf32>,
        tpu.vector_store_idx %arg17[%and3A_171], %get3A_182 masked %and3A_173 {add = true} : memref<16384xf32, #tpu.memory_space<vmem>>[vector<16xi32>], vector<16xf32>, vector<16xi1>
      }
      %scan3A_148 = arith.constant 512 : i32
    }
    %mul3A_95 = arith.constant 262144 : i32
    %mul3A_96 = arith.muli %arg0, %mul3A_95 : i32
    %add3A_97 = arith.addi %mul3A_96, %mul3A_0 : i32
    %dma_start3A = tpu.memref_slice %arg10[%add3A_97] : memref<524288xf32, #tpu.memory_space<hbm>> -> memref<16384xf32, #tpu.memory_space<hbm>>
    %dma_start3A_98 = tpu.memref_slice %arg10[%add3A_97] : memref<524288xf32, #tpu.memory_space<hbm>> -> memref<16384xf32, #tpu.memory_space<hbm>>
    tpu.enqueue_dma source(%arg15 : memref<16384xf32, #tpu.memory_space<vmem>>) target(%dma_start3A_98 : memref<16384xf32, #tpu.memory_space<hbm>>) target_semaphore(%arg26 : memref<!tpu.dma_semaphore, #tpu.memory_space<semaphore_mem>>)
    %dma_start3A_99 = tpu.memref_slice %arg11[%add3A_97] : memref<524288xf32, #tpu.memory_space<hbm>> -> memref<16384xf32, #tpu.memory_space<hbm>>
    %dma_start3A_100 = tpu.memref_slice %arg11[%add3A_97] : memref<524288xf32, #tpu.memory_space<hbm>> -> memref<16384xf32, #tpu.memory_space<hbm>>
    tpu.enqueue_dma source(%arg16 : memref<16384xf32, #tpu.memory_space<vmem>>) target(%dma_start3A_100 : memref<16384xf32, #tpu.memory_space<hbm>>) target_semaphore(%arg26 : memref<!tpu.dma_semaphore, #tpu.memory_space<semaphore_mem>>)
    %dma_start3A_101 = tpu.memref_slice %arg12[%add3A_97] : memref<524288xf32, #tpu.memory_space<hbm>> -> memref<16384xf32, #tpu.memory_space<hbm>>
    %dma_start3A_102 = tpu.memref_slice %arg12[%add3A_97] : memref<524288xf32, #tpu.memory_space<hbm>> -> memref<16384xf32, #tpu.memory_space<hbm>>
    tpu.enqueue_dma source(%arg17 : memref<16384xf32, #tpu.memory_space<vmem>>) target(%dma_start3A_102 : memref<16384xf32, #tpu.memory_space<hbm>>) target_semaphore(%arg26 : memref<!tpu.dma_semaphore, #tpu.memory_space<semaphore_mem>>)
    %dma_start3A_103 = tpu.memref_slice %arg13[%add3A_97] : memref<524288xf32, #tpu.memory_space<hbm>> -> memref<16384xf32, #tpu.memory_space<hbm>>
    %dma_start3A_104 = tpu.memref_slice %arg13[%add3A_97] : memref<524288xf32, #tpu.memory_space<hbm>> -> memref<16384xf32, #tpu.memory_space<hbm>>
    tpu.enqueue_dma source(%arg18 : memref<16384xf32, #tpu.memory_space<vmem>>) target(%dma_start3A_104 : memref<16384xf32, #tpu.memory_space<hbm>>) target_semaphore(%arg26 : memref<!tpu.dma_semaphore, #tpu.memory_space<semaphore_mem>>)
    %dma_wait3A = tpu.memref_slice %arg10[%add3A_97] : memref<524288xf32, #tpu.memory_space<hbm>> -> memref<16384xf32, #tpu.memory_space<hbm>>
    %dma_wait3A_105 = tpu.memref_slice %arg10[%add3A_97] : memref<524288xf32, #tpu.memory_space<hbm>> -> memref<16384xf32, #tpu.memory_space<hbm>>
    tpu.wait_dma2 semaphore(%arg26 : memref<!tpu.dma_semaphore, #tpu.memory_space<semaphore_mem>>) src(%arg15 : memref<16384xf32, #tpu.memory_space<vmem>>) dst(%dma_wait3A_105 : memref<16384xf32, #tpu.memory_space<hbm>>)
    %dma_wait3A_106 = tpu.memref_slice %arg11[%add3A_97] : memref<524288xf32, #tpu.memory_space<hbm>> -> memref<16384xf32, #tpu.memory_space<hbm>>
    %dma_wait3A_107 = tpu.memref_slice %arg11[%add3A_97] : memref<524288xf32, #tpu.memory_space<hbm>> -> memref<16384xf32, #tpu.memory_space<hbm>>
    tpu.wait_dma2 semaphore(%arg26 : memref<!tpu.dma_semaphore, #tpu.memory_space<semaphore_mem>>) src(%arg16 : memref<16384xf32, #tpu.memory_space<vmem>>) dst(%dma_wait3A_107 : memref<16384xf32, #tpu.memory_space<hbm>>)
    %dma_wait3A_108 = tpu.memref_slice %arg12[%add3A_97] : memref<524288xf32, #tpu.memory_space<hbm>> -> memref<16384xf32, #tpu.memory_space<hbm>>
    %dma_wait3A_109 = tpu.memref_slice %arg12[%add3A_97] : memref<524288xf32, #tpu.memory_space<hbm>> -> memref<16384xf32, #tpu.memory_space<hbm>>
    tpu.wait_dma2 semaphore(%arg26 : memref<!tpu.dma_semaphore, #tpu.memory_space<semaphore_mem>>) src(%arg17 : memref<16384xf32, #tpu.memory_space<vmem>>) dst(%dma_wait3A_109 : memref<16384xf32, #tpu.memory_space<hbm>>)
    %dma_wait3A_110 = tpu.memref_slice %arg13[%add3A_97] : memref<524288xf32, #tpu.memory_space<hbm>> -> memref<16384xf32, #tpu.memory_space<hbm>>
    %dma_wait3A_111 = tpu.memref_slice %arg13[%add3A_97] : memref<524288xf32, #tpu.memory_space<hbm>> -> memref<16384xf32, #tpu.memory_space<hbm>>
    tpu.wait_dma2 semaphore(%arg26 : memref<!tpu.dma_semaphore, #tpu.memory_space<semaphore_mem>>) src(%arg18 : memref<16384xf32, #tpu.memory_space<vmem>>) dst(%dma_wait3A_111 : memref<16384xf32, #tpu.memory_space<hbm>>)
    return
  }
}

#map = affine_map<(d0, d1) -> (0)>
module attributes {stable_mosaic.version = 14 : i64} {
  func.func @_bin_body(%arg0: i32, %arg1: i32, %arg2: memref<262144xf32, #tpu.memory_space<hbm>>, %arg3: memref<262144xf32, #tpu.memory_space<hbm>>, %arg4: memref<262144xf32, #tpu.memory_space<hbm>>, %arg5: memref<262144xf32, #tpu.memory_space<hbm>>, %arg6: memref<262144xf32, #tpu.memory_space<hbm>>, %arg7: memref<262144xf32, #tpu.memory_space<hbm>>, %arg8: memref<524288xf32, #tpu.memory_space<hbm>>, %arg9: memref<512xi32, #tpu.memory_space<hbm>>, %arg10: memref<279040xi32, #tpu.memory_space<hbm>>, %arg11: memref<279040xf32, #tpu.memory_space<hbm>>, %arg12: memref<279040xf32, #tpu.memory_space<hbm>>, %arg13: memref<279040xf32, #tpu.memory_space<hbm>>, %arg14: memref<279040xf32, #tpu.memory_space<hbm>>, %arg15: memref<8192xi32, #tpu.memory_space<vmem>>, %arg16: memref<8192xf32, #tpu.memory_space<vmem>>, %arg17: memref<8192xf32, #tpu.memory_space<vmem>>, %arg18: memref<8192xf32, #tpu.memory_space<vmem>>, %arg19: memref<8192xf32, #tpu.memory_space<vmem>>, %arg20: memref<64x128xi32, #tpu.memory_space<vmem>>, %arg21: memref<8192xi32, #tpu.memory_space<vmem>>, %arg22: memref<16384xf32, #tpu.memory_space<vmem>>, %arg23: memref<256xi32, #tpu.memory_space<vmem>>, %arg24: memref<16xi32, #tpu.memory_space<vmem>>, %arg25: memref<16xi32, #tpu.memory_space<vmem>>, %arg26: memref<139520xi32, #tpu.memory_space<vmem_shared>>, %arg27: memref<139520xf32, #tpu.memory_space<vmem_shared>>, %arg28: memref<139520xf32, #tpu.memory_space<vmem_shared>>, %arg29: memref<139520xf32, #tpu.memory_space<vmem_shared>>, %arg30: memref<139520xf32, #tpu.memory_space<vmem_shared>>, %arg31: memref<256xi32, #tpu.memory_space<vmem_shared>>, %arg32: memref<!tpu.dma_semaphore, #tpu.memory_space<semaphore_mem>>) attributes {dimension_semantics = [#tpu.dimension_semantics<core_parallel>, #tpu.dimension_semantics<subcore_parallel>], iteration_bounds = array<i64: 2, 16>, scalar_prefetch = 0 : i64, scratch_operands = 18 : i64, tpu.core_type = #tpu.core_type<sc_vector_subcore>, window_params = [{transform_indices = #map}, {transform_indices = #map}, {transform_indices = #map}, {transform_indices = #map}, {transform_indices = #map}, {transform_indices = #map}, {transform_indices = #map}, {transform_indices = #map}, {transform_indices = #map}, {transform_indices = #map}, {transform_indices = #map}, {transform_indices = #map}, {transform_indices = #map}]} {
    %mul3A = arith.constant 2 : i32
    %mul3A_0 = arith.muli %arg1, %mul3A : i32
    %add3A = arith.addi %mul3A_0, %arg0 : i32
    %mul3A_1 = arith.constant 8192 : i32
    %mul3A_2 = arith.muli %add3A, %mul3A_1 : i32
    %mul3A_3 = arith.constant 16384 : i32
    %mul3A_4 = arith.muli %arg1, %mul3A_3 : i32
    %dma_start3A = tpu.memref_slice %arg2[%mul3A_2] : memref<262144xf32, #tpu.memory_space<hbm>> -> memref<8192xf32, #tpu.memory_space<hbm>>
    %dma_start3A_5 = tpu.memref_slice %arg2[%mul3A_2] : memref<262144xf32, #tpu.memory_space<hbm>> -> memref<8192xf32, #tpu.memory_space<hbm>>
    tpu.enqueue_dma source(%dma_start3A_5 : memref<8192xf32, #tpu.memory_space<hbm>>) target(%arg16 : memref<8192xf32, #tpu.memory_space<vmem>>) target_semaphore(%arg32 : memref<!tpu.dma_semaphore, #tpu.memory_space<semaphore_mem>>)
    %dma_start3A_6 = tpu.memref_slice %arg3[%mul3A_2] : memref<262144xf32, #tpu.memory_space<hbm>> -> memref<8192xf32, #tpu.memory_space<hbm>>
    %dma_start3A_7 = tpu.memref_slice %arg3[%mul3A_2] : memref<262144xf32, #tpu.memory_space<hbm>> -> memref<8192xf32, #tpu.memory_space<hbm>>
    tpu.enqueue_dma source(%dma_start3A_7 : memref<8192xf32, #tpu.memory_space<hbm>>) target(%arg17 : memref<8192xf32, #tpu.memory_space<vmem>>) target_semaphore(%arg32 : memref<!tpu.dma_semaphore, #tpu.memory_space<semaphore_mem>>)
    %dma_wait3A = tpu.memref_slice %arg2[%mul3A_2] : memref<262144xf32, #tpu.memory_space<hbm>> -> memref<8192xf32, #tpu.memory_space<hbm>>
    %dma_wait3A_8 = tpu.memref_slice %arg2[%mul3A_2] : memref<262144xf32, #tpu.memory_space<hbm>> -> memref<8192xf32, #tpu.memory_space<hbm>>
    tpu.wait_dma2 semaphore(%arg32 : memref<!tpu.dma_semaphore, #tpu.memory_space<semaphore_mem>>) src(%dma_wait3A_8 : memref<8192xf32, #tpu.memory_space<hbm>>) dst(%arg16 : memref<8192xf32, #tpu.memory_space<vmem>>)
    %dma_wait3A_9 = tpu.memref_slice %arg3[%mul3A_2] : memref<262144xf32, #tpu.memory_space<hbm>> -> memref<8192xf32, #tpu.memory_space<hbm>>
    %dma_wait3A_10 = tpu.memref_slice %arg3[%mul3A_2] : memref<262144xf32, #tpu.memory_space<hbm>> -> memref<8192xf32, #tpu.memory_space<hbm>>
    tpu.wait_dma2 semaphore(%arg32 : memref<!tpu.dma_semaphore, #tpu.memory_space<semaphore_mem>>) src(%dma_wait3A_10 : memref<8192xf32, #tpu.memory_space<hbm>>) dst(%arg17 : memref<8192xf32, #tpu.memory_space<vmem>>)
    %broadcast_in_dim3A = arith.constant 0 : i32
    %broadcast_in_dim3A_11 = vector.broadcast %broadcast_in_dim3A : i32 to vector<16xi32>
    %swap3A = arith.constant 0 : index
    %swap3A_12 = tpu.vector_load %arg24[%swap3A] {strides = array<i32>} : memref<16xi32, #tpu.memory_space<vmem>>, vector<16xi32>,
    tpu.vector_store %arg24[%swap3A], %broadcast_in_dim3A_11 {strides = array<i32>} : memref<16xi32, #tpu.memory_space<vmem>>, vector<16xi32>,
    %scan3A = arith.constant 0 : i32
    %scan3A_13 = arith.constant 512 : i32
    %scan3A_14 = arith.addi %scan3A, %scan3A_13 : i32
    %scan3A_15 = arith.constant 1 : i32
    scf.for %scan3A_174 = %scan3A to %scan3A_14 step %scan3A_15  : i32 {
      %mul3A_175 = arith.constant 1 : i32
      %mul3A_176 = arith.muli %scan3A_174, %mul3A_175 : i32
      %add3A_177 = arith.constant 0 : i32
      %add3A_178 = arith.addi %add3A_177, %mul3A_176 : i32
      %mul3A_179 = arith.constant 16 : i32
      %mul3A_180 = arith.muli %add3A_178, %mul3A_179 : i32
      %add3A_181 = arith.addi %mul3A_2, %mul3A_180 : i32
      %iota3A_182 = tpu.iota {dimensions = array<i32: 0>} : vector<16xi32>
      %add3A_183 = vector.broadcast %add3A_181 : i32 to vector<16xi32>
      %add3A_184 = arith.addi %add3A_183, %iota3A_182 : vector<16xi32>
      %and3A_185 = arith.constant 511 : i32
      %and3A_186 = vector.broadcast %and3A_185 : i32 to vector<16xi32>
      %and3A_187 = arith.andi %add3A_184, %and3A_186 : vector<16xi32>
      %shift_right_logical3A = arith.constant 9 : i32
      %shift_right_logical3A_188 = vector.broadcast %shift_right_logical3A : i32 to vector<16xi32>
      %shift_right_logical3A_189 = arith.shrui %add3A_184, %shift_right_logical3A_188 : vector<16xi32>
      %convert_element_type3A = arith.sitofp %and3A_187 : vector<16xi32> to vector<16xf32>
      %get3A = arith.index_cast %mul3A_180 : i32 to index
      %get3A_190 = tpu.vector_load %arg16[%get3A] {strides = array<i32>} : memref<8192xf32, #tpu.memory_space<vmem>>, vector<16xf32>,
      %add3A_191 = arith.addf %convert_element_type3A, %get3A_190 : vector<16xf32>
      %convert_element_type3A_192 = arith.sitofp %shift_right_logical3A_189 : vector<16xi32> to vector<16xf32>
      %get3A_193 = arith.index_cast %mul3A_180 : i32 to index
      %get3A_194 = tpu.vector_load %arg17[%get3A_193] {strides = array<i32>} : memref<8192xf32, #tpu.memory_space<vmem>>, vector<16xf32>,
      %add3A_195 = arith.addf %convert_element_type3A_192, %get3A_194 : vector<16xf32>
      %max3A = arith.constant 0.000000e+00 : f32
      %max3A_196 = vector.broadcast %max3A : f32 to vector<16xf32>
      %max3A_197 = arith.maximumf %add3A_191, %max3A_196 : vector<16xf32>
      %min3A = arith.constant 5.110000e+02 : f32
      %min3A_198 = vector.broadcast %min3A : f32 to vector<16xf32>
      %min3A_199 = arith.minimumf %max3A_197, %min3A_198 : vector<16xf32>
      %max3A_200 = arith.constant 0.000000e+00 : f32
      %max3A_201 = vector.broadcast %max3A_200 : f32 to vector<16xf32>
      %max3A_202 = arith.maximumf %add3A_195, %max3A_201 : vector<16xf32>
      %min3A_203 = arith.constant 5.110000e+02 : f32
      %min3A_204 = vector.broadcast %min3A_203 : f32 to vector<16xf32>
      %min3A_205 = arith.minimumf %max3A_202, %min3A_204 : vector<16xf32>
      %convert_element_type3A_206 = arith.fptosi %min3A_199 : vector<16xf32> to vector<16xi32>
      %convert_element_type3A_207 = arith.sitofp %convert_element_type3A_206 : vector<16xi32> to vector<16xf32>
      %sub3A_208 = arith.subf %min3A_199, %convert_element_type3A_207 : vector<16xf32>
      %broadcast_in_dim3A_209 = arith.constant 5.000000e-01 : f32
      %broadcast_in_dim3A_210 = vector.broadcast %broadcast_in_dim3A_209 : f32 to vector<16xf32>
      %gt3A = arith.cmpf ogt, %sub3A_208, %broadcast_in_dim3A_210 : vector<16xf32>
      %eq3A_211 = arith.cmpf oeq, %sub3A_208, %broadcast_in_dim3A_210 : vector<16xf32>
      %and3A_212 = arith.constant 1 : i32
      %and3A_213 = vector.broadcast %and3A_212 : i32 to vector<16xi32>
      %and3A_214 = arith.andi %convert_element_type3A_206, %and3A_213 : vector<16xi32>
      %eq3A_215 = arith.constant 1 : i32
      %eq3A_216 = vector.broadcast %eq3A_215 : i32 to vector<16xi32>
      %eq3A_217 = arith.cmpi eq, %and3A_214, %eq3A_216 : vector<16xi32>
      %and3A_218 = arith.andi %eq3A_211, %eq3A_217 : vector<16xi1>
      %or3A = arith.ori %gt3A, %and3A_218 : vector<16xi1>
      %add3A_219 = arith.constant 1 : i32
      %add3A_220 = vector.broadcast %add3A_219 : i32 to vector<16xi32>
      %add3A_221 = arith.addi %convert_element_type3A_206, %add3A_220 : vector<16xi32>
      %select_n3A_222 = arith.select %or3A, %add3A_221, %convert_element_type3A_206 : vector<16xi1>, vector<16xi32>
      %convert_element_type3A_223 = arith.fptosi %min3A_205 : vector<16xf32> to vector<16xi32>
      %convert_element_type3A_224 = arith.sitofp %convert_element_type3A_223 : vector<16xi32> to vector<16xf32>
      %sub3A_225 = arith.subf %min3A_205, %convert_element_type3A_224 : vector<16xf32>
      %broadcast_in_dim3A_226 = arith.constant 5.000000e-01 : f32
      %broadcast_in_dim3A_227 = vector.broadcast %broadcast_in_dim3A_226 : f32 to vector<16xf32>
      %gt3A_228 = arith.cmpf ogt, %sub3A_225, %broadcast_in_dim3A_227 : vector<16xf32>
      %eq3A_229 = arith.cmpf oeq, %sub3A_225, %broadcast_in_dim3A_227 : vector<16xf32>
      %and3A_230 = arith.constant 1 : i32
      %and3A_231 = vector.broadcast %and3A_230 : i32 to vector<16xi32>
      %and3A_232 = arith.andi %convert_element_type3A_223, %and3A_231 : vector<16xi32>
      %eq3A_233 = arith.constant 1 : i32
      %eq3A_234 = vector.broadcast %eq3A_233 : i32 to vector<16xi32>
      %eq3A_235 = arith.cmpi eq, %and3A_232, %eq3A_234 : vector<16xi32>
      %and3A_236 = arith.andi %eq3A_229, %eq3A_235 : vector<16xi1>
      %or3A_237 = arith.ori %gt3A_228, %and3A_236 : vector<16xi1>
      %add3A_238 = arith.constant 1 : i32
      %add3A_239 = vector.broadcast %add3A_238 : i32 to vector<16xi32>
      %add3A_240 = arith.addi %convert_element_type3A_223, %add3A_239 : vector<16xi32>
      %select_n3A_241 = arith.select %or3A_237, %add3A_240, %convert_element_type3A_223 : vector<16xi1>, vector<16xi32>
      %shift_left3A = arith.constant 9 : i32
      %shift_left3A_242 = vector.broadcast %shift_left3A : i32 to vector<16xi32>
      %shift_left3A_243 = arith.shli %select_n3A_241, %shift_left3A_242 : vector<16xi32>
      %or3A_244 = arith.ori %shift_left3A_243, %select_n3A_222 : vector<16xi32>
      %mul3A_245 = arith.constant 16 : i32
      %mul3A_246 = arith.muli %add3A_178, %mul3A_245 : i32
      %swap3A_247 = arith.index_cast %mul3A_246 : i32 to index
      %swap3A_248 = tpu.vector_load %arg15[%swap3A_247] {strides = array<i32>} : memref<8192xi32, #tpu.memory_space<vmem>>, vector<16xi32>,
      tpu.vector_store %arg15[%swap3A_247], %or3A_244 {strides = array<i32>} : memref<8192xi32, #tpu.memory_space<vmem>>, vector<16xi32>,
      %shift_right_logical3A_249 = arith.constant 14 : i32
      %shift_right_logical3A_250 = vector.broadcast %shift_right_logical3A_249 : i32 to vector<16xi32>
      %shift_right_logical3A_251 = arith.shrui %or3A_244, %shift_right_logical3A_250 : vector<16xi32>
      %broadcast_in_dim3A_252 = arith.constant true
      %broadcast_in_dim3A_253 = vector.broadcast %broadcast_in_dim3A_252 : i1 to vector<16xi1>
      %unique3A, %unique3A_254 = tpu.scan_count mask(%broadcast_in_dim3A_253 : vector<16xi1>) value(%shift_right_logical3A_251 : vector<16xi32>) : vector<16xi1>, vector<16xi32>
      %gather3A = tpu.vector_load_idx %arg24[%shift_right_logical3A_251] : memref<16xi32, #tpu.memory_space<vmem>>[vector<16xi32>], vector<16xi32>,
      %add3A_255 = arith.addi %gather3A, %unique3A_254 : vector<16xi32>
      tpu.vector_store_idx %arg24[%shift_right_logical3A_251], %add3A_255 masked %unique3A : memref<16xi32, #tpu.memory_space<vmem>>[vector<16xi32>], vector<16xi32>, vector<16xi1>
    }
    %scan3A_16 = arith.constant 512 : i32
    %mul3A_17 = arith.constant 16 : i32
    %mul3A_18 = arith.muli %arg1, %mul3A_17 : i32
    "tpu.region"() ({
      %run_scoped3A = tpu.sem_alloc : memref<!tpu.dma_semaphore, #tpu.memory_space<semaphore_mem>>
      %dma_start3A_174 = tpu.memref_slice %arg31[%mul3A_18] : memref<256xi32, #tpu.memory_space<vmem_shared>> -> memref<16xi32, #tpu.memory_space<vmem_shared>>
      %dma_start3A_175 = tpu.memref_slice %arg31[%mul3A_18] : memref<256xi32, #tpu.memory_space<vmem_shared>> -> memref<16xi32, #tpu.memory_space<vmem_shared>>
      tpu.enqueue_dma source(%arg24 : memref<16xi32, #tpu.memory_space<vmem>>) target(%dma_start3A_175 : memref<16xi32, #tpu.memory_space<vmem_shared>>) target_semaphore(%run_scoped3A : memref<!tpu.dma_semaphore, #tpu.memory_space<semaphore_mem>>)
      %dma_wait3A_176 = tpu.memref_slice %arg31[%mul3A_18] : memref<256xi32, #tpu.memory_space<vmem_shared>> -> memref<16xi32, #tpu.memory_space<vmem_shared>>
      %dma_wait3A_177 = tpu.memref_slice %arg31[%mul3A_18] : memref<256xi32, #tpu.memory_space<vmem_shared>> -> memref<16xi32, #tpu.memory_space<vmem_shared>>
      tpu.wait_dma2 semaphore(%run_scoped3A : memref<!tpu.dma_semaphore, #tpu.memory_space<semaphore_mem>>) src(%arg24 : memref<16xi32, #tpu.memory_space<vmem>>) dst(%dma_wait3A_177 : memref<16xi32, #tpu.memory_space<vmem_shared>>)
      tpu.yield
    }) : () -> ()
    %mul3A_19 = arith.constant 16 : i32
    %mul3A_20 = arith.muli %arg0, %mul3A_19 : i32
    %add3A_21 = arith.addi %mul3A_20, %arg1 : i32
    %mul3A_22 = arith.constant 16 : i32
    %mul3A_23 = arith.muli %add3A_21, %mul3A_22 : i32
    "tpu.region"() ({
      %run_scoped3A = tpu.sem_alloc : memref<!tpu.dma_semaphore, #tpu.memory_space<semaphore_mem>>
      %dma_start3A_174 = tpu.memref_slice %arg9[%mul3A_23] : memref<512xi32, #tpu.memory_space<hbm>> -> memref<16xi32, #tpu.memory_space<hbm>>
      %dma_start3A_175 = tpu.memref_slice %arg9[%mul3A_23] : memref<512xi32, #tpu.memory_space<hbm>> -> memref<16xi32, #tpu.memory_space<hbm>>
      tpu.enqueue_dma source(%arg24 : memref<16xi32, #tpu.memory_space<vmem>>) target(%dma_start3A_175 : memref<16xi32, #tpu.memory_space<hbm>>) target_semaphore(%run_scoped3A : memref<!tpu.dma_semaphore, #tpu.memory_space<semaphore_mem>>)
      %dma_wait3A_176 = tpu.memref_slice %arg9[%mul3A_23] : memref<512xi32, #tpu.memory_space<hbm>> -> memref<16xi32, #tpu.memory_space<hbm>>
      %dma_wait3A_177 = tpu.memref_slice %arg9[%mul3A_23] : memref<512xi32, #tpu.memory_space<hbm>> -> memref<16xi32, #tpu.memory_space<hbm>>
      tpu.wait_dma2 semaphore(%run_scoped3A : memref<!tpu.dma_semaphore, #tpu.memory_space<semaphore_mem>>) src(%arg24 : memref<16xi32, #tpu.memory_space<vmem>>) dst(%dma_wait3A_177 : memref<16xi32, #tpu.memory_space<hbm>>)
      tpu.yield
    }) : () -> ()
    %dma_start3A_24 = tpu.memref_slice %arg4[%mul3A_2] : memref<262144xf32, #tpu.memory_space<hbm>> -> memref<8192xf32, #tpu.memory_space<hbm>>
    %dma_start3A_25 = tpu.memref_slice %arg4[%mul3A_2] : memref<262144xf32, #tpu.memory_space<hbm>> -> memref<8192xf32, #tpu.memory_space<hbm>>
    tpu.enqueue_dma source(%dma_start3A_25 : memref<8192xf32, #tpu.memory_space<hbm>>) target(%arg18 : memref<8192xf32, #tpu.memory_space<vmem>>) target_semaphore(%arg32 : memref<!tpu.dma_semaphore, #tpu.memory_space<semaphore_mem>>)
    %dma_start3A_26 = tpu.memref_slice %arg5[%mul3A_2] : memref<262144xf32, #tpu.memory_space<hbm>> -> memref<8192xf32, #tpu.memory_space<hbm>>
    %dma_start3A_27 = tpu.memref_slice %arg5[%mul3A_2] : memref<262144xf32, #tpu.memory_space<hbm>> -> memref<8192xf32, #tpu.memory_space<hbm>>
    tpu.enqueue_dma source(%dma_start3A_27 : memref<8192xf32, #tpu.memory_space<hbm>>) target(%arg16 : memref<8192xf32, #tpu.memory_space<vmem>>) target_semaphore(%arg32 : memref<!tpu.dma_semaphore, #tpu.memory_space<semaphore_mem>>)
    %dma_start3A_28 = tpu.memref_slice %arg6[%mul3A_2] : memref<262144xf32, #tpu.memory_space<hbm>> -> memref<8192xf32, #tpu.memory_space<hbm>>
    %dma_start3A_29 = tpu.memref_slice %arg6[%mul3A_2] : memref<262144xf32, #tpu.memory_space<hbm>> -> memref<8192xf32, #tpu.memory_space<hbm>>
    tpu.enqueue_dma source(%dma_start3A_29 : memref<8192xf32, #tpu.memory_space<hbm>>) target(%arg17 : memref<8192xf32, #tpu.memory_space<vmem>>) target_semaphore(%arg32 : memref<!tpu.dma_semaphore, #tpu.memory_space<semaphore_mem>>)
    %dma_start3A_30 = tpu.memref_slice %arg7[%mul3A_2] : memref<262144xf32, #tpu.memory_space<hbm>> -> memref<8192xf32, #tpu.memory_space<hbm>>
    %dma_start3A_31 = tpu.memref_slice %arg7[%mul3A_2] : memref<262144xf32, #tpu.memory_space<hbm>> -> memref<8192xf32, #tpu.memory_space<hbm>>
    tpu.enqueue_dma source(%dma_start3A_31 : memref<8192xf32, #tpu.memory_space<hbm>>) target(%arg19 : memref<8192xf32, #tpu.memory_space<vmem>>) target_semaphore(%arg32 : memref<!tpu.dma_semaphore, #tpu.memory_space<semaphore_mem>>)
    %dma_wait3A_32 = tpu.memref_slice %arg4[%mul3A_2] : memref<262144xf32, #tpu.memory_space<hbm>> -> memref<8192xf32, #tpu.memory_space<hbm>>
    %dma_wait3A_33 = tpu.memref_slice %arg4[%mul3A_2] : memref<262144xf32, #tpu.memory_space<hbm>> -> memref<8192xf32, #tpu.memory_space<hbm>>
    tpu.wait_dma2 semaphore(%arg32 : memref<!tpu.dma_semaphore, #tpu.memory_space<semaphore_mem>>) src(%dma_wait3A_33 : memref<8192xf32, #tpu.memory_space<hbm>>) dst(%arg18 : memref<8192xf32, #tpu.memory_space<vmem>>)
    %dma_wait3A_34 = tpu.memref_slice %arg5[%mul3A_2] : memref<262144xf32, #tpu.memory_space<hbm>> -> memref<8192xf32, #tpu.memory_space<hbm>>
    %dma_wait3A_35 = tpu.memref_slice %arg5[%mul3A_2] : memref<262144xf32, #tpu.memory_space<hbm>> -> memref<8192xf32, #tpu.memory_space<hbm>>
    tpu.wait_dma2 semaphore(%arg32 : memref<!tpu.dma_semaphore, #tpu.memory_space<semaphore_mem>>) src(%dma_wait3A_35 : memref<8192xf32, #tpu.memory_space<hbm>>) dst(%arg16 : memref<8192xf32, #tpu.memory_space<vmem>>)
    %dma_wait3A_36 = tpu.memref_slice %arg6[%mul3A_2] : memref<262144xf32, #tpu.memory_space<hbm>> -> memref<8192xf32, #tpu.memory_space<hbm>>
    %dma_wait3A_37 = tpu.memref_slice %arg6[%mul3A_2] : memref<262144xf32, #tpu.memory_space<hbm>> -> memref<8192xf32, #tpu.memory_space<hbm>>
    tpu.wait_dma2 semaphore(%arg32 : memref<!tpu.dma_semaphore, #tpu.memory_space<semaphore_mem>>) src(%dma_wait3A_37 : memref<8192xf32, #tpu.memory_space<hbm>>) dst(%arg17 : memref<8192xf32, #tpu.memory_space<vmem>>)
    %dma_wait3A_38 = tpu.memref_slice %arg7[%mul3A_2] : memref<262144xf32, #tpu.memory_space<hbm>> -> memref<8192xf32, #tpu.memory_space<hbm>>
    %dma_wait3A_39 = tpu.memref_slice %arg7[%mul3A_2] : memref<262144xf32, #tpu.memory_space<hbm>> -> memref<8192xf32, #tpu.memory_space<hbm>>
    tpu.wait_dma2 semaphore(%arg32 : memref<!tpu.dma_semaphore, #tpu.memory_space<semaphore_mem>>) src(%dma_wait3A_39 : memref<8192xf32, #tpu.memory_space<hbm>>) dst(%arg19 : memref<8192xf32, #tpu.memory_space<vmem>>)
    %barrier3A = arith.constant 0 : index
    tpu.barrier barrier_id(%barrier3A)
    "tpu.region"() ({
      %run_scoped3A = tpu.sem_alloc : memref<!tpu.dma_semaphore, #tpu.memory_space<semaphore_mem>>
      tpu.enqueue_dma source(%arg31 : memref<256xi32, #tpu.memory_space<vmem_shared>>) target(%arg23 : memref<256xi32, #tpu.memory_space<vmem>>) target_semaphore(%run_scoped3A : memref<!tpu.dma_semaphore, #tpu.memory_space<semaphore_mem>>)
      tpu.wait_dma2 semaphore(%run_scoped3A : memref<!tpu.dma_semaphore, #tpu.memory_space<semaphore_mem>>) src(%arg31 : memref<256xi32, #tpu.memory_space<vmem_shared>>) dst(%arg23 : memref<256xi32, #tpu.memory_space<vmem>>)
      tpu.yield
    }) : () -> ()
    %broadcast_in_dim3A_40 = arith.constant 0 : i32
    %broadcast_in_dim3A_41 = vector.broadcast %broadcast_in_dim3A_40 : i32 to vector<16xi32>
    %scan3A_42 = arith.constant 0 : i32
    %scan3A_43 = arith.constant 16 : i32
    %scan3A_44 = arith.addi %scan3A_42, %scan3A_43 : i32
    %scan3A_45 = arith.constant 1 : i32
    %scan3A_46:2 = scf.for %scan3A_174 = %scan3A_42 to %scan3A_44 step %scan3A_45 iter_args(%scan3A_175 = %broadcast_in_dim3A_41, %scan3A_176 = %broadcast_in_dim3A_41) -> (vector<16xi32>, vector<16xi32>)  : i32 {
      %mul3A_177 = arith.constant 16 : i32
      %mul3A_178 = arith.muli %scan3A_174, %mul3A_177 : i32
      %get3A = arith.index_cast %mul3A_178 : i32 to index
      %get3A_179 = tpu.vector_load %arg23[%get3A] {strides = array<i32>} : memref<256xi32, #tpu.memory_space<vmem>>, vector<16xi32>,
      %lt3A = arith.cmpi slt, %scan3A_174, %arg1 : i32
      %jit3A_180 = arith.constant 1 : i32
      %jit3A_181 = arith.constant 0 : i32
      %select_n3A_182 = arith.select %lt3A, %jit3A_180, %jit3A_181 : i32
      %broadcast_in_dim3A_183 = vector.broadcast %select_n3A_182 : i32 to vector<16xi32>
      %add3A_184 = arith.addi %scan3A_175, %get3A_179 : vector<16xi32>
      %mul3A_185 = arith.muli %get3A_179, %broadcast_in_dim3A_183 : vector<16xi32>
      %add3A_186 = arith.addi %scan3A_176, %mul3A_185 : vector<16xi32>
      scf.yield %add3A_184, %add3A_186 : vector<16xi32>, vector<16xi32>
    }
    %scan3A_47 = arith.constant 16 : i32
    %add3A_48 = arith.constant 15 : i32
    %add3A_49 = vector.broadcast %add3A_48 : i32 to vector<16xi32>
    %add3A_50 = arith.addi %scan3A_46#0, %add3A_49 : vector<16xi32>
    %and3A = arith.constant -16 : i32
    %and3A_51 = vector.broadcast %and3A : i32 to vector<16xi32>
    %and3A_52 = arith.andi %add3A_50, %and3A_51 : vector<16xi32>
    %broadcast_in_dim3A_53 = arith.constant true
    %broadcast_in_dim3A_54 = vector.broadcast %broadcast_in_dim3A_53 : i1 to vector<16xi1>
    %masked_cumsum3A = tpu.scan <sum>, %and3A_52 masked %broadcast_in_dim3A_54 : vector<16xi32>, vector<16xi1> -> vector<16xi32>
    %sub3A = arith.subi %masked_cumsum3A, %and3A_52 : vector<16xi32>
    %iota3A = tpu.iota {dimensions = array<i32: 0>} : vector<16xi32>
    %broadcast_in_dim3A_55 = vector.broadcast %arg1 : i32 to vector<16xi32>
    %eq3A = arith.cmpi eq, %iota3A, %broadcast_in_dim3A_55 : vector<16xi32>
    %broadcast_in_dim3A_56 = arith.constant 1 : i32
    %broadcast_in_dim3A_57 = vector.broadcast %broadcast_in_dim3A_56 : i32 to vector<16xi32>
    %broadcast_in_dim3A_58 = arith.constant 0 : i32
    %broadcast_in_dim3A_59 = vector.broadcast %broadcast_in_dim3A_58 : i32 to vector<16xi32>
    %select_n3A = arith.select %eq3A, %broadcast_in_dim3A_57, %broadcast_in_dim3A_59 : vector<16xi1>, vector<16xi32>
    %mul3A_60 = arith.muli %sub3A, %select_n3A : vector<16xi32>
    %reduce_sum3A = arith.constant true
    %reduce_sum3A_61 = vector.broadcast %reduce_sum3A : i1 to vector<16xi1>
    %reduce_sum3A_62 = tpu.scan <sum>, %mul3A_60 masked %reduce_sum3A_61 : vector<16xi32>, vector<16xi1> -> vector<16xi32>
    %reduce_sum3A_63 = vector.extract %reduce_sum3A_62[15] : i32 from vector<16xi32>
    %multiple_of3A = tpu.assume_multiple %reduce_sum3A_63, 16 : i32
    %iota3A_64 = tpu.iota {dimensions = array<i32: 0>} : vector<16xi32>
    %broadcast_in_dim3A_65 = vector.broadcast %arg1 : i32 to vector<16xi32>
    %eq3A_66 = arith.cmpi eq, %iota3A_64, %broadcast_in_dim3A_65 : vector<16xi32>
    %broadcast_in_dim3A_67 = arith.constant 1 : i32
    %broadcast_in_dim3A_68 = vector.broadcast %broadcast_in_dim3A_67 : i32 to vector<16xi32>
    %broadcast_in_dim3A_69 = arith.constant 0 : i32
    %broadcast_in_dim3A_70 = vector.broadcast %broadcast_in_dim3A_69 : i32 to vector<16xi32>
    %select_n3A_71 = arith.select %eq3A_66, %broadcast_in_dim3A_68, %broadcast_in_dim3A_70 : vector<16xi1>, vector<16xi32>
    %mul3A_72 = arith.muli %and3A_52, %select_n3A_71 : vector<16xi32>
    %reduce_sum3A_73 = arith.constant true
    %reduce_sum3A_74 = vector.broadcast %reduce_sum3A_73 : i1 to vector<16xi1>
    %reduce_sum3A_75 = tpu.scan <sum>, %mul3A_72 masked %reduce_sum3A_74 : vector<16xi32>, vector<16xi1> -> vector<16xi32>
    %reduce_sum3A_76 = vector.extract %reduce_sum3A_75[15] : i32 from vector<16xi32>
    %multiple_of3A_77 = tpu.assume_multiple %reduce_sum3A_76, 16 : i32
    %iota3A_78 = tpu.iota {dimensions = array<i32: 0>} : vector<16xi32>
    %broadcast_in_dim3A_79 = vector.broadcast %arg1 : i32 to vector<16xi32>
    %eq3A_80 = arith.cmpi eq, %iota3A_78, %broadcast_in_dim3A_79 : vector<16xi32>
    %broadcast_in_dim3A_81 = arith.constant 1 : i32
    %broadcast_in_dim3A_82 = vector.broadcast %broadcast_in_dim3A_81 : i32 to vector<16xi32>
    %broadcast_in_dim3A_83 = arith.constant 0 : i32
    %broadcast_in_dim3A_84 = vector.broadcast %broadcast_in_dim3A_83 : i32 to vector<16xi32>
    %select_n3A_85 = arith.select %eq3A_80, %broadcast_in_dim3A_82, %broadcast_in_dim3A_84 : vector<16xi1>, vector<16xi32>
    %mul3A_86 = arith.muli %scan3A_46#0, %select_n3A_85 : vector<16xi32>
    %reduce_sum3A_87 = arith.constant true
    %reduce_sum3A_88 = vector.broadcast %reduce_sum3A_87 : i1 to vector<16xi1>
    %reduce_sum3A_89 = tpu.scan <sum>, %mul3A_86 masked %reduce_sum3A_88 : vector<16xi32>, vector<16xi1> -> vector<16xi32>
    %reduce_sum3A_90 = vector.extract %reduce_sum3A_89[15] : i32 from vector<16xi32>
    %add3A_91 = arith.addi %multiple_of3A, %reduce_sum3A_90 : i32
    %broadcast_in_dim3A_92 = arith.constant -1 : i32
    %broadcast_in_dim3A_93 = vector.broadcast %broadcast_in_dim3A_92 : i32 to vector<16xi32>
    %swap3A_94 = arith.constant 0 : index
    %swap3A_95 = tpu.vector_load %arg25[%swap3A_94] {strides = array<i32>} : memref<16xi32, #tpu.memory_space<vmem>>, vector<16xi32>,
    tpu.vector_store %arg25[%swap3A_94], %broadcast_in_dim3A_93 {strides = array<i32>} : memref<16xi32, #tpu.memory_space<vmem>>, vector<16xi32>,
    %iota3A_96 = tpu.iota {dimensions = array<i32: 0>} : vector<16xi32>
    %add3A_97 = vector.broadcast %add3A_91 : i32 to vector<16xi32>
    %add3A_98 = arith.addi %add3A_97, %iota3A_96 : vector<16xi32>
    %dma_start3A_99 = arith.constant 0 : i32
    %dma_start3A_100 = tpu.memref_slice %arg26[%dma_start3A_99] : memref<139520xi32, #tpu.memory_space<vmem_shared>> -> memref<139520xi32, #tpu.memory_space<vmem_shared>>
    tpu.enqueue_indirect_dma source(%arg25 : memref<16xi32, #tpu.memory_space<vmem>>) target(%dma_start3A_100 : memref<139520xi32, #tpu.memory_space<vmem_shared>>) offsets(%add3A_98 : vector<16xi32>) semaphore(%arg32 : memref<!tpu.dma_semaphore, #tpu.memory_space<semaphore_mem>>)
    %dma_wait3A_101 = arith.constant 0 : i32
    %dma_wait3A_102 = tpu.memref_slice %arg26[%dma_wait3A_101] : memref<139520xi32, #tpu.memory_space<vmem_shared>> -> memref<139520xi32, #tpu.memory_space<vmem_shared>>
    tpu.wait_indirect_dma semaphore(%arg32 : memref<!tpu.dma_semaphore, #tpu.memory_space<semaphore_mem>>) src(%arg25 : memref<16xi32, #tpu.memory_space<vmem>>) dst(%dma_wait3A_102 : memref<139520xi32, #tpu.memory_space<vmem_shared>>)
    %barrier3A_103 = arith.constant 0 : index
    tpu.barrier barrier_id(%barrier3A_103)
    %add3A_104 = arith.addi %sub3A, %scan3A_46#1 : vector<16xi32>
    %swap3A_105 = arith.constant 0 : index
    %swap3A_106 = tpu.vector_load %arg24[%swap3A_105] {strides = array<i32>} : memref<16xi32, #tpu.memory_space<vmem>>, vector<16xi32>,
    tpu.vector_store %arg24[%swap3A_105], %add3A_104 {strides = array<i32>} : memref<16xi32, #tpu.memory_space<vmem>>, vector<16xi32>,
    %scan3A_107 = arith.constant 0 : i32
    %scan3A_108 = arith.constant 512 : i32
    %scan3A_109 = arith.addi %scan3A_107, %scan3A_108 : i32
    %scan3A_110 = arith.constant 1 : i32
    scf.for %scan3A_174 = %scan3A_107 to %scan3A_109 step %scan3A_110  : i32 {
      %mul3A_175 = arith.constant 1 : i32
      %mul3A_176 = arith.muli %scan3A_174, %mul3A_175 : i32
      %add3A_177 = arith.constant 0 : i32
      %add3A_178 = arith.addi %add3A_177, %mul3A_176 : i32
      %mul3A_179 = arith.constant 16 : i32
      %mul3A_180 = arith.muli %add3A_178, %mul3A_179 : i32
      %get3A = arith.index_cast %mul3A_180 : i32 to index
      %get3A_181 = tpu.vector_load %arg15[%get3A] {strides = array<i32>} : memref<8192xi32, #tpu.memory_space<vmem>>, vector<16xi32>,
      %shift_right_logical3A = arith.constant 14 : i32
      %shift_right_logical3A_182 = vector.broadcast %shift_right_logical3A : i32 to vector<16xi32>
      %shift_right_logical3A_183 = arith.shrui %get3A_181, %shift_right_logical3A_182 : vector<16xi32>
      %broadcast_in_dim3A_184 = arith.constant true
      %broadcast_in_dim3A_185 = vector.broadcast %broadcast_in_dim3A_184 : i1 to vector<16xi1>
      %unique3A, %unique3A_186 = tpu.scan_count mask(%broadcast_in_dim3A_185 : vector<16xi1>) value(%shift_right_logical3A_183 : vector<16xi32>) : vector<16xi1>, vector<16xi32>
      %gather3A = tpu.vector_load_idx %arg24[%shift_right_logical3A_183] : memref<16xi32, #tpu.memory_space<vmem>>[vector<16xi32>], vector<16xi32>,
      %add3A_187 = arith.addi %gather3A, %unique3A_186 : vector<16xi32>
      %sub3A_188 = arith.constant 1 : i32
      %sub3A_189 = vector.broadcast %sub3A_188 : i32 to vector<16xi32>
      %sub3A_190 = arith.subi %add3A_187, %sub3A_189 : vector<16xi32>
      %jit3A_191 = arith.constant 8 : i32
      %div3A_192 = arith.divsi %add3A_178, %jit3A_191 : i32
      %sign3A_193 = arith.constant 0 : i32
      %sign3A_194 = arith.cmpi sgt, %add3A_178, %sign3A_193 : i32
      %sign3A_195 = arith.extui %sign3A_194 : i1 to i32
      %sign3A_196 = arith.constant 0 : i32
      %sign3A_197 = arith.cmpi slt, %add3A_178, %sign3A_196 : i32
      %sign3A_198 = arith.extui %sign3A_197 : i1 to i32
      %sign3A_199 = arith.subi %sign3A_195, %sign3A_198 : i32
      %sign3A_200 = arith.constant 0 : i32
      %sign3A_201 = arith.cmpi sgt, %jit3A_191, %sign3A_200 : i32
      %sign3A_202 = arith.extui %sign3A_201 : i1 to i32
      %sign3A_203 = arith.constant 0 : i32
      %sign3A_204 = arith.cmpi slt, %jit3A_191, %sign3A_203 : i32
      %sign3A_205 = arith.extui %sign3A_204 : i1 to i32
      %sign3A_206 = arith.subi %sign3A_202, %sign3A_205 : i32
      %ne3A_207 = arith.cmpi ne, %sign3A_199, %sign3A_206 : i32
      %rem3A_208 = arith.remsi %add3A_178, %jit3A_191 : i32
      %ne3A_209 = arith.constant 0 : i32
      %ne3A_210 = arith.cmpi ne, %rem3A_208, %ne3A_209 : i32
      %and3A_211 = arith.andi %ne3A_207, %ne3A_210 : i1
      %sub3A_212 = arith.constant 1 : i32
      %sub3A_213 = arith.subi %div3A_192, %sub3A_212 : i32
      %select_n3A_214 = arith.select %and3A_211, %sub3A_213, %div3A_192 : i32
      %jit3A_215 = arith.constant 8 : i32
      %eq3A_216 = arith.constant 0 : i32
      %eq3A_217 = arith.cmpi eq, %jit3A_215, %eq3A_216 : i32
      %jit3A_218 = arith.constant 1 : i32
      %select_n3A_219 = arith.select %eq3A_217, %jit3A_218, %jit3A_215 : i32
      %rem3A_220 = arith.remsi %add3A_178, %select_n3A_219 : i32
      %ne3A_221 = arith.constant 0 : i32
      %ne3A_222 = arith.cmpi ne, %rem3A_220, %ne3A_221 : i32
      %lt3A = arith.constant 0 : i32
      %lt3A_223 = arith.cmpi slt, %rem3A_220, %lt3A : i32
      %lt3A_224 = arith.constant 0 : i32
      %lt3A_225 = arith.cmpi slt, %select_n3A_219, %lt3A_224 : i32
      %ne3A_226 = arith.xori %lt3A_223, %lt3A_225 : i1
      %and3A_227 = arith.andi %ne3A_226, %ne3A_222 : i1
      %add3A_228 = arith.addi %rem3A_220, %select_n3A_219 : i32
      %select_n3A_229 = arith.select %and3A_227, %add3A_228, %rem3A_220 : i32
      %mul3A_230 = arith.constant 16 : i32
      %mul3A_231 = arith.muli %select_n3A_229, %mul3A_230 : i32
      %swap3A_232 = arith.index_cast %select_n3A_214 : i32 to index
      %swap3A_233 = arith.index_cast %mul3A_231 : i32 to index
      %swap3A_234 = tpu.vector_load %arg20[%swap3A_232, %swap3A_233] {strides = array<i32>} : memref<64x128xi32, #tpu.memory_space<vmem>>, vector<16xi32>,
      tpu.vector_store %arg20[%swap3A_232, %swap3A_233], %sub3A_190 {strides = array<i32>} : memref<64x128xi32, #tpu.memory_space<vmem>>, vector<16xi32>,
      %add3A_235 = arith.addi %gather3A, %unique3A_186 : vector<16xi32>
      tpu.vector_store_idx %arg24[%shift_right_logical3A_183], %add3A_235 masked %unique3A : memref<16xi32, #tpu.memory_space<vmem>>[vector<16xi32>], vector<16xi32>, vector<16xi1>
    }
    %scan3A_111 = arith.constant 512 : i32
    %scan3A_112 = arith.constant 0 : i32
    %scan3A_113 = arith.constant 64 : i32
    %scan3A_114 = arith.addi %scan3A_112, %scan3A_113 : i32
    %scan3A_115 = arith.constant 1 : i32
    scf.for %scan3A_174 = %scan3A_112 to %scan3A_114 step %scan3A_115  : i32 {
      %mul3A_175 = arith.constant 1 : i32
      %mul3A_176 = arith.muli %scan3A_174, %mul3A_175 : i32
      %add3A_177 = arith.constant 0 : i32
      %add3A_178 = arith.addi %add3A_177, %mul3A_176 : i32
      %mul3A_179 = arith.constant 128 : i32
      %mul3A_180 = arith.muli %add3A_178, %mul3A_179 : i32
      %dma_start3A_181 = tpu.memref_slice %arg15[%mul3A_180] : memref<8192xi32, #tpu.memory_space<vmem>> -> memref<128xi32, #tpu.memory_space<vmem>>
      %dma_start3A_182 = arith.constant 0 : i32
      %dma_start3A_183 = tpu.memref_slice %arg20[%add3A_178, %dma_start3A_182] : memref<64x128xi32, #tpu.memory_space<vmem>> -> memref<1x128xi32, #tpu.memory_space<vmem>>
      %dma_start3A_184 = tpu.memref_squeeze %dma_start3A_183 : memref<1x128xi32, #tpu.memory_space<vmem>> -> memref<128xi32, #tpu.memory_space<vmem>>
      %dma_start3A_185 = arith.constant 0 : i32
      %dma_start3A_186 = tpu.memref_slice %arg26[%dma_start3A_185] : memref<139520xi32, #tpu.memory_space<vmem_shared>> -> memref<139520xi32, #tpu.memory_space<vmem_shared>>
      tpu.enqueue_indirect_dma source(%dma_start3A_181 : memref<128xi32, #tpu.memory_space<vmem>>) target(%dma_start3A_186 : memref<139520xi32, #tpu.memory_space<vmem_shared>>) offsets(%dma_start3A_184 : memref<128xi32, #tpu.memory_space<vmem>>) semaphore(%arg32 : memref<!tpu.dma_semaphore, #tpu.memory_space<semaphore_mem>>)
      %dma_start3A_187 = tpu.memref_slice %arg18[%mul3A_180] : memref<8192xf32, #tpu.memory_space<vmem>> -> memref<128xf32, #tpu.memory_space<vmem>>
      %dma_start3A_188 = arith.constant 0 : i32
      %dma_start3A_189 = tpu.memref_slice %arg20[%add3A_178, %dma_start3A_188] : memref<64x128xi32, #tpu.memory_space<vmem>> -> memref<1x128xi32, #tpu.memory_space<vmem>>
      %dma_start3A_190 = tpu.memref_squeeze %dma_start3A_189 : memref<1x128xi32, #tpu.memory_space<vmem>> -> memref<128xi32, #tpu.memory_space<vmem>>
      %dma_start3A_191 = arith.constant 0 : i32
      %dma_start3A_192 = tpu.memref_slice %arg27[%dma_start3A_191] : memref<139520xf32, #tpu.memory_space<vmem_shared>> -> memref<139520xf32, #tpu.memory_space<vmem_shared>>
      tpu.enqueue_indirect_dma source(%dma_start3A_187 : memref<128xf32, #tpu.memory_space<vmem>>) target(%dma_start3A_192 : memref<139520xf32, #tpu.memory_space<vmem_shared>>) offsets(%dma_start3A_190 : memref<128xi32, #tpu.memory_space<vmem>>) semaphore(%arg32 : memref<!tpu.dma_semaphore, #tpu.memory_space<semaphore_mem>>)
      %dma_start3A_193 = tpu.memref_slice %arg16[%mul3A_180] : memref<8192xf32, #tpu.memory_space<vmem>> -> memref<128xf32, #tpu.memory_space<vmem>>
      %dma_start3A_194 = arith.constant 0 : i32
      %dma_start3A_195 = tpu.memref_slice %arg20[%add3A_178, %dma_start3A_194] : memref<64x128xi32, #tpu.memory_space<vmem>> -> memref<1x128xi32, #tpu.memory_space<vmem>>
      %dma_start3A_196 = tpu.memref_squeeze %dma_start3A_195 : memref<1x128xi32, #tpu.memory_space<vmem>> -> memref<128xi32, #tpu.memory_space<vmem>>
      %dma_start3A_197 = arith.constant 0 : i32
      %dma_start3A_198 = tpu.memref_slice %arg28[%dma_start3A_197] : memref<139520xf32, #tpu.memory_space<vmem_shared>> -> memref<139520xf32, #tpu.memory_space<vmem_shared>>
      tpu.enqueue_indirect_dma source(%dma_start3A_193 : memref<128xf32, #tpu.memory_space<vmem>>) target(%dma_start3A_198 : memref<139520xf32, #tpu.memory_space<vmem_shared>>) offsets(%dma_start3A_196 : memref<128xi32, #tpu.memory_space<vmem>>) semaphore(%arg32 : memref<!tpu.dma_semaphore, #tpu.memory_space<semaphore_mem>>)
      %dma_start3A_199 = tpu.memref_slice %arg17[%mul3A_180] : memref<8192xf32, #tpu.memory_space<vmem>> -> memref<128xf32, #tpu.memory_space<vmem>>
      %dma_start3A_200 = arith.constant 0 : i32
      %dma_start3A_201 = tpu.memref_slice %arg20[%add3A_178, %dma_start3A_200] : memref<64x128xi32, #tpu.memory_space<vmem>> -> memref<1x128xi32, #tpu.memory_space<vmem>>
      %dma_start3A_202 = tpu.memref_squeeze %dma_start3A_201 : memref<1x128xi32, #tpu.memory_space<vmem>> -> memref<128xi32, #tpu.memory_space<vmem>>
      %dma_start3A_203 = arith.constant 0 : i32
      %dma_start3A_204 = tpu.memref_slice %arg29[%dma_start3A_203] : memref<139520xf32, #tpu.memory_space<vmem_shared>> -> memref<139520xf32, #tpu.memory_space<vmem_shared>>
      tpu.enqueue_indirect_dma source(%dma_start3A_199 : memref<128xf32, #tpu.memory_space<vmem>>) target(%dma_start3A_204 : memref<139520xf32, #tpu.memory_space<vmem_shared>>) offsets(%dma_start3A_202 : memref<128xi32, #tpu.memory_space<vmem>>) semaphore(%arg32 : memref<!tpu.dma_semaphore, #tpu.memory_space<semaphore_mem>>)
      %dma_start3A_205 = tpu.memref_slice %arg19[%mul3A_180] : memref<8192xf32, #tpu.memory_space<vmem>> -> memref<128xf32, #tpu.memory_space<vmem>>
      %dma_start3A_206 = arith.constant 0 : i32
      %dma_start3A_207 = tpu.memref_slice %arg20[%add3A_178, %dma_start3A_206] : memref<64x128xi32, #tpu.memory_space<vmem>> -> memref<1x128xi32, #tpu.memory_space<vmem>>
      %dma_start3A_208 = tpu.memref_squeeze %dma_start3A_207 : memref<1x128xi32, #tpu.memory_space<vmem>> -> memref<128xi32, #tpu.memory_space<vmem>>
      %dma_start3A_209 = arith.constant 0 : i32
      %dma_start3A_210 = tpu.memref_slice %arg30[%dma_start3A_209] : memref<139520xf32, #tpu.memory_space<vmem_shared>> -> memref<139520xf32, #tpu.memory_space<vmem_shared>>
      tpu.enqueue_indirect_dma source(%dma_start3A_205 : memref<128xf32, #tpu.memory_space<vmem>>) target(%dma_start3A_210 : memref<139520xf32, #tpu.memory_space<vmem_shared>>) offsets(%dma_start3A_208 : memref<128xi32, #tpu.memory_space<vmem>>) semaphore(%arg32 : memref<!tpu.dma_semaphore, #tpu.memory_space<semaphore_mem>>)
      %dma_wait3A_211 = tpu.memref_slice %arg15[%mul3A_180] : memref<8192xi32, #tpu.memory_space<vmem>> -> memref<128xi32, #tpu.memory_space<vmem>>
      %dma_wait3A_212 = arith.constant 0 : i32
      %dma_wait3A_213 = tpu.memref_slice %arg20[%add3A_178, %dma_wait3A_212] : memref<64x128xi32, #tpu.memory_space<vmem>> -> memref<1x128xi32, #tpu.memory_space<vmem>>
      %dma_wait3A_214 = tpu.memref_squeeze %dma_wait3A_213 : memref<1x128xi32, #tpu.memory_space<vmem>> -> memref<128xi32, #tpu.memory_space<vmem>>
      %dma_wait3A_215 = arith.constant 0 : i32
      %dma_wait3A_216 = tpu.memref_slice %arg26[%dma_wait3A_215] : memref<139520xi32, #tpu.memory_space<vmem_shared>> -> memref<139520xi32, #tpu.memory_space<vmem_shared>>
      tpu.wait_indirect_dma semaphore(%arg32 : memref<!tpu.dma_semaphore, #tpu.memory_space<semaphore_mem>>) src(%dma_wait3A_211 : memref<128xi32, #tpu.memory_space<vmem>>) dst(%dma_wait3A_216 : memref<139520xi32, #tpu.memory_space<vmem_shared>>)
      %dma_wait3A_217 = tpu.memref_slice %arg18[%mul3A_180] : memref<8192xf32, #tpu.memory_space<vmem>> -> memref<128xf32, #tpu.memory_space<vmem>>
      %dma_wait3A_218 = arith.constant 0 : i32
      %dma_wait3A_219 = tpu.memref_slice %arg20[%add3A_178, %dma_wait3A_218] : memref<64x128xi32, #tpu.memory_space<vmem>> -> memref<1x128xi32, #tpu.memory_space<vmem>>
      %dma_wait3A_220 = tpu.memref_squeeze %dma_wait3A_219 : memref<1x128xi32, #tpu.memory_space<vmem>> -> memref<128xi32, #tpu.memory_space<vmem>>
      %dma_wait3A_221 = arith.constant 0 : i32
      %dma_wait3A_222 = tpu.memref_slice %arg27[%dma_wait3A_221] : memref<139520xf32, #tpu.memory_space<vmem_shared>> -> memref<139520xf32, #tpu.memory_space<vmem_shared>>
      tpu.wait_indirect_dma semaphore(%arg32 : memref<!tpu.dma_semaphore, #tpu.memory_space<semaphore_mem>>) src(%dma_wait3A_217 : memref<128xf32, #tpu.memory_space<vmem>>) dst(%dma_wait3A_222 : memref<139520xf32, #tpu.memory_space<vmem_shared>>)
      %dma_wait3A_223 = tpu.memref_slice %arg16[%mul3A_180] : memref<8192xf32, #tpu.memory_space<vmem>> -> memref<128xf32, #tpu.memory_space<vmem>>
      %dma_wait3A_224 = arith.constant 0 : i32
      %dma_wait3A_225 = tpu.memref_slice %arg20[%add3A_178, %dma_wait3A_224] : memref<64x128xi32, #tpu.memory_space<vmem>> -> memref<1x128xi32, #tpu.memory_space<vmem>>
      %dma_wait3A_226 = tpu.memref_squeeze %dma_wait3A_225 : memref<1x128xi32, #tpu.memory_space<vmem>> -> memref<128xi32, #tpu.memory_space<vmem>>
      %dma_wait3A_227 = arith.constant 0 : i32
      %dma_wait3A_228 = tpu.memref_slice %arg28[%dma_wait3A_227] : memref<139520xf32, #tpu.memory_space<vmem_shared>> -> memref<139520xf32, #tpu.memory_space<vmem_shared>>
      tpu.wait_indirect_dma semaphore(%arg32 : memref<!tpu.dma_semaphore, #tpu.memory_space<semaphore_mem>>) src(%dma_wait3A_223 : memref<128xf32, #tpu.memory_space<vmem>>) dst(%dma_wait3A_228 : memref<139520xf32, #tpu.memory_space<vmem_shared>>)
      %dma_wait3A_229 = tpu.memref_slice %arg17[%mul3A_180] : memref<8192xf32, #tpu.memory_space<vmem>> -> memref<128xf32, #tpu.memory_space<vmem>>
      %dma_wait3A_230 = arith.constant 0 : i32
      %dma_wait3A_231 = tpu.memref_slice %arg20[%add3A_178, %dma_wait3A_230] : memref<64x128xi32, #tpu.memory_space<vmem>> -> memref<1x128xi32, #tpu.memory_space<vmem>>
      %dma_wait3A_232 = tpu.memref_squeeze %dma_wait3A_231 : memref<1x128xi32, #tpu.memory_space<vmem>> -> memref<128xi32, #tpu.memory_space<vmem>>
      %dma_wait3A_233 = arith.constant 0 : i32
      %dma_wait3A_234 = tpu.memref_slice %arg29[%dma_wait3A_233] : memref<139520xf32, #tpu.memory_space<vmem_shared>> -> memref<139520xf32, #tpu.memory_space<vmem_shared>>
      tpu.wait_indirect_dma semaphore(%arg32 : memref<!tpu.dma_semaphore, #tpu.memory_space<semaphore_mem>>) src(%dma_wait3A_229 : memref<128xf32, #tpu.memory_space<vmem>>) dst(%dma_wait3A_234 : memref<139520xf32, #tpu.memory_space<vmem_shared>>)
      %dma_wait3A_235 = tpu.memref_slice %arg19[%mul3A_180] : memref<8192xf32, #tpu.memory_space<vmem>> -> memref<128xf32, #tpu.memory_space<vmem>>
      %dma_wait3A_236 = arith.constant 0 : i32
      %dma_wait3A_237 = tpu.memref_slice %arg20[%add3A_178, %dma_wait3A_236] : memref<64x128xi32, #tpu.memory_space<vmem>> -> memref<1x128xi32, #tpu.memory_space<vmem>>
      %dma_wait3A_238 = tpu.memref_squeeze %dma_wait3A_237 : memref<1x128xi32, #tpu.memory_space<vmem>> -> memref<128xi32, #tpu.memory_space<vmem>>
      %dma_wait3A_239 = arith.constant 0 : i32
      %dma_wait3A_240 = tpu.memref_slice %arg30[%dma_wait3A_239] : memref<139520xf32, #tpu.memory_space<vmem_shared>> -> memref<139520xf32, #tpu.memory_space<vmem_shared>>
      tpu.wait_indirect_dma semaphore(%arg32 : memref<!tpu.dma_semaphore, #tpu.memory_space<semaphore_mem>>) src(%dma_wait3A_235 : memref<128xf32, #tpu.memory_space<vmem>>) dst(%dma_wait3A_240 : memref<139520xf32, #tpu.memory_space<vmem_shared>>)
    }
    %scan3A_116 = arith.constant 64 : i32
    %barrier3A_117 = arith.constant 0 : index
    tpu.barrier barrier_id(%barrier3A_117)
    %broadcast_in_dim3A_118 = arith.constant 1.000000e+30 : f32
    %broadcast_in_dim3A_119 = vector.broadcast %broadcast_in_dim3A_118 : f32 to vector<16xf32>
    %scan3A_120 = arith.constant 0 : i32
    %scan3A_121 = arith.constant 1024 : i32
    %scan3A_122 = arith.addi %scan3A_120, %scan3A_121 : i32
    %scan3A_123 = arith.constant 1 : i32
    scf.for %scan3A_174 = %scan3A_120 to %scan3A_122 step %scan3A_123  : i32 {
      %mul3A_175 = arith.constant 1 : i32
      %mul3A_176 = arith.muli %scan3A_174, %mul3A_175 : i32
      %add3A_177 = arith.constant 0 : i32
      %add3A_178 = arith.addi %add3A_177, %mul3A_176 : i32
      %mul3A_179 = arith.constant 16 : i32
      %mul3A_180 = arith.muli %add3A_178, %mul3A_179 : i32
      %swap3A_181 = arith.index_cast %mul3A_180 : i32 to index
      %swap3A_182 = tpu.vector_load %arg22[%swap3A_181] {strides = array<i32>} : memref<16384xf32, #tpu.memory_space<vmem>>, vector<16xf32>,
      tpu.vector_store %arg22[%swap3A_181], %broadcast_in_dim3A_119 {strides = array<i32>} : memref<16384xf32, #tpu.memory_space<vmem>>, vector<16xf32>,
    }
    %scan3A_124 = arith.constant 1024 : i32
    %add3A_125 = arith.constant 8192 : i32
    %add3A_126 = arith.addi %multiple_of3A_77, %add3A_125 : i32
    %sub3A_127 = arith.constant 1 : i32
    %sub3A_128 = arith.subi %add3A_126, %sub3A_127 : i32
    %jit3A = arith.constant 8192 : i32
    %div3A = arith.divsi %sub3A_128, %jit3A : i32
    %sign3A = arith.constant 0 : i32
    %sign3A_129 = arith.cmpi sgt, %sub3A_128, %sign3A : i32
    %sign3A_130 = arith.extui %sign3A_129 : i1 to i32
    %sign3A_131 = arith.constant 0 : i32
    %sign3A_132 = arith.cmpi slt, %sub3A_128, %sign3A_131 : i32
    %sign3A_133 = arith.extui %sign3A_132 : i1 to i32
    %sign3A_134 = arith.subi %sign3A_130, %sign3A_133 : i32
    %sign3A_135 = arith.constant 0 : i32
    %sign3A_136 = arith.cmpi sgt, %jit3A, %sign3A_135 : i32
    %sign3A_137 = arith.extui %sign3A_136 : i1 to i32
    %sign3A_138 = arith.constant 0 : i32
    %sign3A_139 = arith.cmpi slt, %jit3A, %sign3A_138 : i32
    %sign3A_140 = arith.extui %sign3A_139 : i1 to i32
    %sign3A_141 = arith.subi %sign3A_137, %sign3A_140 : i32
    %ne3A = arith.cmpi ne, %sign3A_134, %sign3A_141 : i32
    %rem3A = arith.remsi %sub3A_128, %jit3A : i32
    %ne3A_142 = arith.constant 0 : i32
    %ne3A_143 = arith.cmpi ne, %rem3A, %ne3A_142 : i32
    %and3A_144 = arith.andi %ne3A, %ne3A_143 : i1
    %sub3A_145 = arith.constant 1 : i32
    %sub3A_146 = arith.subi %div3A, %sub3A_145 : i32
    %select_n3A_147 = arith.select %and3A_144, %sub3A_146, %div3A : i32
    %sub3A_148 = arith.constant 0 : i32
    %sub3A_149 = arith.subi %select_n3A_147, %sub3A_148 : i32
    %sub3A_150 = arith.constant 1 : i32
    %sub3A_151 = arith.constant 1 : i32
    %sub3A_152 = arith.subi %sub3A_150, %sub3A_151 : i32
    %add3A_153 = arith.addi %sub3A_149, %sub3A_152 : i32
    %div3A_154 = arith.constant 1 : i32
    %div3A_155 = arith.divsi %add3A_153, %div3A_154 : i32
    %while3A = arith.constant 1 : i32
    %while3A_156 = arith.constant 0 : i32
    %while3A_157 = arith.constant 0 : i32
    %while3A_158 = arith.subi %div3A_155, %while3A_157 : i32
    %while3A_159 = arith.addi %while3A_157, %while3A_158 : i32
    %while3A_160 = arith.constant 1 : i32
    %while3A_161 = arith.divsi %while3A_158, %while3A_160 : i32
    %while3A_162 = arith.muli %while3A_161, %while3A_160 : i32
    %while3A_163 = arith.addi %while3A_157, %while3A_162 : i32
    %while3A_164 = arith.constant 1 : i32
    scf.for %while3A_174 = %while3A_157 to %while3A_163 step %while3A_164  : i32 {
      %mul3A_175 = arith.muli %while3A_174, %while3A : i32
      %add3A_176 = arith.addi %while3A_156, %mul3A_175 : i32
      %mul3A_177 = arith.constant 8192 : i32
      %mul3A_178 = arith.muli %add3A_176, %mul3A_177 : i32
      %add3A_179 = arith.addi %multiple_of3A, %mul3A_178 : i32
      %multiple_of3A_180 = tpu.assume_multiple %add3A_179, 16 : i32
      %dma_start3A_181 = tpu.memref_slice %arg26[%multiple_of3A_180] : memref<139520xi32, #tpu.memory_space<vmem_shared>> -> memref<8192xi32, #tpu.memory_space<vmem_shared>>
      %dma_start3A_182 = tpu.memref_slice %arg26[%multiple_of3A_180] : memref<139520xi32, #tpu.memory_space<vmem_shared>> -> memref<8192xi32, #tpu.memory_space<vmem_shared>>
      tpu.enqueue_dma source(%dma_start3A_182 : memref<8192xi32, #tpu.memory_space<vmem_shared>>) target(%arg21 : memref<8192xi32, #tpu.memory_space<vmem>>) target_semaphore(%arg32 : memref<!tpu.dma_semaphore, #tpu.memory_space<semaphore_mem>>)
      %dma_start3A_183 = tpu.memref_slice %arg27[%multiple_of3A_180] : memref<139520xf32, #tpu.memory_space<vmem_shared>> -> memref<8192xf32, #tpu.memory_space<vmem_shared>>
      %dma_start3A_184 = tpu.memref_slice %arg27[%multiple_of3A_180] : memref<139520xf32, #tpu.memory_space<vmem_shared>> -> memref<8192xf32, #tpu.memory_space<vmem_shared>>
      tpu.enqueue_dma source(%dma_start3A_184 : memref<8192xf32, #tpu.memory_space<vmem_shared>>) target(%arg18 : memref<8192xf32, #tpu.memory_space<vmem>>) target_semaphore(%arg32 : memref<!tpu.dma_semaphore, #tpu.memory_space<semaphore_mem>>)
      %dma_wait3A_185 = tpu.memref_slice %arg26[%multiple_of3A_180] : memref<139520xi32, #tpu.memory_space<vmem_shared>> -> memref<8192xi32, #tpu.memory_space<vmem_shared>>
      %dma_wait3A_186 = tpu.memref_slice %arg26[%multiple_of3A_180] : memref<139520xi32, #tpu.memory_space<vmem_shared>> -> memref<8192xi32, #tpu.memory_space<vmem_shared>>
      tpu.wait_dma2 semaphore(%arg32 : memref<!tpu.dma_semaphore, #tpu.memory_space<semaphore_mem>>) src(%dma_wait3A_186 : memref<8192xi32, #tpu.memory_space<vmem_shared>>) dst(%arg21 : memref<8192xi32, #tpu.memory_space<vmem>>)
      %dma_wait3A_187 = tpu.memref_slice %arg27[%multiple_of3A_180] : memref<139520xf32, #tpu.memory_space<vmem_shared>> -> memref<8192xf32, #tpu.memory_space<vmem_shared>>
      %dma_wait3A_188 = tpu.memref_slice %arg27[%multiple_of3A_180] : memref<139520xf32, #tpu.memory_space<vmem_shared>> -> memref<8192xf32, #tpu.memory_space<vmem_shared>>
      tpu.wait_dma2 semaphore(%arg32 : memref<!tpu.dma_semaphore, #tpu.memory_space<semaphore_mem>>) src(%dma_wait3A_188 : memref<8192xf32, #tpu.memory_space<vmem_shared>>) dst(%arg18 : memref<8192xf32, #tpu.memory_space<vmem>>)
      %mul3A_189 = arith.constant 8192 : i32
      %mul3A_190 = arith.muli %add3A_176, %mul3A_189 : i32
      %scan3A_191 = arith.constant 0 : i32
      %scan3A_192 = arith.constant 512 : i32
      %scan3A_193 = arith.addi %scan3A_191, %scan3A_192 : i32
      %scan3A_194 = arith.constant 1 : i32
      scf.for %scan3A_196 = %scan3A_191 to %scan3A_193 step %scan3A_194  : i32 {
        %mul3A_197 = arith.constant 1 : i32
        %mul3A_198 = arith.muli %scan3A_196, %mul3A_197 : i32
        %add3A_199 = arith.constant 0 : i32
        %add3A_200 = arith.addi %add3A_199, %mul3A_198 : i32
        %mul3A_201 = arith.constant 16 : i32
        %mul3A_202 = arith.muli %add3A_200, %mul3A_201 : i32
        %get3A = arith.index_cast %mul3A_202 : i32 to index
        %get3A_203 = tpu.vector_load %arg21[%get3A] {strides = array<i32>} : memref<8192xi32, #tpu.memory_space<vmem>>, vector<16xi32>,
        %get3A_204 = arith.index_cast %mul3A_202 : i32 to index
        %get3A_205 = tpu.vector_load %arg18[%get3A_204] {strides = array<i32>} : memref<8192xf32, #tpu.memory_space<vmem>>, vector<16xf32>,
        %add3A_206 = arith.addi %mul3A_190, %mul3A_202 : i32
        %add3A_207 = vector.broadcast %add3A_206 : i32 to vector<16xi32>
        %add3A_208 = arith.addi %add3A_207, %iota3A_96 : vector<16xi32>
        %lt3A = vector.broadcast %multiple_of3A_77 : i32 to vector<16xi32>
        %lt3A_209 = arith.cmpi slt, %add3A_208, %lt3A : vector<16xi32>
        %ge3A = arith.constant 0 : i32
        %ge3A_210 = vector.broadcast %ge3A : i32 to vector<16xi32>
        %ge3A_211 = arith.cmpi sge, %get3A_203, %ge3A_210 : vector<16xi32>
        %and3A_212 = arith.andi %lt3A_209, %ge3A_211 : vector<16xi1>
        %sub3A_213 = vector.broadcast %mul3A_4 : i32 to vector<16xi32>
        %sub3A_214 = arith.subi %get3A_203, %sub3A_213 : vector<16xi32>
        %and3A_215 = arith.constant 16383 : i32
        %and3A_216 = vector.broadcast %and3A_215 : i32 to vector<16xi32>
        %and3A_217 = arith.andi %sub3A_214, %and3A_216 : vector<16xi32>
        %while3A_218 = arith.constant 1.000000e+00 : f32
        %while3A_219 = scf.while (%while3A_220 = %while3A_218) : (f32) -> f32 {
          %gt3A = arith.constant 0.000000e+00 : f32
          %gt3A_221 = arith.cmpf ogt, %while3A_220, %gt3A : f32
          scf.condition(%gt3A_221) %while3A_220 : f32
        } do {
        ^bb0(%while3A_220: f32):
          %gather3A = tpu.vector_load_idx %arg22[%and3A_217] masked %and3A_212 : memref<16384xf32, #tpu.memory_space<vmem>>[vector<16xi32>], vector<16xf32>, vector<16xi1>
          %lt3A_221 = arith.cmpf olt, %get3A_205, %gather3A : vector<16xf32>
          %and3A_222 = arith.andi %and3A_212, %lt3A_221 : vector<16xi1>
          tpu.vector_store_idx %arg22[%and3A_217], %get3A_205 masked %and3A_222 : memref<16384xf32, #tpu.memory_space<vmem>>[vector<16xi32>], vector<16xf32>, vector<16xi1>
          %gather3A_223 = tpu.vector_load_idx %arg22[%and3A_217] masked %and3A_212 : memref<16384xf32, #tpu.memory_space<vmem>>[vector<16xi32>], vector<16xf32>, vector<16xi1>
          %lt3A_224 = arith.cmpf olt, %get3A_205, %gather3A_223 : vector<16xf32>
          %and3A_225 = arith.andi %and3A_212, %lt3A_224 : vector<16xi1>
          %broadcast_in_dim3A_226 = arith.constant 1.000000e+00 : f32
          %broadcast_in_dim3A_227 = vector.broadcast %broadcast_in_dim3A_226 : f32 to vector<16xf32>
          %broadcast_in_dim3A_228 = arith.constant 0.000000e+00 : f32
          %broadcast_in_dim3A_229 = vector.broadcast %broadcast_in_dim3A_228 : f32 to vector<16xf32>
          %select_n3A_230 = arith.select %and3A_225, %broadcast_in_dim3A_227, %broadcast_in_dim3A_229 : vector<16xi1>, vector<16xf32>
          %reduce_sum3A_231 = arith.constant true
          %reduce_sum3A_232 = vector.broadcast %reduce_sum3A_231 : i1 to vector<16xi1>
          %reduce_sum3A_233 = tpu.scan <sum>, %select_n3A_230 masked %reduce_sum3A_232 : vector<16xf32>, vector<16xi1> -> vector<16xf32>
          %reduce_sum3A_234 = vector.extract %reduce_sum3A_233[15] : f32 from vector<16xf32>
          scf.yield %reduce_sum3A_234 : f32
        }
      }
      %scan3A_195 = arith.constant 512 : i32
    }
    %while3A_165 = arith.constant 1 : i32
    scf.for %while3A_174 = %while3A_163 to %while3A_159 step %while3A_165  : i32 {
      %mul3A_175 = arith.muli %while3A_174, %while3A : i32
      %add3A_176 = arith.addi %while3A_156, %mul3A_175 : i32
      %mul3A_177 = arith.constant 8192 : i32
      %mul3A_178 = arith.muli %add3A_176, %mul3A_177 : i32
      %add3A_179 = arith.addi %multiple_of3A, %mul3A_178 : i32
      %multiple_of3A_180 = tpu.assume_multiple %add3A_179, 16 : i32
      %dma_start3A_181 = tpu.memref_slice %arg26[%multiple_of3A_180] : memref<139520xi32, #tpu.memory_space<vmem_shared>> -> memref<8192xi32, #tpu.memory_space<vmem_shared>>
      %dma_start3A_182 = tpu.memref_slice %arg26[%multiple_of3A_180] : memref<139520xi32, #tpu.memory_space<vmem_shared>> -> memref<8192xi32, #tpu.memory_space<vmem_shared>>
      tpu.enqueue_dma source(%dma_start3A_182 : memref<8192xi32, #tpu.memory_space<vmem_shared>>) target(%arg21 : memref<8192xi32, #tpu.memory_space<vmem>>) target_semaphore(%arg32 : memref<!tpu.dma_semaphore, #tpu.memory_space<semaphore_mem>>)
      %dma_start3A_183 = tpu.memref_slice %arg27[%multiple_of3A_180] : memref<139520xf32, #tpu.memory_space<vmem_shared>> -> memref<8192xf32, #tpu.memory_space<vmem_shared>>
      %dma_start3A_184 = tpu.memref_slice %arg27[%multiple_of3A_180] : memref<139520xf32, #tpu.memory_space<vmem_shared>> -> memref<8192xf32, #tpu.memory_space<vmem_shared>>
      tpu.enqueue_dma source(%dma_start3A_184 : memref<8192xf32, #tpu.memory_space<vmem_shared>>) target(%arg18 : memref<8192xf32, #tpu.memory_space<vmem>>) target_semaphore(%arg32 : memref<!tpu.dma_semaphore, #tpu.memory_space<semaphore_mem>>)
      %dma_wait3A_185 = tpu.memref_slice %arg26[%multiple_of3A_180] : memref<139520xi32, #tpu.memory_space<vmem_shared>> -> memref<8192xi32, #tpu.memory_space<vmem_shared>>
      %dma_wait3A_186 = tpu.memref_slice %arg26[%multiple_of3A_180] : memref<139520xi32, #tpu.memory_space<vmem_shared>> -> memref<8192xi32, #tpu.memory_space<vmem_shared>>
      tpu.wait_dma2 semaphore(%arg32 : memref<!tpu.dma_semaphore, #tpu.memory_space<semaphore_mem>>) src(%dma_wait3A_186 : memref<8192xi32, #tpu.memory_space<vmem_shared>>) dst(%arg21 : memref<8192xi32, #tpu.memory_space<vmem>>)
      %dma_wait3A_187 = tpu.memref_slice %arg27[%multiple_of3A_180] : memref<139520xf32, #tpu.memory_space<vmem_shared>> -> memref<8192xf32, #tpu.memory_space<vmem_shared>>
      %dma_wait3A_188 = tpu.memref_slice %arg27[%multiple_of3A_180] : memref<139520xf32, #tpu.memory_space<vmem_shared>> -> memref<8192xf32, #tpu.memory_space<vmem_shared>>
      tpu.wait_dma2 semaphore(%arg32 : memref<!tpu.dma_semaphore, #tpu.memory_space<semaphore_mem>>) src(%dma_wait3A_188 : memref<8192xf32, #tpu.memory_space<vmem_shared>>) dst(%arg18 : memref<8192xf32, #tpu.memory_space<vmem>>)
      %mul3A_189 = arith.constant 8192 : i32
      %mul3A_190 = arith.muli %add3A_176, %mul3A_189 : i32
      %scan3A_191 = arith.constant 0 : i32
      %scan3A_192 = arith.constant 512 : i32
      %scan3A_193 = arith.addi %scan3A_191, %scan3A_192 : i32
      %scan3A_194 = arith.constant 1 : i32
      scf.for %scan3A_196 = %scan3A_191 to %scan3A_193 step %scan3A_194  : i32 {
        %mul3A_197 = arith.constant 1 : i32
        %mul3A_198 = arith.muli %scan3A_196, %mul3A_197 : i32
        %add3A_199 = arith.constant 0 : i32
        %add3A_200 = arith.addi %add3A_199, %mul3A_198 : i32
        %mul3A_201 = arith.constant 16 : i32
        %mul3A_202 = arith.muli %add3A_200, %mul3A_201 : i32
        %get3A = arith.index_cast %mul3A_202 : i32 to index
        %get3A_203 = tpu.vector_load %arg21[%get3A] {strides = array<i32>} : memref<8192xi32, #tpu.memory_space<vmem>>, vector<16xi32>,
        %get3A_204 = arith.index_cast %mul3A_202 : i32 to index
        %get3A_205 = tpu.vector_load %arg18[%get3A_204] {strides = array<i32>} : memref<8192xf32, #tpu.memory_space<vmem>>, vector<16xf32>,
        %add3A_206 = arith.addi %mul3A_190, %mul3A_202 : i32
        %add3A_207 = vector.broadcast %add3A_206 : i32 to vector<16xi32>
        %add3A_208 = arith.addi %add3A_207, %iota3A_96 : vector<16xi32>
        %lt3A = vector.broadcast %multiple_of3A_77 : i32 to vector<16xi32>
        %lt3A_209 = arith.cmpi slt, %add3A_208, %lt3A : vector<16xi32>
        %ge3A = arith.constant 0 : i32
        %ge3A_210 = vector.broadcast %ge3A : i32 to vector<16xi32>
        %ge3A_211 = arith.cmpi sge, %get3A_203, %ge3A_210 : vector<16xi32>
        %and3A_212 = arith.andi %lt3A_209, %ge3A_211 : vector<16xi1>
        %sub3A_213 = vector.broadcast %mul3A_4 : i32 to vector<16xi32>
        %sub3A_214 = arith.subi %get3A_203, %sub3A_213 : vector<16xi32>
        %and3A_215 = arith.constant 16383 : i32
        %and3A_216 = vector.broadcast %and3A_215 : i32 to vector<16xi32>
        %and3A_217 = arith.andi %sub3A_214, %and3A_216 : vector<16xi32>
        %while3A_218 = arith.constant 1.000000e+00 : f32
        %while3A_219 = scf.while (%while3A_220 = %while3A_218) : (f32) -> f32 {
          %gt3A = arith.constant 0.000000e+00 : f32
          %gt3A_221 = arith.cmpf ogt, %while3A_220, %gt3A : f32
          scf.condition(%gt3A_221) %while3A_220 : f32
        } do {
        ^bb0(%while3A_220: f32):
          %gather3A = tpu.vector_load_idx %arg22[%and3A_217] masked %and3A_212 : memref<16384xf32, #tpu.memory_space<vmem>>[vector<16xi32>], vector<16xf32>, vector<16xi1>
          %lt3A_221 = arith.cmpf olt, %get3A_205, %gather3A : vector<16xf32>
          %and3A_222 = arith.andi %and3A_212, %lt3A_221 : vector<16xi1>
          tpu.vector_store_idx %arg22[%and3A_217], %get3A_205 masked %and3A_222 : memref<16384xf32, #tpu.memory_space<vmem>>[vector<16xi32>], vector<16xf32>, vector<16xi1>
          %gather3A_223 = tpu.vector_load_idx %arg22[%and3A_217] masked %and3A_212 : memref<16384xf32, #tpu.memory_space<vmem>>[vector<16xi32>], vector<16xf32>, vector<16xi1>
          %lt3A_224 = arith.cmpf olt, %get3A_205, %gather3A_223 : vector<16xf32>
          %and3A_225 = arith.andi %and3A_212, %lt3A_224 : vector<16xi1>
          %broadcast_in_dim3A_226 = arith.constant 1.000000e+00 : f32
          %broadcast_in_dim3A_227 = vector.broadcast %broadcast_in_dim3A_226 : f32 to vector<16xf32>
          %broadcast_in_dim3A_228 = arith.constant 0.000000e+00 : f32
          %broadcast_in_dim3A_229 = vector.broadcast %broadcast_in_dim3A_228 : f32 to vector<16xf32>
          %select_n3A_230 = arith.select %and3A_225, %broadcast_in_dim3A_227, %broadcast_in_dim3A_229 : vector<16xi1>, vector<16xf32>
          %reduce_sum3A_231 = arith.constant true
          %reduce_sum3A_232 = vector.broadcast %reduce_sum3A_231 : i1 to vector<16xi1>
          %reduce_sum3A_233 = tpu.scan <sum>, %select_n3A_230 masked %reduce_sum3A_232 : vector<16xf32>, vector<16xi1> -> vector<16xf32>
          %reduce_sum3A_234 = vector.extract %reduce_sum3A_233[15] : f32 from vector<16xf32>
          scf.yield %reduce_sum3A_234 : f32
        }
      }
      %scan3A_195 = arith.constant 512 : i32
    }
    %mul3A_166 = arith.constant 262144 : i32
    %mul3A_167 = arith.muli %arg0, %mul3A_166 : i32
    %add3A_168 = arith.addi %mul3A_167, %mul3A_4 : i32
    "tpu.region"() ({
      %run_scoped3A = tpu.sem_alloc : memref<!tpu.dma_semaphore, #tpu.memory_space<semaphore_mem>>
      %dma_start3A_174 = tpu.memref_slice %arg8[%add3A_168] : memref<524288xf32, #tpu.memory_space<hbm>> -> memref<16384xf32, #tpu.memory_space<hbm>>
      %dma_start3A_175 = tpu.memref_slice %arg8[%add3A_168] : memref<524288xf32, #tpu.memory_space<hbm>> -> memref<16384xf32, #tpu.memory_space<hbm>>
      tpu.enqueue_dma source(%arg22 : memref<16384xf32, #tpu.memory_space<vmem>>) target(%dma_start3A_175 : memref<16384xf32, #tpu.memory_space<hbm>>) target_semaphore(%run_scoped3A : memref<!tpu.dma_semaphore, #tpu.memory_space<semaphore_mem>>)
      %dma_wait3A_176 = tpu.memref_slice %arg8[%add3A_168] : memref<524288xf32, #tpu.memory_space<hbm>> -> memref<16384xf32, #tpu.memory_space<hbm>>
      %dma_wait3A_177 = tpu.memref_slice %arg8[%add3A_168] : memref<524288xf32, #tpu.memory_space<hbm>> -> memref<16384xf32, #tpu.memory_space<hbm>>
      tpu.wait_dma2 semaphore(%run_scoped3A : memref<!tpu.dma_semaphore, #tpu.memory_space<semaphore_mem>>) src(%arg22 : memref<16384xf32, #tpu.memory_space<vmem>>) dst(%dma_wait3A_177 : memref<16384xf32, #tpu.memory_space<hbm>>)
      tpu.yield
    }) : () -> ()
    %scan3A_169 = arith.constant 0 : i32
    %scan3A_170 = arith.constant 2 : i32
    %scan3A_171 = arith.addi %scan3A_169, %scan3A_170 : i32
    %scan3A_172 = arith.constant 1 : i32
    scf.for %scan3A_174 = %scan3A_169 to %scan3A_171 step %scan3A_172  : i32 {
      %mul3A_175 = arith.constant 1 : i32
      %mul3A_176 = arith.muli %scan3A_174, %mul3A_175 : i32
      %add3A_177 = arith.constant 0 : i32
      %add3A_178 = arith.addi %add3A_177, %mul3A_176 : i32
      %mul3A_179 = arith.constant 8720 : i32
      %mul3A_180 = arith.muli %arg1, %mul3A_179 : i32
      %mul3A_181 = arith.constant 4360 : i32
      %mul3A_182 = arith.muli %add3A_178, %mul3A_181 : i32
      %add3A_183 = arith.addi %mul3A_180, %mul3A_182 : i32
      %mul3A_184 = arith.constant 139520 : i32
      %mul3A_185 = arith.muli %arg0, %mul3A_184 : i32
      %add3A_186 = arith.addi %mul3A_185, %add3A_183 : i32
      %dma_start3A_187 = arith.constant 0 : i32
      %dma_start3A_188 = tpu.memref_slice %arg21[%dma_start3A_187] : memref<8192xi32, #tpu.memory_space<vmem>> -> memref<4360xi32, #tpu.memory_space<vmem>>
      %dma_start3A_189 = tpu.memref_slice %arg26[%add3A_183] : memref<139520xi32, #tpu.memory_space<vmem_shared>> -> memref<4360xi32, #tpu.memory_space<vmem_shared>>
      %dma_start3A_190 = arith.constant 0 : i32
      %dma_start3A_191 = tpu.memref_slice %arg21[%dma_start3A_190] : memref<8192xi32, #tpu.memory_space<vmem>> -> memref<4360xi32, #tpu.memory_space<vmem>>
      %dma_start3A_192 = tpu.memref_slice %arg26[%add3A_183] : memref<139520xi32, #tpu.memory_space<vmem_shared>> -> memref<4360xi32, #tpu.memory_space<vmem_shared>>
      tpu.enqueue_dma source(%dma_start3A_192 : memref<4360xi32, #tpu.memory_space<vmem_shared>>) target(%dma_start3A_191 : memref<4360xi32, #tpu.memory_space<vmem>>) target_semaphore(%arg32 : memref<!tpu.dma_semaphore, #tpu.memory_space<semaphore_mem>>)
      %dma_start3A_193 = arith.constant 0 : i32
      %dma_start3A_194 = tpu.memref_slice %arg18[%dma_start3A_193] : memref<8192xf32, #tpu.memory_space<vmem>> -> memref<4360xf32, #tpu.memory_space<vmem>>
      %dma_start3A_195 = tpu.memref_slice %arg27[%add3A_183] : memref<139520xf32, #tpu.memory_space<vmem_shared>> -> memref<4360xf32, #tpu.memory_space<vmem_shared>>
      %dma_start3A_196 = arith.constant 0 : i32
      %dma_start3A_197 = tpu.memref_slice %arg18[%dma_start3A_196] : memref<8192xf32, #tpu.memory_space<vmem>> -> memref<4360xf32, #tpu.memory_space<vmem>>
      %dma_start3A_198 = tpu.memref_slice %arg27[%add3A_183] : memref<139520xf32, #tpu.memory_space<vmem_shared>> -> memref<4360xf32, #tpu.memory_space<vmem_shared>>
      tpu.enqueue_dma source(%dma_start3A_198 : memref<4360xf32, #tpu.memory_space<vmem_shared>>) target(%dma_start3A_197 : memref<4360xf32, #tpu.memory_space<vmem>>) target_semaphore(%arg32 : memref<!tpu.dma_semaphore, #tpu.memory_space<semaphore_mem>>)
      %dma_start3A_199 = arith.constant 0 : i32
      %dma_start3A_200 = tpu.memref_slice %arg16[%dma_start3A_199] : memref<8192xf32, #tpu.memory_space<vmem>> -> memref<4360xf32, #tpu.memory_space<vmem>>
      %dma_start3A_201 = tpu.memref_slice %arg28[%add3A_183] : memref<139520xf32, #tpu.memory_space<vmem_shared>> -> memref<4360xf32, #tpu.memory_space<vmem_shared>>
      %dma_start3A_202 = arith.constant 0 : i32
      %dma_start3A_203 = tpu.memref_slice %arg16[%dma_start3A_202] : memref<8192xf32, #tpu.memory_space<vmem>> -> memref<4360xf32, #tpu.memory_space<vmem>>
      %dma_start3A_204 = tpu.memref_slice %arg28[%add3A_183] : memref<139520xf32, #tpu.memory_space<vmem_shared>> -> memref<4360xf32, #tpu.memory_space<vmem_shared>>
      tpu.enqueue_dma source(%dma_start3A_204 : memref<4360xf32, #tpu.memory_space<vmem_shared>>) target(%dma_start3A_203 : memref<4360xf32, #tpu.memory_space<vmem>>) target_semaphore(%arg32 : memref<!tpu.dma_semaphore, #tpu.memory_space<semaphore_mem>>)
      %dma_start3A_205 = arith.constant 0 : i32
      %dma_start3A_206 = tpu.memref_slice %arg17[%dma_start3A_205] : memref<8192xf32, #tpu.memory_space<vmem>> -> memref<4360xf32, #tpu.memory_space<vmem>>
      %dma_start3A_207 = tpu.memref_slice %arg29[%add3A_183] : memref<139520xf32, #tpu.memory_space<vmem_shared>> -> memref<4360xf32, #tpu.memory_space<vmem_shared>>
      %dma_start3A_208 = arith.constant 0 : i32
      %dma_start3A_209 = tpu.memref_slice %arg17[%dma_start3A_208] : memref<8192xf32, #tpu.memory_space<vmem>> -> memref<4360xf32, #tpu.memory_space<vmem>>
      %dma_start3A_210 = tpu.memref_slice %arg29[%add3A_183] : memref<139520xf32, #tpu.memory_space<vmem_shared>> -> memref<4360xf32, #tpu.memory_space<vmem_shared>>
      tpu.enqueue_dma source(%dma_start3A_210 : memref<4360xf32, #tpu.memory_space<vmem_shared>>) target(%dma_start3A_209 : memref<4360xf32, #tpu.memory_space<vmem>>) target_semaphore(%arg32 : memref<!tpu.dma_semaphore, #tpu.memory_space<semaphore_mem>>)
      %dma_start3A_211 = arith.constant 0 : i32
      %dma_start3A_212 = tpu.memref_slice %arg19[%dma_start3A_211] : memref<8192xf32, #tpu.memory_space<vmem>> -> memref<4360xf32, #tpu.memory_space<vmem>>
      %dma_start3A_213 = tpu.memref_slice %arg30[%add3A_183] : memref<139520xf32, #tpu.memory_space<vmem_shared>> -> memref<4360xf32, #tpu.memory_space<vmem_shared>>
      %dma_start3A_214 = arith.constant 0 : i32
      %dma_start3A_215 = tpu.memref_slice %arg19[%dma_start3A_214] : memref<8192xf32, #tpu.memory_space<vmem>> -> memref<4360xf32, #tpu.memory_space<vmem>>
      %dma_start3A_216 = tpu.memref_slice %arg30[%add3A_183] : memref<139520xf32, #tpu.memory_space<vmem_shared>> -> memref<4360xf32, #tpu.memory_space<vmem_shared>>
      tpu.enqueue_dma source(%dma_start3A_216 : memref<4360xf32, #tpu.memory_space<vmem_shared>>) target(%dma_start3A_215 : memref<4360xf32, #tpu.memory_space<vmem>>) target_semaphore(%arg32 : memref<!tpu.dma_semaphore, #tpu.memory_space<semaphore_mem>>)
      %dma_wait3A_217 = arith.constant 0 : i32
      %dma_wait3A_218 = tpu.memref_slice %arg21[%dma_wait3A_217] : memref<8192xi32, #tpu.memory_space<vmem>> -> memref<4360xi32, #tpu.memory_space<vmem>>
      %dma_wait3A_219 = tpu.memref_slice %arg26[%add3A_183] : memref<139520xi32, #tpu.memory_space<vmem_shared>> -> memref<4360xi32, #tpu.memory_space<vmem_shared>>
      %dma_wait3A_220 = arith.constant 0 : i32
      %dma_wait3A_221 = tpu.memref_slice %arg21[%dma_wait3A_220] : memref<8192xi32, #tpu.memory_space<vmem>> -> memref<4360xi32, #tpu.memory_space<vmem>>
      %dma_wait3A_222 = tpu.memref_slice %arg26[%add3A_183] : memref<139520xi32, #tpu.memory_space<vmem_shared>> -> memref<4360xi32, #tpu.memory_space<vmem_shared>>
      tpu.wait_dma2 semaphore(%arg32 : memref<!tpu.dma_semaphore, #tpu.memory_space<semaphore_mem>>) src(%dma_wait3A_222 : memref<4360xi32, #tpu.memory_space<vmem_shared>>) dst(%dma_wait3A_221 : memref<4360xi32, #tpu.memory_space<vmem>>)
      %dma_wait3A_223 = arith.constant 0 : i32
      %dma_wait3A_224 = tpu.memref_slice %arg18[%dma_wait3A_223] : memref<8192xf32, #tpu.memory_space<vmem>> -> memref<4360xf32, #tpu.memory_space<vmem>>
      %dma_wait3A_225 = tpu.memref_slice %arg27[%add3A_183] : memref<139520xf32, #tpu.memory_space<vmem_shared>> -> memref<4360xf32, #tpu.memory_space<vmem_shared>>
      %dma_wait3A_226 = arith.constant 0 : i32
      %dma_wait3A_227 = tpu.memref_slice %arg18[%dma_wait3A_226] : memref<8192xf32, #tpu.memory_space<vmem>> -> memref<4360xf32, #tpu.memory_space<vmem>>
      %dma_wait3A_228 = tpu.memref_slice %arg27[%add3A_183] : memref<139520xf32, #tpu.memory_space<vmem_shared>> -> memref<4360xf32, #tpu.memory_space<vmem_shared>>
      tpu.wait_dma2 semaphore(%arg32 : memref<!tpu.dma_semaphore, #tpu.memory_space<semaphore_mem>>) src(%dma_wait3A_228 : memref<4360xf32, #tpu.memory_space<vmem_shared>>) dst(%dma_wait3A_227 : memref<4360xf32, #tpu.memory_space<vmem>>)
      %dma_wait3A_229 = arith.constant 0 : i32
      %dma_wait3A_230 = tpu.memref_slice %arg16[%dma_wait3A_229] : memref<8192xf32, #tpu.memory_space<vmem>> -> memref<4360xf32, #tpu.memory_space<vmem>>
      %dma_wait3A_231 = tpu.memref_slice %arg28[%add3A_183] : memref<139520xf32, #tpu.memory_space<vmem_shared>> -> memref<4360xf32, #tpu.memory_space<vmem_shared>>
      %dma_wait3A_232 = arith.constant 0 : i32
      %dma_wait3A_233 = tpu.memref_slice %arg16[%dma_wait3A_232] : memref<8192xf32, #tpu.memory_space<vmem>> -> memref<4360xf32, #tpu.memory_space<vmem>>
      %dma_wait3A_234 = tpu.memref_slice %arg28[%add3A_183] : memref<139520xf32, #tpu.memory_space<vmem_shared>> -> memref<4360xf32, #tpu.memory_space<vmem_shared>>
      tpu.wait_dma2 semaphore(%arg32 : memref<!tpu.dma_semaphore, #tpu.memory_space<semaphore_mem>>) src(%dma_wait3A_234 : memref<4360xf32, #tpu.memory_space<vmem_shared>>) dst(%dma_wait3A_233 : memref<4360xf32, #tpu.memory_space<vmem>>)
      %dma_wait3A_235 = arith.constant 0 : i32
      %dma_wait3A_236 = tpu.memref_slice %arg17[%dma_wait3A_235] : memref<8192xf32, #tpu.memory_space<vmem>> -> memref<4360xf32, #tpu.memory_space<vmem>>
      %dma_wait3A_237 = tpu.memref_slice %arg29[%add3A_183] : memref<139520xf32, #tpu.memory_space<vmem_shared>> -> memref<4360xf32, #tpu.memory_space<vmem_shared>>
      %dma_wait3A_238 = arith.constant 0 : i32
      %dma_wait3A_239 = tpu.memref_slice %arg17[%dma_wait3A_238] : memref<8192xf32, #tpu.memory_space<vmem>> -> memref<4360xf32, #tpu.memory_space<vmem>>
      %dma_wait3A_240 = tpu.memref_slice %arg29[%add3A_183] : memref<139520xf32, #tpu.memory_space<vmem_shared>> -> memref<4360xf32, #tpu.memory_space<vmem_shared>>
      tpu.wait_dma2 semaphore(%arg32 : memref<!tpu.dma_semaphore, #tpu.memory_space<semaphore_mem>>) src(%dma_wait3A_240 : memref<4360xf32, #tpu.memory_space<vmem_shared>>) dst(%dma_wait3A_239 : memref<4360xf32, #tpu.memory_space<vmem>>)
      %dma_wait3A_241 = arith.constant 0 : i32
      %dma_wait3A_242 = tpu.memref_slice %arg19[%dma_wait3A_241] : memref<8192xf32, #tpu.memory_space<vmem>> -> memref<4360xf32, #tpu.memory_space<vmem>>
      %dma_wait3A_243 = tpu.memref_slice %arg30[%add3A_183] : memref<139520xf32, #tpu.memory_space<vmem_shared>> -> memref<4360xf32, #tpu.memory_space<vmem_shared>>
      %dma_wait3A_244 = arith.constant 0 : i32
      %dma_wait3A_245 = tpu.memref_slice %arg19[%dma_wait3A_244] : memref<8192xf32, #tpu.memory_space<vmem>> -> memref<4360xf32, #tpu.memory_space<vmem>>
      %dma_wait3A_246 = tpu.memref_slice %arg30[%add3A_183] : memref<139520xf32, #tpu.memory_space<vmem_shared>> -> memref<4360xf32, #tpu.memory_space<vmem_shared>>
      tpu.wait_dma2 semaphore(%arg32 : memref<!tpu.dma_semaphore, #tpu.memory_space<semaphore_mem>>) src(%dma_wait3A_246 : memref<4360xf32, #tpu.memory_space<vmem_shared>>) dst(%dma_wait3A_245 : memref<4360xf32, #tpu.memory_space<vmem>>)
      %dma_start3A_247 = arith.constant 0 : i32
      %dma_start3A_248 = tpu.memref_slice %arg21[%dma_start3A_247] : memref<8192xi32, #tpu.memory_space<vmem>> -> memref<4360xi32, #tpu.memory_space<vmem>>
      %dma_start3A_249 = tpu.memref_slice %arg10[%add3A_186] : memref<279040xi32, #tpu.memory_space<hbm>> -> memref<4360xi32, #tpu.memory_space<hbm>>
      %dma_start3A_250 = tpu.memref_slice %arg10[%add3A_186] : memref<279040xi32, #tpu.memory_space<hbm>> -> memref<4360xi32, #tpu.memory_space<hbm>>
      %dma_start3A_251 = arith.constant 0 : i32
      %dma_start3A_252 = tpu.memref_slice %arg21[%dma_start3A_251] : memref<8192xi32, #tpu.memory_space<vmem>> -> memref<4360xi32, #tpu.memory_space<vmem>>
      tpu.enqueue_dma source(%dma_start3A_252 : memref<4360xi32, #tpu.memory_space<vmem>>) target(%dma_start3A_250 : memref<4360xi32, #tpu.memory_space<hbm>>) target_semaphore(%arg32 : memref<!tpu.dma_semaphore, #tpu.memory_space<semaphore_mem>>)
      %dma_start3A_253 = arith.constant 0 : i32
      %dma_start3A_254 = tpu.memref_slice %arg18[%dma_start3A_253] : memref<8192xf32, #tpu.memory_space<vmem>> -> memref<4360xf32, #tpu.memory_space<vmem>>
      %dma_start3A_255 = tpu.memref_slice %arg11[%add3A_186] : memref<279040xf32, #tpu.memory_space<hbm>> -> memref<4360xf32, #tpu.memory_space<hbm>>
      %dma_start3A_256 = tpu.memref_slice %arg11[%add3A_186] : memref<279040xf32, #tpu.memory_space<hbm>> -> memref<4360xf32, #tpu.memory_space<hbm>>
      %dma_start3A_257 = arith.constant 0 : i32
      %dma_start3A_258 = tpu.memref_slice %arg18[%dma_start3A_257] : memref<8192xf32, #tpu.memory_space<vmem>> -> memref<4360xf32, #tpu.memory_space<vmem>>
      tpu.enqueue_dma source(%dma_start3A_258 : memref<4360xf32, #tpu.memory_space<vmem>>) target(%dma_start3A_256 : memref<4360xf32, #tpu.memory_space<hbm>>) target_semaphore(%arg32 : memref<!tpu.dma_semaphore, #tpu.memory_space<semaphore_mem>>)
      %dma_start3A_259 = arith.constant 0 : i32
      %dma_start3A_260 = tpu.memref_slice %arg16[%dma_start3A_259] : memref<8192xf32, #tpu.memory_space<vmem>> -> memref<4360xf32, #tpu.memory_space<vmem>>
      %dma_start3A_261 = tpu.memref_slice %arg12[%add3A_186] : memref<279040xf32, #tpu.memory_space<hbm>> -> memref<4360xf32, #tpu.memory_space<hbm>>
      %dma_start3A_262 = tpu.memref_slice %arg12[%add3A_186] : memref<279040xf32, #tpu.memory_space<hbm>> -> memref<4360xf32, #tpu.memory_space<hbm>>
      %dma_start3A_263 = arith.constant 0 : i32
      %dma_start3A_264 = tpu.memref_slice %arg16[%dma_start3A_263] : memref<8192xf32, #tpu.memory_space<vmem>> -> memref<4360xf32, #tpu.memory_space<vmem>>
      tpu.enqueue_dma source(%dma_start3A_264 : memref<4360xf32, #tpu.memory_space<vmem>>) target(%dma_start3A_262 : memref<4360xf32, #tpu.memory_space<hbm>>) target_semaphore(%arg32 : memref<!tpu.dma_semaphore, #tpu.memory_space<semaphore_mem>>)
      %dma_start3A_265 = arith.constant 0 : i32
      %dma_start3A_266 = tpu.memref_slice %arg17[%dma_start3A_265] : memref<8192xf32, #tpu.memory_space<vmem>> -> memref<4360xf32, #tpu.memory_space<vmem>>
      %dma_start3A_267 = tpu.memref_slice %arg13[%add3A_186] : memref<279040xf32, #tpu.memory_space<hbm>> -> memref<4360xf32, #tpu.memory_space<hbm>>
      %dma_start3A_268 = tpu.memref_slice %arg13[%add3A_186] : memref<279040xf32, #tpu.memory_space<hbm>> -> memref<4360xf32, #tpu.memory_space<hbm>>
      %dma_start3A_269 = arith.constant 0 : i32
      %dma_start3A_270 = tpu.memref_slice %arg17[%dma_start3A_269] : memref<8192xf32, #tpu.memory_space<vmem>> -> memref<4360xf32, #tpu.memory_space<vmem>>
      tpu.enqueue_dma source(%dma_start3A_270 : memref<4360xf32, #tpu.memory_space<vmem>>) target(%dma_start3A_268 : memref<4360xf32, #tpu.memory_space<hbm>>) target_semaphore(%arg32 : memref<!tpu.dma_semaphore, #tpu.memory_space<semaphore_mem>>)
      %dma_start3A_271 = arith.constant 0 : i32
      %dma_start3A_272 = tpu.memref_slice %arg19[%dma_start3A_271] : memref<8192xf32, #tpu.memory_space<vmem>> -> memref<4360xf32, #tpu.memory_space<vmem>>
      %dma_start3A_273 = tpu.memref_slice %arg14[%add3A_186] : memref<279040xf32, #tpu.memory_space<hbm>> -> memref<4360xf32, #tpu.memory_space<hbm>>
      %dma_start3A_274 = tpu.memref_slice %arg14[%add3A_186] : memref<279040xf32, #tpu.memory_space<hbm>> -> memref<4360xf32, #tpu.memory_space<hbm>>
      %dma_start3A_275 = arith.constant 0 : i32
      %dma_start3A_276 = tpu.memref_slice %arg19[%dma_start3A_275] : memref<8192xf32, #tpu.memory_space<vmem>> -> memref<4360xf32, #tpu.memory_space<vmem>>
      tpu.enqueue_dma source(%dma_start3A_276 : memref<4360xf32, #tpu.memory_space<vmem>>) target(%dma_start3A_274 : memref<4360xf32, #tpu.memory_space<hbm>>) target_semaphore(%arg32 : memref<!tpu.dma_semaphore, #tpu.memory_space<semaphore_mem>>)
      %dma_wait3A_277 = arith.constant 0 : i32
      %dma_wait3A_278 = tpu.memref_slice %arg21[%dma_wait3A_277] : memref<8192xi32, #tpu.memory_space<vmem>> -> memref<4360xi32, #tpu.memory_space<vmem>>
      %dma_wait3A_279 = tpu.memref_slice %arg10[%add3A_186] : memref<279040xi32, #tpu.memory_space<hbm>> -> memref<4360xi32, #tpu.memory_space<hbm>>
      %dma_wait3A_280 = tpu.memref_slice %arg10[%add3A_186] : memref<279040xi32, #tpu.memory_space<hbm>> -> memref<4360xi32, #tpu.memory_space<hbm>>
      %dma_wait3A_281 = arith.constant 0 : i32
      %dma_wait3A_282 = tpu.memref_slice %arg21[%dma_wait3A_281] : memref<8192xi32, #tpu.memory_space<vmem>> -> memref<4360xi32, #tpu.memory_space<vmem>>
      tpu.wait_dma2 semaphore(%arg32 : memref<!tpu.dma_semaphore, #tpu.memory_space<semaphore_mem>>) src(%dma_wait3A_282 : memref<4360xi32, #tpu.memory_space<vmem>>) dst(%dma_wait3A_280 : memref<4360xi32, #tpu.memory_space<hbm>>)
      %dma_wait3A_283 = arith.constant 0 : i32
      %dma_wait3A_284 = tpu.memref_slice %arg18[%dma_wait3A_283] : memref<8192xf32, #tpu.memory_space<vmem>> -> memref<4360xf32, #tpu.memory_space<vmem>>
      %dma_wait3A_285 = tpu.memref_slice %arg11[%add3A_186] : memref<279040xf32, #tpu.memory_space<hbm>> -> memref<4360xf32, #tpu.memory_space<hbm>>
      %dma_wait3A_286 = tpu.memref_slice %arg11[%add3A_186] : memref<279040xf32, #tpu.memory_space<hbm>> -> memref<4360xf32, #tpu.memory_space<hbm>>
      %dma_wait3A_287 = arith.constant 0 : i32
      %dma_wait3A_288 = tpu.memref_slice %arg18[%dma_wait3A_287] : memref<8192xf32, #tpu.memory_space<vmem>> -> memref<4360xf32, #tpu.memory_space<vmem>>
      tpu.wait_dma2 semaphore(%arg32 : memref<!tpu.dma_semaphore, #tpu.memory_space<semaphore_mem>>) src(%dma_wait3A_288 : memref<4360xf32, #tpu.memory_space<vmem>>) dst(%dma_wait3A_286 : memref<4360xf32, #tpu.memory_space<hbm>>)
      %dma_wait3A_289 = arith.constant 0 : i32
      %dma_wait3A_290 = tpu.memref_slice %arg16[%dma_wait3A_289] : memref<8192xf32, #tpu.memory_space<vmem>> -> memref<4360xf32, #tpu.memory_space<vmem>>
      %dma_wait3A_291 = tpu.memref_slice %arg12[%add3A_186] : memref<279040xf32, #tpu.memory_space<hbm>> -> memref<4360xf32, #tpu.memory_space<hbm>>
      %dma_wait3A_292 = tpu.memref_slice %arg12[%add3A_186] : memref<279040xf32, #tpu.memory_space<hbm>> -> memref<4360xf32, #tpu.memory_space<hbm>>
      %dma_wait3A_293 = arith.constant 0 : i32
      %dma_wait3A_294 = tpu.memref_slice %arg16[%dma_wait3A_293] : memref<8192xf32, #tpu.memory_space<vmem>> -> memref<4360xf32, #tpu.memory_space<vmem>>
      tpu.wait_dma2 semaphore(%arg32 : memref<!tpu.dma_semaphore, #tpu.memory_space<semaphore_mem>>) src(%dma_wait3A_294 : memref<4360xf32, #tpu.memory_space<vmem>>) dst(%dma_wait3A_292 : memref<4360xf32, #tpu.memory_space<hbm>>)
      %dma_wait3A_295 = arith.constant 0 : i32
      %dma_wait3A_296 = tpu.memref_slice %arg17[%dma_wait3A_295] : memref<8192xf32, #tpu.memory_space<vmem>> -> memref<4360xf32, #tpu.memory_space<vmem>>
      %dma_wait3A_297 = tpu.memref_slice %arg13[%add3A_186] : memref<279040xf32, #tpu.memory_space<hbm>> -> memref<4360xf32, #tpu.memory_space<hbm>>
      %dma_wait3A_298 = tpu.memref_slice %arg13[%add3A_186] : memref<279040xf32, #tpu.memory_space<hbm>> -> memref<4360xf32, #tpu.memory_space<hbm>>
      %dma_wait3A_299 = arith.constant 0 : i32
      %dma_wait3A_300 = tpu.memref_slice %arg17[%dma_wait3A_299] : memref<8192xf32, #tpu.memory_space<vmem>> -> memref<4360xf32, #tpu.memory_space<vmem>>
      tpu.wait_dma2 semaphore(%arg32 : memref<!tpu.dma_semaphore, #tpu.memory_space<semaphore_mem>>) src(%dma_wait3A_300 : memref<4360xf32, #tpu.memory_space<vmem>>) dst(%dma_wait3A_298 : memref<4360xf32, #tpu.memory_space<hbm>>)
      %dma_wait3A_301 = arith.constant 0 : i32
      %dma_wait3A_302 = tpu.memref_slice %arg19[%dma_wait3A_301] : memref<8192xf32, #tpu.memory_space<vmem>> -> memref<4360xf32, #tpu.memory_space<vmem>>
      %dma_wait3A_303 = tpu.memref_slice %arg14[%add3A_186] : memref<279040xf32, #tpu.memory_space<hbm>> -> memref<4360xf32, #tpu.memory_space<hbm>>
      %dma_wait3A_304 = tpu.memref_slice %arg14[%add3A_186] : memref<279040xf32, #tpu.memory_space<hbm>> -> memref<4360xf32, #tpu.memory_space<hbm>>
      %dma_wait3A_305 = arith.constant 0 : i32
      %dma_wait3A_306 = tpu.memref_slice %arg19[%dma_wait3A_305] : memref<8192xf32, #tpu.memory_space<vmem>> -> memref<4360xf32, #tpu.memory_space<vmem>>
      tpu.wait_dma2 semaphore(%arg32 : memref<!tpu.dma_semaphore, #tpu.memory_space<semaphore_mem>>) src(%dma_wait3A_306 : memref<4360xf32, #tpu.memory_space<vmem>>) dst(%dma_wait3A_304 : memref<4360xf32, #tpu.memory_space<hbm>>)
    }
    %scan3A_173 = arith.constant 2 : i32
    return
  }
}

#map = affine_map<(d0, d1) -> (0)>
module attributes {stable_mosaic.version = 14 : i64} {
  func.func @_merge_body(%arg0: i32, %arg1: i32, %arg2: memref<524288xf32, #tpu.memory_space<hbm>>, %arg3: memref<524288xf32, #tpu.memory_space<hbm>>, %arg4: memref<524288xf32, #tpu.memory_space<hbm>>, %arg5: memref<524288xf32, #tpu.memory_space<hbm>>, %arg6: memref<262144xf32, #tpu.memory_space<hbm>>, %arg7: memref<262144xf32, #tpu.memory_space<hbm>>, %arg8: memref<262144xf32, #tpu.memory_space<hbm>>, %arg9: memref<8192xf32, #tpu.memory_space<vmem>>, %arg10: memref<8192xf32, #tpu.memory_space<vmem>>, %arg11: memref<8192xf32, #tpu.memory_space<vmem>>, %arg12: memref<8192xf32, #tpu.memory_space<vmem>>, %arg13: memref<8192xf32, #tpu.memory_space<vmem>>, %arg14: memref<8192xf32, #tpu.memory_space<vmem>>, %arg15: memref<8192xf32, #tpu.memory_space<vmem>>, %arg16: memref<8192xf32, #tpu.memory_space<vmem>>, %arg17: memref<8192xf32, #tpu.memory_space<vmem>>, %arg18: memref<!tpu.dma_semaphore, #tpu.memory_space<semaphore_mem>>) attributes {dimension_semantics = [#tpu.dimension_semantics<core_parallel>, #tpu.dimension_semantics<subcore_parallel>], iteration_bounds = array<i64: 2, 16>, scalar_prefetch = 0 : i64, scratch_operands = 10 : i64, tpu.core_type = #tpu.core_type<sc_vector_subcore>, window_params = [{transform_indices = #map}, {transform_indices = #map}, {transform_indices = #map}, {transform_indices = #map}, {transform_indices = #map}, {transform_indices = #map}, {transform_indices = #map}]} {
    %mul3A = arith.constant 2 : i32
    %mul3A_0 = arith.muli %arg1, %mul3A : i32
    %add3A = arith.addi %mul3A_0, %arg0 : i32
    %mul3A_1 = arith.constant 8192 : i32
    %mul3A_2 = arith.muli %add3A, %mul3A_1 : i32
    %dma_start3A = tpu.memref_slice %arg5[%mul3A_2] : memref<524288xf32, #tpu.memory_space<hbm>> -> memref<8192xf32, #tpu.memory_space<hbm>>
    %dma_start3A_3 = tpu.memref_slice %arg5[%mul3A_2] : memref<524288xf32, #tpu.memory_space<hbm>> -> memref<8192xf32, #tpu.memory_space<hbm>>
    tpu.enqueue_dma source(%dma_start3A_3 : memref<8192xf32, #tpu.memory_space<hbm>>) target(%arg9 : memref<8192xf32, #tpu.memory_space<vmem>>) target_semaphore(%arg18 : memref<!tpu.dma_semaphore, #tpu.memory_space<semaphore_mem>>)
    %add3A_4 = arith.constant 262144 : i32
    %add3A_5 = arith.addi %add3A_4, %mul3A_2 : i32
    %dma_start3A_6 = tpu.memref_slice %arg5[%add3A_5] : memref<524288xf32, #tpu.memory_space<hbm>> -> memref<8192xf32, #tpu.memory_space<hbm>>
    %dma_start3A_7 = tpu.memref_slice %arg5[%add3A_5] : memref<524288xf32, #tpu.memory_space<hbm>> -> memref<8192xf32, #tpu.memory_space<hbm>>
    tpu.enqueue_dma source(%dma_start3A_7 : memref<8192xf32, #tpu.memory_space<hbm>>) target(%arg10 : memref<8192xf32, #tpu.memory_space<vmem>>) target_semaphore(%arg18 : memref<!tpu.dma_semaphore, #tpu.memory_space<semaphore_mem>>)
    %dma_start3A_8 = tpu.memref_slice %arg2[%mul3A_2] : memref<524288xf32, #tpu.memory_space<hbm>> -> memref<8192xf32, #tpu.memory_space<hbm>>
    %dma_start3A_9 = tpu.memref_slice %arg2[%mul3A_2] : memref<524288xf32, #tpu.memory_space<hbm>> -> memref<8192xf32, #tpu.memory_space<hbm>>
    tpu.enqueue_dma source(%dma_start3A_9 : memref<8192xf32, #tpu.memory_space<hbm>>) target(%arg11 : memref<8192xf32, #tpu.memory_space<vmem>>) target_semaphore(%arg18 : memref<!tpu.dma_semaphore, #tpu.memory_space<semaphore_mem>>)
    %add3A_10 = arith.constant 262144 : i32
    %add3A_11 = arith.addi %add3A_10, %mul3A_2 : i32
    %dma_start3A_12 = tpu.memref_slice %arg2[%add3A_11] : memref<524288xf32, #tpu.memory_space<hbm>> -> memref<8192xf32, #tpu.memory_space<hbm>>
    %dma_start3A_13 = tpu.memref_slice %arg2[%add3A_11] : memref<524288xf32, #tpu.memory_space<hbm>> -> memref<8192xf32, #tpu.memory_space<hbm>>
    tpu.enqueue_dma source(%dma_start3A_13 : memref<8192xf32, #tpu.memory_space<hbm>>) target(%arg12 : memref<8192xf32, #tpu.memory_space<vmem>>) target_semaphore(%arg18 : memref<!tpu.dma_semaphore, #tpu.memory_space<semaphore_mem>>)
    %dma_start3A_14 = tpu.memref_slice %arg3[%mul3A_2] : memref<524288xf32, #tpu.memory_space<hbm>> -> memref<8192xf32, #tpu.memory_space<hbm>>
    %dma_start3A_15 = tpu.memref_slice %arg3[%mul3A_2] : memref<524288xf32, #tpu.memory_space<hbm>> -> memref<8192xf32, #tpu.memory_space<hbm>>
    tpu.enqueue_dma source(%dma_start3A_15 : memref<8192xf32, #tpu.memory_space<hbm>>) target(%arg13 : memref<8192xf32, #tpu.memory_space<vmem>>) target_semaphore(%arg18 : memref<!tpu.dma_semaphore, #tpu.memory_space<semaphore_mem>>)
    %add3A_16 = arith.constant 262144 : i32
    %add3A_17 = arith.addi %add3A_16, %mul3A_2 : i32
    %dma_start3A_18 = tpu.memref_slice %arg3[%add3A_17] : memref<524288xf32, #tpu.memory_space<hbm>> -> memref<8192xf32, #tpu.memory_space<hbm>>
    %dma_start3A_19 = tpu.memref_slice %arg3[%add3A_17] : memref<524288xf32, #tpu.memory_space<hbm>> -> memref<8192xf32, #tpu.memory_space<hbm>>
    tpu.enqueue_dma source(%dma_start3A_19 : memref<8192xf32, #tpu.memory_space<hbm>>) target(%arg14 : memref<8192xf32, #tpu.memory_space<vmem>>) target_semaphore(%arg18 : memref<!tpu.dma_semaphore, #tpu.memory_space<semaphore_mem>>)
    %dma_start3A_20 = tpu.memref_slice %arg4[%mul3A_2] : memref<524288xf32, #tpu.memory_space<hbm>> -> memref<8192xf32, #tpu.memory_space<hbm>>
    %dma_start3A_21 = tpu.memref_slice %arg4[%mul3A_2] : memref<524288xf32, #tpu.memory_space<hbm>> -> memref<8192xf32, #tpu.memory_space<hbm>>
    tpu.enqueue_dma source(%dma_start3A_21 : memref<8192xf32, #tpu.memory_space<hbm>>) target(%arg15 : memref<8192xf32, #tpu.memory_space<vmem>>) target_semaphore(%arg18 : memref<!tpu.dma_semaphore, #tpu.memory_space<semaphore_mem>>)
    %add3A_22 = arith.constant 262144 : i32
    %add3A_23 = arith.addi %add3A_22, %mul3A_2 : i32
    %dma_start3A_24 = tpu.memref_slice %arg4[%add3A_23] : memref<524288xf32, #tpu.memory_space<hbm>> -> memref<8192xf32, #tpu.memory_space<hbm>>
    %dma_start3A_25 = tpu.memref_slice %arg4[%add3A_23] : memref<524288xf32, #tpu.memory_space<hbm>> -> memref<8192xf32, #tpu.memory_space<hbm>>
    tpu.enqueue_dma source(%dma_start3A_25 : memref<8192xf32, #tpu.memory_space<hbm>>) target(%arg16 : memref<8192xf32, #tpu.memory_space<vmem>>) target_semaphore(%arg18 : memref<!tpu.dma_semaphore, #tpu.memory_space<semaphore_mem>>)
    %dma_wait3A = tpu.memref_slice %arg5[%mul3A_2] : memref<524288xf32, #tpu.memory_space<hbm>> -> memref<8192xf32, #tpu.memory_space<hbm>>
    %dma_wait3A_26 = tpu.memref_slice %arg5[%mul3A_2] : memref<524288xf32, #tpu.memory_space<hbm>> -> memref<8192xf32, #tpu.memory_space<hbm>>
    tpu.wait_dma2 semaphore(%arg18 : memref<!tpu.dma_semaphore, #tpu.memory_space<semaphore_mem>>) src(%dma_wait3A_26 : memref<8192xf32, #tpu.memory_space<hbm>>) dst(%arg9 : memref<8192xf32, #tpu.memory_space<vmem>>)
    %dma_wait3A_27 = tpu.memref_slice %arg5[%add3A_5] : memref<524288xf32, #tpu.memory_space<hbm>> -> memref<8192xf32, #tpu.memory_space<hbm>>
    %dma_wait3A_28 = tpu.memref_slice %arg5[%add3A_5] : memref<524288xf32, #tpu.memory_space<hbm>> -> memref<8192xf32, #tpu.memory_space<hbm>>
    tpu.wait_dma2 semaphore(%arg18 : memref<!tpu.dma_semaphore, #tpu.memory_space<semaphore_mem>>) src(%dma_wait3A_28 : memref<8192xf32, #tpu.memory_space<hbm>>) dst(%arg10 : memref<8192xf32, #tpu.memory_space<vmem>>)
    %scan3A = arith.constant 0 : i32
    %scan3A_29 = arith.constant 512 : i32
    %scan3A_30 = arith.addi %scan3A, %scan3A_29 : i32
    %scan3A_31 = arith.constant 1 : i32
    scf.for %scan3A_72 = %scan3A to %scan3A_30 step %scan3A_31  : i32 {
      %mul3A_73 = arith.constant 1 : i32
      %mul3A_74 = arith.muli %scan3A_72, %mul3A_73 : i32
      %add3A_75 = arith.constant 0 : i32
      %add3A_76 = arith.addi %add3A_75, %mul3A_74 : i32
      %mul3A_77 = arith.constant 16 : i32
      %mul3A_78 = arith.muli %add3A_76, %mul3A_77 : i32
      %get3A = arith.index_cast %mul3A_78 : i32 to index
      %get3A_79 = tpu.vector_load %arg9[%get3A] {strides = array<i32>} : memref<8192xf32, #tpu.memory_space<vmem>>, vector<16xf32>,
      %get3A_80 = arith.index_cast %mul3A_78 : i32 to index
      %get3A_81 = tpu.vector_load %arg10[%get3A_80] {strides = array<i32>} : memref<8192xf32, #tpu.memory_space<vmem>>, vector<16xf32>,
      %add3A_82 = arith.addf %get3A_79, %get3A_81 : vector<16xf32>
      %max3A = arith.constant 1.000000e+00 : f32
      %max3A_83 = vector.broadcast %max3A : f32 to vector<16xf32>
      %max3A_84 = arith.maximumf %add3A_82, %max3A_83 : vector<16xf32>
      %div3A = arith.constant 1.000000e+00 : f32
      %div3A_85 = vector.broadcast %div3A : f32 to vector<16xf32>
      %div3A_86 = arith.divf %div3A_85, %max3A_84 : vector<16xf32>
      %swap3A = arith.index_cast %mul3A_78 : i32 to index
      %swap3A_87 = tpu.vector_load %arg17[%swap3A] {strides = array<i32>} : memref<8192xf32, #tpu.memory_space<vmem>>, vector<16xf32>,
      tpu.vector_store %arg17[%swap3A], %div3A_86 {strides = array<i32>} : memref<8192xf32, #tpu.memory_space<vmem>>, vector<16xf32>,
    }
    %scan3A_32 = arith.constant 512 : i32
    %dma_wait3A_33 = tpu.memref_slice %arg2[%mul3A_2] : memref<524288xf32, #tpu.memory_space<hbm>> -> memref<8192xf32, #tpu.memory_space<hbm>>
    %dma_wait3A_34 = tpu.memref_slice %arg2[%mul3A_2] : memref<524288xf32, #tpu.memory_space<hbm>> -> memref<8192xf32, #tpu.memory_space<hbm>>
    tpu.wait_dma2 semaphore(%arg18 : memref<!tpu.dma_semaphore, #tpu.memory_space<semaphore_mem>>) src(%dma_wait3A_34 : memref<8192xf32, #tpu.memory_space<hbm>>) dst(%arg11 : memref<8192xf32, #tpu.memory_space<vmem>>)
    %dma_wait3A_35 = tpu.memref_slice %arg2[%add3A_11] : memref<524288xf32, #tpu.memory_space<hbm>> -> memref<8192xf32, #tpu.memory_space<hbm>>
    %dma_wait3A_36 = tpu.memref_slice %arg2[%add3A_11] : memref<524288xf32, #tpu.memory_space<hbm>> -> memref<8192xf32, #tpu.memory_space<hbm>>
    tpu.wait_dma2 semaphore(%arg18 : memref<!tpu.dma_semaphore, #tpu.memory_space<semaphore_mem>>) src(%dma_wait3A_36 : memref<8192xf32, #tpu.memory_space<hbm>>) dst(%arg12 : memref<8192xf32, #tpu.memory_space<vmem>>)
    %dma_wait3A_37 = tpu.memref_slice %arg3[%mul3A_2] : memref<524288xf32, #tpu.memory_space<hbm>> -> memref<8192xf32, #tpu.memory_space<hbm>>
    %dma_wait3A_38 = tpu.memref_slice %arg3[%mul3A_2] : memref<524288xf32, #tpu.memory_space<hbm>> -> memref<8192xf32, #tpu.memory_space<hbm>>
    tpu.wait_dma2 semaphore(%arg18 : memref<!tpu.dma_semaphore, #tpu.memory_space<semaphore_mem>>) src(%dma_wait3A_38 : memref<8192xf32, #tpu.memory_space<hbm>>) dst(%arg13 : memref<8192xf32, #tpu.memory_space<vmem>>)
    %dma_wait3A_39 = tpu.memref_slice %arg3[%add3A_17] : memref<524288xf32, #tpu.memory_space<hbm>> -> memref<8192xf32, #tpu.memory_space<hbm>>
    %dma_wait3A_40 = tpu.memref_slice %arg3[%add3A_17] : memref<524288xf32, #tpu.memory_space<hbm>> -> memref<8192xf32, #tpu.memory_space<hbm>>
    tpu.wait_dma2 semaphore(%arg18 : memref<!tpu.dma_semaphore, #tpu.memory_space<semaphore_mem>>) src(%dma_wait3A_40 : memref<8192xf32, #tpu.memory_space<hbm>>) dst(%arg14 : memref<8192xf32, #tpu.memory_space<vmem>>)
    %dma_wait3A_41 = tpu.memref_slice %arg4[%mul3A_2] : memref<524288xf32, #tpu.memory_space<hbm>> -> memref<8192xf32, #tpu.memory_space<hbm>>
    %dma_wait3A_42 = tpu.memref_slice %arg4[%mul3A_2] : memref<524288xf32, #tpu.memory_space<hbm>> -> memref<8192xf32, #tpu.memory_space<hbm>>
    tpu.wait_dma2 semaphore(%arg18 : memref<!tpu.dma_semaphore, #tpu.memory_space<semaphore_mem>>) src(%dma_wait3A_42 : memref<8192xf32, #tpu.memory_space<hbm>>) dst(%arg15 : memref<8192xf32, #tpu.memory_space<vmem>>)
    %dma_wait3A_43 = tpu.memref_slice %arg4[%add3A_23] : memref<524288xf32, #tpu.memory_space<hbm>> -> memref<8192xf32, #tpu.memory_space<hbm>>
    %dma_wait3A_44 = tpu.memref_slice %arg4[%add3A_23] : memref<524288xf32, #tpu.memory_space<hbm>> -> memref<8192xf32, #tpu.memory_space<hbm>>
    tpu.wait_dma2 semaphore(%arg18 : memref<!tpu.dma_semaphore, #tpu.memory_space<semaphore_mem>>) src(%dma_wait3A_44 : memref<8192xf32, #tpu.memory_space<hbm>>) dst(%arg16 : memref<8192xf32, #tpu.memory_space<vmem>>)
    %scan3A_45 = arith.constant 0 : i32
    %scan3A_46 = arith.constant 512 : i32
    %scan3A_47 = arith.addi %scan3A_45, %scan3A_46 : i32
    %scan3A_48 = arith.constant 1 : i32
    scf.for %scan3A_72 = %scan3A_45 to %scan3A_47 step %scan3A_48  : i32 {
      %mul3A_73 = arith.constant 1 : i32
      %mul3A_74 = arith.muli %scan3A_72, %mul3A_73 : i32
      %add3A_75 = arith.constant 0 : i32
      %add3A_76 = arith.addi %add3A_75, %mul3A_74 : i32
      %mul3A_77 = arith.constant 16 : i32
      %mul3A_78 = arith.muli %add3A_76, %mul3A_77 : i32
      %get3A = arith.index_cast %mul3A_78 : i32 to index
      %get3A_79 = tpu.vector_load %arg11[%get3A] {strides = array<i32>} : memref<8192xf32, #tpu.memory_space<vmem>>, vector<16xf32>,
      %get3A_80 = arith.index_cast %mul3A_78 : i32 to index
      %get3A_81 = tpu.vector_load %arg12[%get3A_80] {strides = array<i32>} : memref<8192xf32, #tpu.memory_space<vmem>>, vector<16xf32>,
      %add3A_82 = arith.addf %get3A_79, %get3A_81 : vector<16xf32>
      %get3A_83 = arith.index_cast %mul3A_78 : i32 to index
      %get3A_84 = tpu.vector_load %arg17[%get3A_83] {strides = array<i32>} : memref<8192xf32, #tpu.memory_space<vmem>>, vector<16xf32>,
      %mul3A_85 = arith.mulf %add3A_82, %get3A_84 : vector<16xf32>
      %swap3A = arith.index_cast %mul3A_78 : i32 to index
      %swap3A_86 = tpu.vector_load %arg11[%swap3A] {strides = array<i32>} : memref<8192xf32, #tpu.memory_space<vmem>>, vector<16xf32>,
      tpu.vector_store %arg11[%swap3A], %mul3A_85 {strides = array<i32>} : memref<8192xf32, #tpu.memory_space<vmem>>, vector<16xf32>,
    }
    %scan3A_49 = arith.constant 512 : i32
    %dma_start3A_50 = tpu.memref_slice %arg6[%mul3A_2] : memref<262144xf32, #tpu.memory_space<hbm>> -> memref<8192xf32, #tpu.memory_space<hbm>>
    %dma_start3A_51 = tpu.memref_slice %arg6[%mul3A_2] : memref<262144xf32, #tpu.memory_space<hbm>> -> memref<8192xf32, #tpu.memory_space<hbm>>
    tpu.enqueue_dma source(%arg11 : memref<8192xf32, #tpu.memory_space<vmem>>) target(%dma_start3A_51 : memref<8192xf32, #tpu.memory_space<hbm>>) target_semaphore(%arg18 : memref<!tpu.dma_semaphore, #tpu.memory_space<semaphore_mem>>)
    %scan3A_52 = arith.constant 0 : i32
    %scan3A_53 = arith.constant 512 : i32
    %scan3A_54 = arith.addi %scan3A_52, %scan3A_53 : i32
    %scan3A_55 = arith.constant 1 : i32
    scf.for %scan3A_72 = %scan3A_52 to %scan3A_54 step %scan3A_55  : i32 {
      %mul3A_73 = arith.constant 1 : i32
      %mul3A_74 = arith.muli %scan3A_72, %mul3A_73 : i32
      %add3A_75 = arith.constant 0 : i32
      %add3A_76 = arith.addi %add3A_75, %mul3A_74 : i32
      %mul3A_77 = arith.constant 16 : i32
      %mul3A_78 = arith.muli %add3A_76, %mul3A_77 : i32
      %get3A = arith.index_cast %mul3A_78 : i32 to index
      %get3A_79 = tpu.vector_load %arg13[%get3A] {strides = array<i32>} : memref<8192xf32, #tpu.memory_space<vmem>>, vector<16xf32>,
      %get3A_80 = arith.index_cast %mul3A_78 : i32 to index
      %get3A_81 = tpu.vector_load %arg14[%get3A_80] {strides = array<i32>} : memref<8192xf32, #tpu.memory_space<vmem>>, vector<16xf32>,
      %add3A_82 = arith.addf %get3A_79, %get3A_81 : vector<16xf32>
      %get3A_83 = arith.index_cast %mul3A_78 : i32 to index
      %get3A_84 = tpu.vector_load %arg17[%get3A_83] {strides = array<i32>} : memref<8192xf32, #tpu.memory_space<vmem>>, vector<16xf32>,
      %mul3A_85 = arith.mulf %add3A_82, %get3A_84 : vector<16xf32>
      %swap3A = arith.index_cast %mul3A_78 : i32 to index
      %swap3A_86 = tpu.vector_load %arg13[%swap3A] {strides = array<i32>} : memref<8192xf32, #tpu.memory_space<vmem>>, vector<16xf32>,
      tpu.vector_store %arg13[%swap3A], %mul3A_85 {strides = array<i32>} : memref<8192xf32, #tpu.memory_space<vmem>>, vector<16xf32>,
    }
    %scan3A_56 = arith.constant 512 : i32
    %dma_start3A_57 = tpu.memref_slice %arg7[%mul3A_2] : memref<262144xf32, #tpu.memory_space<hbm>> -> memref<8192xf32, #tpu.memory_space<hbm>>
    %dma_start3A_58 = tpu.memref_slice %arg7[%mul3A_2] : memref<262144xf32, #tpu.memory_space<hbm>> -> memref<8192xf32, #tpu.memory_space<hbm>>
    tpu.enqueue_dma source(%arg13 : memref<8192xf32, #tpu.memory_space<vmem>>) target(%dma_start3A_58 : memref<8192xf32, #tpu.memory_space<hbm>>) target_semaphore(%arg18 : memref<!tpu.dma_semaphore, #tpu.memory_space<semaphore_mem>>)
    %scan3A_59 = arith.constant 0 : i32
    %scan3A_60 = arith.constant 512 : i32
    %scan3A_61 = arith.addi %scan3A_59, %scan3A_60 : i32
    %scan3A_62 = arith.constant 1 : i32
    scf.for %scan3A_72 = %scan3A_59 to %scan3A_61 step %scan3A_62  : i32 {
      %mul3A_73 = arith.constant 1 : i32
      %mul3A_74 = arith.muli %scan3A_72, %mul3A_73 : i32
      %add3A_75 = arith.constant 0 : i32
      %add3A_76 = arith.addi %add3A_75, %mul3A_74 : i32
      %mul3A_77 = arith.constant 16 : i32
      %mul3A_78 = arith.muli %add3A_76, %mul3A_77 : i32
      %get3A = arith.index_cast %mul3A_78 : i32 to index
      %get3A_79 = tpu.vector_load %arg15[%get3A] {strides = array<i32>} : memref<8192xf32, #tpu.memory_space<vmem>>, vector<16xf32>,
      %get3A_80 = arith.index_cast %mul3A_78 : i32 to index
      %get3A_81 = tpu.vector_load %arg16[%get3A_80] {strides = array<i32>} : memref<8192xf32, #tpu.memory_space<vmem>>, vector<16xf32>,
      %add3A_82 = arith.addf %get3A_79, %get3A_81 : vector<16xf32>
      %get3A_83 = arith.index_cast %mul3A_78 : i32 to index
      %get3A_84 = tpu.vector_load %arg17[%get3A_83] {strides = array<i32>} : memref<8192xf32, #tpu.memory_space<vmem>>, vector<16xf32>,
      %mul3A_85 = arith.mulf %add3A_82, %get3A_84 : vector<16xf32>
      %swap3A = arith.index_cast %mul3A_78 : i32 to index
      %swap3A_86 = tpu.vector_load %arg15[%swap3A] {strides = array<i32>} : memref<8192xf32, #tpu.memory_space<vmem>>, vector<16xf32>,
      tpu.vector_store %arg15[%swap3A], %mul3A_85 {strides = array<i32>} : memref<8192xf32, #tpu.memory_space<vmem>>, vector<16xf32>,
    }
    %scan3A_63 = arith.constant 512 : i32
    %dma_start3A_64 = tpu.memref_slice %arg8[%mul3A_2] : memref<262144xf32, #tpu.memory_space<hbm>> -> memref<8192xf32, #tpu.memory_space<hbm>>
    %dma_start3A_65 = tpu.memref_slice %arg8[%mul3A_2] : memref<262144xf32, #tpu.memory_space<hbm>> -> memref<8192xf32, #tpu.memory_space<hbm>>
    tpu.enqueue_dma source(%arg15 : memref<8192xf32, #tpu.memory_space<vmem>>) target(%dma_start3A_65 : memref<8192xf32, #tpu.memory_space<hbm>>) target_semaphore(%arg18 : memref<!tpu.dma_semaphore, #tpu.memory_space<semaphore_mem>>)
    %dma_wait3A_66 = tpu.memref_slice %arg6[%mul3A_2] : memref<262144xf32, #tpu.memory_space<hbm>> -> memref<8192xf32, #tpu.memory_space<hbm>>
    %dma_wait3A_67 = tpu.memref_slice %arg6[%mul3A_2] : memref<262144xf32, #tpu.memory_space<hbm>> -> memref<8192xf32, #tpu.memory_space<hbm>>
    tpu.wait_dma2 semaphore(%arg18 : memref<!tpu.dma_semaphore, #tpu.memory_space<semaphore_mem>>) src(%arg11 : memref<8192xf32, #tpu.memory_space<vmem>>) dst(%dma_wait3A_67 : memref<8192xf32, #tpu.memory_space<hbm>>)
    %dma_wait3A_68 = tpu.memref_slice %arg7[%mul3A_2] : memref<262144xf32, #tpu.memory_space<hbm>> -> memref<8192xf32, #tpu.memory_space<hbm>>
    %dma_wait3A_69 = tpu.memref_slice %arg7[%mul3A_2] : memref<262144xf32, #tpu.memory_space<hbm>> -> memref<8192xf32, #tpu.memory_space<hbm>>
    tpu.wait_dma2 semaphore(%arg18 : memref<!tpu.dma_semaphore, #tpu.memory_space<semaphore_mem>>) src(%arg13 : memref<8192xf32, #tpu.memory_space<vmem>>) dst(%dma_wait3A_69 : memref<8192xf32, #tpu.memory_space<hbm>>)
    %dma_wait3A_70 = tpu.memref_slice %arg8[%mul3A_2] : memref<262144xf32, #tpu.memory_space<hbm>> -> memref<8192xf32, #tpu.memory_space<hbm>>
    %dma_wait3A_71 = tpu.memref_slice %arg8[%mul3A_2] : memref<262144xf32, #tpu.memory_space<hbm>> -> memref<8192xf32, #tpu.memory_space<hbm>>
    tpu.wait_dma2 semaphore(%arg18 : memref<!tpu.dma_semaphore, #tpu.memory_space<semaphore_mem>>) src(%arg15 : memref<8192xf32, #tpu.memory_space<vmem>>) dst(%dma_wait3A_71 : memref<8192xf32, #tpu.memory_space<hbm>>)
    return
  }
}

</mosaic_0001>

<sc_bundles>
// kernel: _run.11.cloned.1.call-start
scs
__scs_entry_jumppad:
0x0: {  	(pc) =	sbr.rel $0x88, $3  }
0x1: {  	(tag) =	ssettag $0x0;
	lr =	simm.s32 $0x1  }
0x2: {  	[smem:$0x3F9A] =	sst lr;
	_ =	strace $0xD0000000  }
0x3: {  	_ = 	snop  }
0x4: {  	_ = 	snop  }
0x5: {  	_ = 	snop  }
0x6: {  	_ = 	snop  }
0x7: {  	_ = 	snop  }
__scs_overlays_trampoline_lowered:
0x8: {  	[smem:$0x3FA9] =	sst s0  }
0x9: {  	[smem:$0x3FAA] =	sst s1  }
0xa: {  	[smem:$0x3FAB] =	sst s2  }
0xb: {  	[smem:$0x3FAC] =	sst s3  }
0xc: {  	[smem:$0x3FAD] =	sst s4  }
0xd: {  	[smem:$0x3FAE] =	sst s5  }
0xe: {  	[smem:$0x3FAF] =	sst s6  }
0xf: {  	[smem:$0x3FB0] =	sst s7  }
0x10: {  	[smem:$0x3FB1] =	sst s8  }
0x11: {  	[smem:$0x3FB2] =	sst s9;
	s0 =	simm.s32 @!p0 $0x0  }
0x12: {  	s1 =	sld [smem:$0x3F98];
	s0 =	simm.s32 @p0 $0x1  }
0x13: {  	[smem:$0x3FB3] =	sst s0;
	s0 =	simm.s32 @!p1 $0x0  }
0x14: {  	s2 =	sld [smem:$0x3F97];
	s0 =	simm.s32 @p1 $0x1  }
0x15: {  	[smem:$0x3FB4] =	sst s0;
	s0 =	simm.s32 @!p2 $0x0  }
0x16: {  	s3 =	sld [smem:$0x3FDB];
	s0 =	simm.s32 @p2 $0x1  }
0x17: {  	s4 =	simm.s32 $0x1BF5;
	[smem:$0x3FB6] =	sst s0  }
0x18: {  	s0 =	sld [smem:$0x3F99];
	_ =	swait.ge [sflag:s4], $0x0  }
0x19: {  	s7 =	sld [smem:$0x3F9A]  }
0x1a: {  	s8 =	sadd.s32 $0xFFFFE003, lr  }
0x1b: {  	s9 =	sadd.s32 $0xFFFFFEF7, lr;
	s5 =	simm.s32 $0xFFFFFFFF;
	p2 =	slt.u32 s8, $0xFFFFF086  }
0x1c: {  	p1 =	slt.u32 s9, $0xF7A;
	s5 =	simm.s32 @!p2 $0x0  }
0x1d: {  	s5 =	simm.s32 @p1 $0x1;
	p0 =	seq.s32 s7, s2  }
0x1e: {  	s7 =	smul.u32 @!p0 $0xF7A, s2;
	p2 =	seq.s32 @!p0 s5, $0x0  }
0x1f: {  	s9 =	smul.u32 $0xF7A, s1;
	s8 =	simm.s32 @!p0 $0x1BF5;
	p2 =	por !p2, p0  }
0x20: {  	[sflag:s8] =	ssyncset.s32 @!p0 $0xFFFFF086;
	s6 =	sadd.s32 @!p0 s3, s7;
	s7 =	simm.s32 @!p0 $0x108  }
0x21: {  	s3 =	sadd.s32 s3, s9;
	s6 =	sadd.s32 @!p0 $0x88, s6;
	s7 =	simm.s32 @p2 $0x1082  }
0x22: {  	[simem:s7], [sflag:s8] =	dma.local @!p0 [hbm:s6], $0xF7A  }
0x23: {  	s9 =	sor.u32 $0xD0000000, s2;
	s6 =	simm.s32 $0x108;
	_ =	swait.ge @!p0 [sflag:s8], $0x0  }
0x24: {  	s3 =	sadd.s32 $0x88, s3;
	s6 =	simm.s32 @!p1 $0x1082;
	[sflag:s4] =	ssyncset.s32 $0xFFFFF086  }
0x25: {  	[simem:s6], [sflag:s4] =	dma.local [hbm:s3], $0xF7A  }
0x26: {  	[smem:$0x3F9A] =	sst s1;
	(tag) =	ssettag s2;
	_ =	strace s9  }
0x27: {  	s1 =	sld [smem:$0x3FAA]  }
0x28: {  	s2 =	sld [smem:$0x3FAB]  }
0x29: {  	s4 =	sld [smem:$0x3FAD]  }
0x2a: {  	p0 =	seq.s32 s5, $0x0;
	s5 =	sld [smem:$0x3FAE]  }
0x2b: {  	s6 =	sld [smem:$0x3FAF]  }
0x2c: {  	s7 =	sld [smem:$0x3FB0]  }
0x2d: {  	s3 =	simm.s32 $0x108;
	s8 =	sld [smem:$0x3FB1]  }
0x2e: {  	s3 =	simm.s32 @!p0 $0x1082;
	s9 =	sld [smem:$0x3FB2]  }
0x2f: {  	lr =	sadd.s32 s0, s3;
	s0 =	sld [smem:$0x3FA9]  }
0x30: {  	s3 =	sld [smem:$0x3FAC]  }
0x31: {  	[smem:$0x3FB5] =	sst s10  }
0x32: {  	s10 =	sld [smem:$0x3FB3];
	_ =	sdelay $0x3  }
0x33: {  	p0 =	seq.s32 s10, $0x1;
	s10 =	sld [smem:$0x3FB5];
	_ =	sdelay $0x3  }
0x34: {  	[smem:$0x3FB5] =	sst s10  }
0x35: {  	s10 =	sld [smem:$0x3FB4];
	_ =	sdelay $0x3  }
0x36: {  	p1 =	seq.s32 s10, $0x1;
	s10 =	sld [smem:$0x3FB5];
	_ =	sdelay $0x3  }
0x37: {  	[smem:$0x3FB5] =	sst s10  }
0x38: {  	s10 =	sld [smem:$0x3FB6]  }
0x39: {  	_ = 	snop;
	(pc) =	sbr.ind lr, $3  }
0x3a: {  	_ = 	snop  }
0x3b: {  	_ = 	snop  }
0x3c: {  	p2 =	seq.s32 s10, $0x1;
	s10 =	sld [smem:$0x3FB5]  }
0x3d: {  	_ =	shalt  }
0x3e: {  	_ =	shalt  }
0x3f: {  	_ =	shalt  }
0x40: {  	_ =	shalt  }
0x41: {  	_ =	shalt  }
0x42: {  	_ =	shalt  }
0x43: {  	_ =	shalt  }
0x44: {  	_ =	shalt  }
0x45: {  	_ =	shalt  }
0x46: {  	_ =	shalt  }
0x47: {  	_ =	shalt  }
0x48: {  	_ =	shalt  }
0x49: {  	_ =	shalt  }
0x4a: {  	_ =	shalt  }
0x4b: {  	_ =	shalt  }
0x4c: {  	_ =	shalt  }
0x4d: {  	_ =	shalt  }
0x4e: {  	_ =	shalt  }
0x4f: {  	_ =	shalt  }
0x50: {  	_ =	shalt  }
0x51: {  	_ =	shalt  }
0x52: {  	_ =	shalt  }
0x53: {  	_ =	shalt  }
0x54: {  	_ =	shalt  }
0x55: {  	_ =	shalt  }
0x56: {  	_ =	shalt  }
0x57: {  	_ =	shalt  }
0x58: {  	_ =	shalt  }
0x59: {  	_ =	shalt  }
0x5a: {  	_ =	shalt  }
0x5b: {  	_ =	shalt  }
0x5c: {  	_ =	shalt  }
0x5d: {  	_ =	shalt  }
0x5e: {  	_ =	shalt  }
0x5f: {  	_ =	shalt  }
0x60: {  	_ =	shalt  }
0x61: {  	_ =	shalt  }
0x62: {  	_ =	shalt  }
0x63: {  	_ =	shalt  }
0x64: {  	_ =	shalt  }
0x65: {  	_ =	shalt  }
0x66: {  	_ =	shalt  }
0x67: {  	_ =	shalt  }
0x68: {  	_ =	shalt  }
0x69: {  	_ =	shalt  }
0x6a: {  	_ =	shalt  }
0x6b: {  	_ =	shalt  }
0x6c: {  	_ =	shalt  }
0x6d: {  	_ =	shalt  }
0x6e: {  	_ =	shalt  }
0x6f: {  	_ =	shalt  }
0x70: {  	_ =	shalt  }
0x71: {  	_ =	shalt  }
0x72: {  	_ =	shalt  }
0x73: {  	_ =	shalt  }
0x74: {  	_ =	shalt  }
0x75: {  	_ =	shalt  }
0x76: {  	_ =	shalt  }
0x77: {  	_ =	shalt  }
0x78: {  	_ =	shalt  }
0x79: {  	_ =	shalt  }
0x7a: {  	_ =	shalt  }
0x7b: {  	_ =	shalt  }
0x7c: {  	_ =	shalt  }
0x7d: {  	_ =	shalt  }
0x7e: {  	_ =	shalt  }
0x7f: {  	_ =	shalt  }
0x80: {  	_ =	shalt  }
0x81: {  	_ =	shalt  }
0x82: {  	_ =	shalt  }
0x83: {  	_ =	shalt  }
0x84: {  	_ =	shalt  }
0x85: {  	_ =	shalt  }
0x86: {  	_ =	shalt  }
0x87: {  	_ =	shalt  }
.Lfunc_end0:
.L_simem_size_0:
called_computation.2_lowered:
.L_overlay_start_0:
0x88: {  	s2 =	sld [smem:$0x3FD9]  }
0x89: {  	s3 =	sld [smem:$0x3FFE];
	_ =	sdelay $0x1  }
0x8a: {  	s1 =	srdreg.scid  }
0x8b: {  	s0 =	sand.u32 $0x1, s1  }
0x8c: {  	s17 =	sshll.u32 s0, $0xA;
	s2 =	sadd.s32 s3, s2  }
0x8d: {  	s2 =	sadd.s32 s2, s17  }
0x8e: {  	[smem:$0x3FC1] =	sst s2  }
0x8f: {  	_ = 	snop  }
0x90: {  	s2 =	sld [smem:$0x3FD0];
	(tm) =	ssettm $0x1  }
0x91: {  	s18 =	sld [smem:$0x3FFB];
	_ =	sdelay $0x3  }
0x92: {  	_ =	strace s18  }
0x93: {  	s3 =	sld [smem:$0x3FFC];
	_ =	sdelay $0x3  }
0x94: {  	_ =	strace s3  }
0x95: {  	s3 =	sld [smem:$0x3FFD];
	_ =	sdelay $0x3  }
0x96: {  	_ =	strace s3  }
0x97: {  	_ =	strace $0x8FFFFFFF  }
0x98: {  	s19 =	sld [smem:$0x3FDB];
	_ =	sdelay $0x1  }
0x99: {  	s4 =	simm.s32 $_scs_section_size  }
0x9a: {  	s5 =	simm.s32 $_size__tile_overlayer_lowered;
	s6 =	simm.s32 $_tile_overlayer_lowered  }
0x9b: {  	s22 =	simm.s32 $0x1BFF;
	s21 =	sshll.u32 s6, $0x1;
	s3 =	sadd.s32 s4, s19  }
0x9c: {  	s7 =	simm.s32 $0x0;
	s20 =	sshll.u32 s5, $0x1;
	s5 =	sadd.s32 s21, s3  }
0x9d: {  	[timem:s7], [sflag:s22] =	dma.local [hbm:s5], s20  }
0x9e: {  	_ =	swait.ge [sflag:s22], s20  }
0x9f: {  	s4 =	ssub.s32 $0x0, s20;
	[sflag:s22] =	ssyncset.done $0x0  }
0xa0: {  	[sflag:s22] =	ssyncadd.s32 s4;
	_ =	sdelay $0x1  }
0xa1: {  	s23 =	simm.s32 $0x1B8B  }
0xa2: {  	_ =	swait.ge [sflag:s23], $0x1  }
0xa3: {  	[sflag:s23] =	ssyncset.done $0x0  }
0xa4: {  	s25 =	simm.s32 $0x1B8E;
	s24 =	sld [smem:$0x3FFE];
	[sflag:s23] =	ssyncadd.s32 $0xFFFFFFFF  }
0xa5: {  	s26 =	simm.s32 $execute0_lowered;
	[smem:$0x3FD2] =	sst s25  }
0xa6: {  	s5 =	sshll.u32 s26, $0x1;
	_ =	strace $0x8000004C;
	[dreg:$0x1] =	wrdreg $0xFFFFFFFF  }
0xa7: {  	s28 =	simm.s32 $_size_execute0_lowered;
	s3 =	sadd.s32 s3, s5;
	[dreg:$0x0] =	wrdreg $0x0  }
0xa8: {  	s5 =	sshll.u32 s28, $0x1;
	[dreg:$0x2] =	wrdreg s3  }
0xa9: {  	[dreg:$0x3] =	wrdreg s5  }
0xaa: {  	[dreg:$0x4] =	wrdreg $0xC0  }
0xab: {  	_ =	task [dreg:s7], $0x5FFFF  }
0xac: {  	[dreg:$0x1] =	wrdreg $0xFFFFFFFF  }
0xad: {  	[dreg:$0x0] =	wrdreg $0x60  }
0xae: {  	[dreg:$0x2] =	wrdreg s2  }
0xaf: {  	[dreg:$0x3] =	wrdreg s24  }
0xb0: {  	[dreg:$0x4] =	wrdreg $0x9  }
0xb1: {  	_ =	task.clear_ibuf [dreg:s7], $0x5FFFF;
	_ =	strace $0x9000004C  }
0xb2: {  	s29 =	simm.s32 $0x9;
	_ =	strace $0x8000004E  }
0xb3: {  	_ =	swait.ge [sflag:s29], $0x1  }
0xb4: {  	[sflag:s29] =	ssyncadd.s32 $0xFFFFFFFF  }
0xb5: {  	_ =	strace $0x9000004E  }
0xb6: {  	_ =	sfence  }
0xb7: {  	s30 =	sld [smem:$0x0];
	_ =	sdelay $0x2  }
0xb8: {  	s31 =	sshll.u32 s1, $0xD;
	s1 =	sshrl.u32 s1, $0x2  }
0xb9: {  	s3 =	sand.u32 $0x4000, s31;
	s1 =	sadd.s32 s1, s30  }
0xba: {  	s0 =	sor.u32 s3, s0;
	s1 =	sshll.u32 s1, $0x11  }
0xbb: {  	s0 =	sor.u32 s1, s0  }
0xbc: {  	s0 =	sadd.s32 $0x8F2B, s0  }
0xbd: {  	[sflag:s0] =	ssyncadd.remote.s32 $0x1  }
0xbe: {  	_ =	sfence.sel $0xFFFF  }
0xbf: {  	[dreg:$0x0] =	wrdreg $0xFFFFFFFF;
	(pc) =	sbr.abs _section_cstart, $3  }
0xc0: {  	[dreg:$0x1] =	wrdreg $0xFFFFFFFF  }
0xc1: {  	_ =	task.clear_ibuf [dreg:s7], $0x2FFFF;
	_ =	strace $0x9FFFFFFF  }
0xc2: {  	(tm) =	ssettm $0x7FFFFFFF  }
0xc3: {  	_ =	shalt  }
tec
execute0_lowered:
.L_overlay_start_1:
0x0: {  	(tag) =	ssettag $0x1  }
0x1: {  	s6 =	rddreg [dreg:$0x0]  }
0x2: {  	s3 =	rddreg [dreg:$0x1]  }
0x3: {  	s0 =	rddreg [dreg:$0x2];
	s1 =	simm.s32 $0x0;
	s4 =	srdreg.scid  }
0x4: {  	s2 =	stileid.u32;
	s15 =	simm.s32 $0x2000;
	s16 =	simm.s32 $0x4000  }
0x5: {  	s17 =	simm.s32 $0x6000;
	s18 =	simm.s32 $0x8000;
	s19 =	simm.s32 $0xA000  }
0x6: {  	s20 =	simm.s32 $0xC000;
	s21 =	simm.s32 $0xE000;
	s22 =	simm.s32 $0x1  }
0x7: {  	s23 =	simm.s32 $0x0;
	[smem:$0x7FF] =	sst s1;
	s8 =	sadd.s32 $0x3D000, s3  }
0x8: {  	s10 =	sadd.s32 $0x4D000, s3;
	s4 =	sand.u32 $0x1, s4;
	s5 =	sshll.u32 s2, $0xB  }
0x9: {  	s9 =	sadd.s32 $0x5D000, s3;
	s7 =	sshll.u32 s4, $0xA;
	s4 =	ssub.s32 $0x2, s4  }
0xa: {  	_ =	strace $0x8000004D;
	s11 =	sor.u32 s7, s5;
	s31 =	sshrl.u32 s4, $0x1  }
0xb: {  	s13 =	sadd.s32 s11, s3;
	s14 =	ssub.s32 s4, s31;
	s12 =	sor.u32 $0x8000, s11  }
0xc: {  	s3 =	sadd.s32 s9, s11;
	s5 =	sadd.s32 s6, s11;
	s7 =	sadd.s32 s8, s11  }
0xd: {  	s4 =	sadd.s32 s9, s12;
	s6 =	sadd.s32 s6, s12;
	s8 =	sadd.s32 s8, s12  }
0xe: {  	s9 =	sadd.s32 s10, s11;
	s10 =	sadd.s32 s10, s12;
	s11 =	sadd.s32 $0x1C00, s13  }
0xf: {  	s12 =	sadd.s32 $0x9C00, s13;
	s13 =	sadd.s32 $0x11C00, s13;
	s14 =	smax.u32 s14, $0x1  }
.LBB2_1:
0x10: {  	[tilespmem:s1], [sflag:$0x1] =	stream.linear.gather [hbm4b:s3+s1], $0x2000, $0x38;
	[tilespmem:$0x12000] =	vst v63  }
0x11: {  	_ = 	snop  }
0x12: {  	[tilespmem:s15], [sflag:$0x1] =	stream.linear.gather [hbm4b:s4+s1], $0x2000, $0x38;
	[tilespmem:$0x12000] =	vst v63  }
0x13: {  	_ = 	snop  }
0x14: {  	[tilespmem:s16], [sflag:$0x1] =	stream.linear.gather [hbm4b:s5+s1], $0x2000, $0x38;
	[tilespmem:$0x12000] =	vst v63  }
0x15: {  	_ = 	snop  }
0x16: {  	[tilespmem:s17], [sflag:$0x1] =	stream.linear.gather [hbm4b:s6+s1], $0x2000, $0x38;
	[tilespmem:$0x12000] =	vst v63  }
0x17: {  	_ = 	snop  }
0x18: {  	[tilespmem:s18], [sflag:$0x1] =	stream.linear.gather [hbm4b:s7+s1], $0x2000, $0x38;
	[tilespmem:$0x12000] =	vst v63  }
0x19: {  	_ = 	snop  }
0x1a: {  	[tilespmem:s19], [sflag:$0x1] =	stream.linear.gather [hbm4b:s8+s1], $0x2000, $0x38;
	[tilespmem:$0x12000] =	vst v63  }
0x1b: {  	_ = 	snop  }
0x1c: {  	[tilespmem:s20], [sflag:$0x1] =	stream.linear.gather [hbm4b:s9+s1], $0x2000, $0x38;
	[tilespmem:$0x12000] =	vst v63  }
0x1d: {  	_ = 	snop  }
0x1e: {  	[tilespmem:s21], [sflag:$0x1] =	stream.linear.gather [hbm4b:s10+s1], $0x2000, $0x38;
	[tilespmem:$0x12000] =	vst v63  }
0x1f: {  	_ =	swait.ge [sflag:s22], $0x2000  }
0x20: {  	[sflag:s22] =	ssyncset.done $0x0  }
0x21: {  	[sflag:s22] =	ssyncadd.s32 $0xFFFFE000  }
0x22: {  	_ =	swait.ge [sflag:s22], $0x2000  }
0x23: {  	[sflag:s22] =	ssyncset.done $0x0  }
0x24: {  	s24 =	simm.s32 $0x0;
	[sflag:s22] =	ssyncadd.s32 $0xFFFFE000  }
0x25: {  	v0 =	vld [tilespmem:s24+$0x0]  }
0x26: {  	v1 =	vld [tilespmem:s24+$0x2000]  }
0x27: {  	s25 =	simm.s32 $0x10  }
0x28: {  	v2 =	vld [tilespmem:s25+$0x0]  }
0x29: {  	v3 =	vld [tilespmem:s25+$0x2000];
	_ =	sdelay $0x1  }
0x2a: {  	v0 =	vadd.f32 v1, v0;
	_ =	sdelay $0x1  }
0x2b: {  	v0 =	vmax.f32 v0, $1.000000000e+00  }
0x2c: {  	v1 =	vadd.f32 v3, v2;
	(erf) = vrcp.f32 v0;
	_ =	sdelay $0x1  }
0x2d: {  	s26 =	simm.s32 $0x20;
	v2 =	vmax.f32 v1, $1.000000000e+00  }
0x2e: {  	v1 =	vld [tilespmem:s26+$0x2000];
	(erf) = vrcp.f32 v2  }
0x2f: {  	v0 =	vld [tilespmem:s26+$0x0];
	_ =	sdelay $0x1  }
0x30: {  	s28 =	simm.s32 $0xC0  }
.LBB2_2:
0x31: {  	p0 =	sne.s32 s28, $0x7FC0  }
.Ltmp0:
0x32: {  	s29 =	sshra.s32 s28, $0x2;
	(pc) =	sbr.rel @p0 .LBB2_2-.Ltmp0, $4  }
0x33: {  	s28 =	sadd.s32 $0x40, s28;
	v3 =	vpop (erf);
	v2 =	vadd.f32 v1, v0;
	v0 =	vld [tilespmem:s29+$0x0]  }
0x34: {  	v1 =	vld [tilespmem:s29+$0x2000];
	[tilespmem:s24+$0x10000] =	vst v3;
	s24 =	smov.u32 s25;
	s25 =	smov.u32 s26;
	s26 =	smov.u32 s29  }
0x35: {  	v2 =	vmax.f32 v2, $1.000000000e+00  }
0x36: {  	(erf) = vrcp.f32 v2  }
0x37: {  	_ =	sdelay $0x1  }
0x38: {  	v0 =	vadd.f32 v1, v0;
	_ =	sdelay $0x1  }
0x39: {  	v0 =	vmax.f32 v0, $1.000000000e+00  }
0x3a: {  	(erf) = vrcp.f32 v0;
	_ =	sdelay $0x6  }
0x3b: {  	v0 =	vpop (erf)  }
0x3c: {  	[tilespmem:s24+$0x10000] =	vst v0;
	v0 =	vpop (erf)  }
0x3d: {  	[tilespmem:s25+$0x10000] =	vst v0;
	v0 =	vpop (erf)  }
0x3e: {  	[tilespmem:s26+$0x10000] =	vst v0  }
0x3f: {  	_ =	swait.ge [sflag:s22], $0x2000  }
0x40: {  	[sflag:s22] =	ssyncset.done $0x0  }
0x41: {  	[sflag:s22] =	ssyncadd.s32 $0xFFFFE000  }
0x42: {  	_ =	swait.ge [sflag:s22], $0x2000  }
0x43: {  	[sflag:s22] =	ssyncset.done $0x0  }
0x44: {  	[sflag:s22] =	ssyncadd.s32 $0xFFFFE000  }
0x45: {  	_ =	swait.ge [sflag:s22], $0x2000  }
0x46: {  	[sflag:s22] =	ssyncset.done $0x0  }
0x47: {  	[sflag:s22] =	ssyncadd.s32 $0xFFFFE000  }
0x48: {  	_ =	swait.ge [sflag:s22], $0x2000  }
0x49: {  	[sflag:s22] =	ssyncset.done $0x0  }
0x4a: {  	[sflag:s22] =	ssyncadd.s32 $0xFFFFE000  }
0x4b: {  	_ =	swait.ge [sflag:s22], $0x2000  }
0x4c: {  	[sflag:s22] =	ssyncset.done $0x0  }
0x4d: {  	[sflag:s22] =	ssyncadd.s32 $0xFFFFE000  }
0x4e: {  	_ =	swait.ge [sflag:s22], $0x2000  }
0x4f: {  	[sflag:s22] =	ssyncset.done $0x0  }
0x50: {  	s24 =	simm.s32 $0x0;
	[sflag:s22] =	ssyncadd.s32 $0xFFFFE000  }
0x51: {  	s25 =	simm.s32 $0x40;
	v0 =	vld [tilespmem:s24+$0x6000]  }
.LBB2_4:
0x52: {  	p0 =	sne.s32 s25, $0x7FC0;
	v1 =	vld [tilespmem:s24+$0x4000];
	_ =	sdelay $0x1  }
0x53: {  	v2 =	vld [tilespmem:s24+$0x10000];
	_ =	sdelay $0x2  }
.Ltmp1:
0x54: {  	v0 =	vadd.f32 v0, v1;
	(pc) =	sbr.rel @p0 .LBB2_4-.Ltmp1, $4  }
0x55: {  	_ = 	snop  }
0x56: {  	v1 =	vmul.f32 v2, v0  }
0x57: {  	s26 =	sshra.s32 s25, $0x2  }
0x58: {  	s25 =	sadd.s32 $0x40, s25;
	v0 =	vld [tilespmem:s26+$0x6000];
	[tilespmem:s24+$0x4000] =	vst v1;
	s24 =	smov.u32 s26  }
0x59: {  	v1 =	vld [tilespmem:s24+$0x4000];
	_ =	sdelay $0x1  }
0x5a: {  	v2 =	vld [tilespmem:s24+$0x10000];
	_ =	sdelay $0x2  }
0x5b: {  	v0 =	vadd.f32 v0, v1;
	_ =	sdelay $0x1  }
0x5c: {  	v0 =	vmul.f32 v2, v0;
	_ =	sdelay $0x1  }
0x5d: {  	s31 =	simm.s32 $0x0;
	[tilespmem:s24+$0x4000] =	vst v0;
	s24 =	simm.s32 $0x0  }
0x5e: {  	[hbm4b:s11+s31] =	stream.linear.scatter [tilespmem:s16], [sflag:$0x1], $0x2000, $0x38;
	[tilespmem:$0x12000] =	vst v63  }
0x5f: {  	s25 =	simm.s32 $0x40;
	v0 =	vld [tilespmem:s24+$0xA000]  }
.LBB2_6:
0x60: {  	p0 =	sne.s32 s25, $0x7FC0;
	v1 =	vld [tilespmem:s24+$0x8000];
	_ =	sdelay $0x1  }
0x61: {  	v2 =	vld [tilespmem:s24+$0x10000];
	_ =	sdelay $0x2  }
.Ltmp2:
0x62: {  	v0 =	vadd.f32 v0, v1;
	(pc) =	sbr.rel @p0 .LBB2_6-.Ltmp2, $4  }
0x63: {  	_ = 	snop  }
0x64: {  	v1 =	vmul.f32 v2, v0  }
0x65: {  	s26 =	sshra.s32 s25, $0x2  }
0x66: {  	s25 =	sadd.s32 $0x40, s25;
	v0 =	vld [tilespmem:s26+$0xA000];
	[tilespmem:s24+$0x8000] =	vst v1;
	s24 =	smov.u32 s26  }
0x67: {  	v1 =	vld [tilespmem:s24+$0x8000];
	_ =	sdelay $0x1  }
0x68: {  	v2 =	vld [tilespmem:s24+$0x10000];
	_ =	sdelay $0x2  }
0x69: {  	v0 =	vadd.f32 v0, v1;
	_ =	sdelay $0x1  }
0x6a: {  	v0 =	vmul.f32 v2, v0;
	_ =	sdelay $0x1  }
0x6b: {  	s31 =	simm.s32 $0x0;
	[tilespmem:s24+$0x8000] =	vst v0;
	s24 =	simm.s32 $0x0  }
0x6c: {  	[hbm4b:s12+s31] =	stream.linear.scatter [tilespmem:s18], [sflag:$0x1], $0x2000, $0x38;
	[tilespmem:$0x12000] =	vst v63  }
0x6d: {  	s25 =	simm.s32 $0x40;
	v0 =	vld [tilespmem:s24+$0xE000]  }
.LBB2_8:
0x6e: {  	p0 =	sne.s32 s25, $0x7FC0;
	v1 =	vld [tilespmem:s24+$0xC000];
	_ =	sdelay $0x1  }
0x6f: {  	v2 =	vld [tilespmem:s24+$0x10000];
	_ =	sdelay $0x2  }
.Ltmp3:
0x70: {  	v0 =	vadd.f32 v0, v1;
	(pc) =	sbr.rel @p0 .LBB2_8-.Ltmp3, $4  }
0x71: {  	_ = 	snop  }
0x72: {  	v1 =	vmul.f32 v2, v0  }
0x73: {  	s26 =	sshra.s32 s25, $0x2  }
0x74: {  	s25 =	sadd.s32 $0x40, s25;
	v0 =	vld [tilespmem:s26+$0xE000];
	[tilespmem:s24+$0xC000] =	vst v1;
	s24 =	smov.u32 s26  }
0x75: {  	v1 =	vld [tilespmem:s24+$0xC000];
	_ =	sdelay $0x1  }
0x76: {  	v2 =	vld [tilespmem:s24+$0x10000];
	_ =	sdelay $0x2  }
0x77: {  	v0 =	vadd.f32 v0, v1;
	_ =	sdelay $0x1  }
0x78: {  	v0 =	vmul.f32 v2, v0;
	_ =	sdelay $0x1  }
0x79: {  	[tilespmem:s24+$0xC000] =	vst v0  }
0x7a: {  	[hbm4b:s13+s1] =	stream.linear.scatter [tilespmem:s20], [sflag:$0x1], $0x2000, $0x38;
	[tilespmem:$0x12000] =	vst v63  }
0x7b: {  	_ =	swait.ge [sflag:s22], $0x2000  }
0x7c: {  	[sflag:s22] =	ssyncset.done $0x0  }
0x7d: {  	s23 =	sadd.s32 $0x1, s23;
	[sflag:s22] =	ssyncadd.s32 $0xFFFFE000  }
0x7e: {  	p0 =	sne.s32 s23, s14;
	_ =	swait.ge [sflag:s22], $0x2000  }
.Ltmp4:
0x7f: {  	[sflag:s22] =	ssyncset.done $0x0;
	(pc) =	sbr.rel @p0 .LBB2_1-.Ltmp4, $4  }
0x80: {  	[sflag:s22] =	ssyncadd.s32 $0xFFFFE000  }
0x81: {  	_ =	swait.ge [sflag:s22], $0x2000  }
0x82: {  	[sflag:s22] =	ssyncset.done $0x0  }
0x83: {  	[sflag:s22] =	ssyncadd.s32 $0xFFFFE000  }
0x84: {  	_ =	sfence.sel $0x180000  }
0x85: {  	[bflag:$0x0] =	sbarrier.arrive $0xFFFF  }
0x86: {  	p0 =	sne.s32 s2, $0x0;
	_ =	strace $0x9000004D  }
0x87: {  	s0 =	sadd.s32 @!p0 $0x100000, s0;
	[bflag:$0x2] =	sbarrier.arrive $0xFFFF  }
0x88: {  	[sflag:s0] =	ssyncadd.tile.s32 @!p0 $0x1;
	_ =	shalt  }
.Lfunc_end2:
_tile_overlayer_lowered:
.L_overlay_start_2:
0x89: {  	(tag) =	ssettag $0x2  }
0x8a: {  	s0 =	rddreg [dreg:$0x0];
	s2 =	stileid.u32  }
0x8b: {  	s1 =	rddreg [dreg:$0x1];
	p0 =	sne.s32 s2, $0x0  }
0x8c: {  	s3 =	rddreg [dreg:$0x2];
	[bflag:$0x3] =	sbarrier.arrive $0xFFFF;
	s2 =	simm.s32 @!p0 $0x1C02  }
0x8d: {  	[timem:s3], [sflag:s2] =	dma.local @!p0 [hbm:s0], s1  }
0x8e: {  	s0 =	simm.s32 @!p0 $0x2  }
0x8f: {  	_ =	swait.ge @!p0 [sflag:s0], s1  }
0x90: {  	s1 =	ssub.s32 @!p0 $0x0, s1;
	[sflag:s0] =	ssyncset.done @!p0 $0x0  }
0x91: {  	[sflag:s0] =	ssyncadd.s32 @!p0 s1  }
0x92: {  	[bflag:$0x3] =	sbarrier.arrive $0xFFFF  }
0x93: {  	_ =	shalt  }

// kernel: _run.5.cloned.1.call-start
scs
__scs_entry_jumppad:
0x0: {  	(pc) =	sbr.rel $0x88, $3  }
0x1: {  	(tag) =	ssettag $0x0;
	lr =	simm.s32 $0x1  }
0x2: {  	[smem:$0x3F9A] =	sst lr;
	_ =	strace $0xD0000000  }
0x3: {  	_ = 	snop  }
0x4: {  	_ = 	snop  }
0x5: {  	_ = 	snop  }
0x6: {  	_ = 	snop  }
0x7: {  	_ = 	snop  }
__scs_overlays_trampoline_lowered:
0x8: {  	[smem:$0x3FA9] =	sst s0  }
0x9: {  	[smem:$0x3FAA] =	sst s1  }
0xa: {  	[smem:$0x3FAB] =	sst s2  }
0xb: {  	[smem:$0x3FAC] =	sst s3  }
0xc: {  	[smem:$0x3FAD] =	sst s4  }
0xd: {  	[smem:$0x3FAE] =	sst s5  }
0xe: {  	[smem:$0x3FAF] =	sst s6  }
0xf: {  	[smem:$0x3FB0] =	sst s7  }
0x10: {  	[smem:$0x3FB1] =	sst s8  }
0x11: {  	[smem:$0x3FB2] =	sst s9;
	s0 =	simm.s32 @!p0 $0x0  }
0x12: {  	s1 =	sld [smem:$0x3F98];
	s0 =	simm.s32 @p0 $0x1  }
0x13: {  	[smem:$0x3FB3] =	sst s0;
	s0 =	simm.s32 @!p1 $0x0  }
0x14: {  	s2 =	sld [smem:$0x3F97];
	s0 =	simm.s32 @p1 $0x1  }
0x15: {  	[smem:$0x3FB4] =	sst s0;
	s0 =	simm.s32 @!p2 $0x0  }
0x16: {  	s3 =	sld [smem:$0x3FDB];
	s0 =	simm.s32 @p2 $0x1  }
0x17: {  	s4 =	simm.s32 $0x1BF5;
	[smem:$0x3FB6] =	sst s0  }
0x18: {  	s0 =	sld [smem:$0x3F99];
	_ =	swait.ge [sflag:s4], $0x0  }
0x19: {  	s7 =	sld [smem:$0x3F9A]  }
0x1a: {  	s8 =	sadd.s32 $0xFFFFE003, lr  }
0x1b: {  	s9 =	sadd.s32 $0xFFFFFEF7, lr;
	s5 =	simm.s32 $0xFFFFFFFF;
	p2 =	slt.u32 s8, $0xFFFFF086  }
0x1c: {  	p1 =	slt.u32 s9, $0xF7A;
	s5 =	simm.s32 @!p2 $0x0  }
0x1d: {  	s5 =	simm.s32 @p1 $0x1;
	p0 =	seq.s32 s7, s2  }
0x1e: {  	s7 =	smul.u32 @!p0 $0xF7A, s2;
	p2 =	seq.s32 @!p0 s5, $0x0  }
0x1f: {  	s9 =	smul.u32 $0xF7A, s1;
	s8 =	simm.s32 @!p0 $0x1BF5;
	p2 =	por !p2, p0  }
0x20: {  	[sflag:s8] =	ssyncset.s32 @!p0 $0xFFFFF086;
	s6 =	sadd.s32 @!p0 s3, s7;
	s7 =	simm.s32 @!p0 $0x108  }
0x21: {  	s3 =	sadd.s32 s3, s9;
	s6 =	sadd.s32 @!p0 $0x88, s6;
	s7 =	simm.s32 @p2 $0x1082  }
0x22: {  	[simem:s7], [sflag:s8] =	dma.local @!p0 [hbm:s6], $0xF7A  }
0x23: {  	s9 =	sor.u32 $0xD0000000, s2;
	s6 =	simm.s32 $0x108;
	_ =	swait.ge @!p0 [sflag:s8], $0x0  }
0x24: {  	s3 =	sadd.s32 $0x88, s3;
	s6 =	simm.s32 @!p1 $0x1082;
	[sflag:s4] =	ssyncset.s32 $0xFFFFF086  }
0x25: {  	[simem:s6], [sflag:s4] =	dma.local [hbm:s3], $0xF7A  }
0x26: {  	[smem:$0x3F9A] =	sst s1;
	(tag) =	ssettag s2;
	_ =	strace s9  }
0x27: {  	s1 =	sld [smem:$0x3FAA]  }
0x28: {  	s2 =	sld [smem:$0x3FAB]  }
0x29: {  	s4 =	sld [smem:$0x3FAD]  }
0x2a: {  	p0 =	seq.s32 s5, $0x0;
	s5 =	sld [smem:$0x3FAE]  }
0x2b: {  	s6 =	sld [smem:$0x3FAF]  }
0x2c: {  	s7 =	sld [smem:$0x3FB0]  }
0x2d: {  	s3 =	simm.s32 $0x108;
	s8 =	sld [smem:$0x3FB1]  }
0x2e: {  	s3 =	simm.s32 @!p0 $0x1082;
	s9 =	sld [smem:$0x3FB2]  }
0x2f: {  	lr =	sadd.s32 s0, s3;
	s0 =	sld [smem:$0x3FA9]  }
0x30: {  	s3 =	sld [smem:$0x3FAC]  }
0x31: {  	[smem:$0x3FB5] =	sst s10  }
0x32: {  	s10 =	sld [smem:$0x3FB3];
	_ =	sdelay $0x3  }
0x33: {  	p0 =	seq.s32 s10, $0x1;
	s10 =	sld [smem:$0x3FB5];
	_ =	sdelay $0x3  }
0x34: {  	[smem:$0x3FB5] =	sst s10  }
0x35: {  	s10 =	sld [smem:$0x3FB4];
	_ =	sdelay $0x3  }
0x36: {  	p1 =	seq.s32 s10, $0x1;
	s10 =	sld [smem:$0x3FB5];
	_ =	sdelay $0x3  }
0x37: {  	[smem:$0x3FB5] =	sst s10  }
0x38: {  	s10 =	sld [smem:$0x3FB6]  }
0x39: {  	_ = 	snop;
	(pc) =	sbr.ind lr, $3  }
0x3a: {  	_ = 	snop  }
0x3b: {  	_ = 	snop  }
0x3c: {  	p2 =	seq.s32 s10, $0x1;
	s10 =	sld [smem:$0x3FB5]  }
0x3d: {  	_ =	shalt  }
0x3e: {  	_ =	shalt  }
0x3f: {  	_ =	shalt  }
0x40: {  	_ =	shalt  }
0x41: {  	_ =	shalt  }
0x42: {  	_ =	shalt  }
0x43: {  	_ =	shalt  }
0x44: {  	_ =	shalt  }
0x45: {  	_ =	shalt  }
0x46: {  	_ =	shalt  }
0x47: {  	_ =	shalt  }
0x48: {  	_ =	shalt  }
0x49: {  	_ =	shalt  }
0x4a: {  	_ =	shalt  }
0x4b: {  	_ =	shalt  }
0x4c: {  	_ =	shalt  }
0x4d: {  	_ =	shalt  }
0x4e: {  	_ =	shalt  }
0x4f: {  	_ =	shalt  }
0x50: {  	_ =	shalt  }
0x51: {  	_ =	shalt  }
0x52: {  	_ =	shalt  }
0x53: {  	_ =	shalt  }
0x54: {  	_ =	shalt  }
0x55: {  	_ =	shalt  }
0x56: {  	_ =	shalt  }
0x57: {  	_ =	shalt  }
0x58: {  	_ =	shalt  }
0x59: {  	_ =	shalt  }
0x5a: {  	_ =	shalt  }
0x5b: {  	_ =	shalt  }
0x5c: {  	_ =	shalt  }
0x5d: {  	_ =	shalt  }
0x5e: {  	_ =	shalt  }
0x5f: {  	_ =	shalt  }
0x60: {  	_ =	shalt  }
0x61: {  	_ =	shalt  }
0x62: {  	_ =	shalt  }
0x63: {  	_ =	shalt  }
0x64: {  	_ =	shalt  }
0x65: {  	_ =	shalt  }
0x66: {  	_ =	shalt  }
0x67: {  	_ =	shalt  }
0x68: {  	_ =	shalt  }
0x69: {  	_ =	shalt  }
0x6a: {  	_ =	shalt  }
0x6b: {  	_ =	shalt  }
0x6c: {  	_ =	shalt  }
0x6d: {  	_ =	shalt  }
0x6e: {  	_ =	shalt  }
0x6f: {  	_ =	shalt  }
0x70: {  	_ =	shalt  }
0x71: {  	_ =	shalt  }
0x72: {  	_ =	shalt  }
0x73: {  	_ =	shalt  }
0x74: {  	_ =	shalt  }
0x75: {  	_ =	shalt  }
0x76: {  	_ =	shalt  }
0x77: {  	_ =	shalt  }
0x78: {  	_ =	shalt  }
0x79: {  	_ =	shalt  }
0x7a: {  	_ =	shalt  }
0x7b: {  	_ =	shalt  }
0x7c: {  	_ =	shalt  }
0x7d: {  	_ =	shalt  }
0x7e: {  	_ =	shalt  }
0x7f: {  	_ =	shalt  }
0x80: {  	_ =	shalt  }
0x81: {  	_ =	shalt  }
0x82: {  	_ =	shalt  }
0x83: {  	_ =	shalt  }
0x84: {  	_ =	shalt  }
0x85: {  	_ =	shalt  }
0x86: {  	_ =	shalt  }
0x87: {  	_ =	shalt  }
.Lfunc_end0:
.L_simem_size_0:
called_computation_lowered:
.L_overlay_start_0:
0x88: {  	s2 =	sld [smem:$0x3FD9]  }
0x89: {  	s3 =	sld [smem:$0x3FFE];
	_ =	sdelay $0x1  }
0x8a: {  	s1 =	srdreg.scid  }
0x8b: {  	s0 =	sand.u32 $0x1, s1  }
0x8c: {  	s17 =	sshll.u32 s0, $0xA;
	s2 =	sadd.s32 s3, s2  }
0x8d: {  	s2 =	sadd.s32 s2, s17  }
0x8e: {  	[smem:$0x3FC1] =	sst s2  }
0x8f: {  	_ = 	snop  }
0x90: {  	s2 =	sld [smem:$0x3FC9]  }
0x91: {  	s18 =	sld [smem:$0x3FC8]  }
0x92: {  	s4 =	sld [smem:$0x3FC7]  }
0x93: {  	s5 =	sld [smem:$0x3FC6]  }
0x94: {  	s6 =	sld [smem:$0x3FC5]  }
0x95: {  	s7 =	sld [smem:$0x3FC4];
	(tm) =	ssettm $0x1  }
0x96: {  	s8 =	sld [smem:$0x3FFB];
	_ =	sdelay $0x3  }
0x97: {  	_ =	strace s8  }
0x98: {  	s8 =	sld [smem:$0x3FFC];
	_ =	sdelay $0x3  }
0x99: {  	_ =	strace s8  }
0x9a: {  	s8 =	sld [smem:$0x3FFD];
	_ =	sdelay $0x3  }
0x9b: {  	_ =	strace s8  }
0x9c: {  	_ =	strace $0x8FFFFFFF  }
0x9d: {  	s19 =	sld [smem:$0x3FDB];
	_ =	sdelay $0x1  }
0x9e: {  	s9 =	simm.s32 $_scs_section_size  }
0x9f: {  	s10 =	simm.s32 $_size__tile_overlayer_lowered;
	s11 =	simm.s32 $_tile_overlayer_lowered  }
0xa0: {  	s22 =	simm.s32 $0x1BFF;
	s21 =	sshll.u32 s11, $0x1;
	s8 =	sadd.s32 s9, s19  }
0xa1: {  	s12 =	simm.s32 $0x0;
	s20 =	sshll.u32 s10, $0x1;
	s10 =	sadd.s32 s21, s8  }
0xa2: {  	[timem:s12], [sflag:s22] =	dma.local [hbm:s10], s20  }
0xa3: {  	_ =	swait.ge [sflag:s22], s20  }
0xa4: {  	s9 =	ssub.s32 $0x0, s20;
	[sflag:s22] =	ssyncset.done $0x0  }
0xa5: {  	[sflag:s22] =	ssyncadd.s32 s9;
	_ =	sdelay $0x1  }
0xa6: {  	s23 =	simm.s32 $0x1B8B  }
0xa7: {  	_ =	swait.ge [sflag:s23], $0x1  }
0xa8: {  	[sflag:s23] =	ssyncset.done $0x0  }
0xa9: {  	s25 =	simm.s32 $0x1B8E;
	s24 =	sld [smem:$0x3FFE];
	[sflag:s23] =	ssyncadd.s32 $0xFFFFFFFF  }
0xaa: {  	s26 =	simm.s32 $execute0_lowered;
	[smem:$0x3FD2] =	sst s25  }
0xab: {  	s10 =	sshll.u32 s26, $0x1;
	_ =	strace $0x80000046;
	[dreg:$0x1] =	wrdreg $0xFFFFFFFF  }
0xac: {  	s28 =	simm.s32 $_size_execute0_lowered;
	s8 =	sadd.s32 s8, s10;
	[dreg:$0x0] =	wrdreg $0x0  }
0xad: {  	s10 =	sshll.u32 s28, $0x1;
	[dreg:$0x2] =	wrdreg s8  }
0xae: {  	[dreg:$0x3] =	wrdreg s10  }
0xaf: {  	[dreg:$0x4] =	wrdreg $0xC0  }
0xb0: {  	_ =	task [dreg:s12], $0x5FFFF  }
0xb1: {  	[dreg:$0x1] =	wrdreg $0xFFFFFFFF  }
0xb2: {  	[dreg:$0x0] =	wrdreg $0x60  }
0xb3: {  	[dreg:$0x2] =	wrdreg s2  }
0xb4: {  	[dreg:$0x3] =	wrdreg s18  }
0xb5: {  	[dreg:$0x4] =	wrdreg s4  }
0xb6: {  	[dreg:$0x5] =	wrdreg s5  }
0xb7: {  	[dreg:$0x6] =	wrdreg s6  }
0xb8: {  	[dreg:$0x7] =	wrdreg s7  }
0xb9: {  	[dreg:$0x8] =	wrdreg s24  }
0xba: {  	[dreg:$0x9] =	wrdreg $0x1CC500  }
0xbb: {  	[dreg:$0xa] =	wrdreg $0x122000  }
0xbc: {  	[dreg:$0xb] =	wrdreg $0x144100  }
0xbd: {  	[dreg:$0xc] =	wrdreg $0x166200  }
0xbe: {  	[dreg:$0xd] =	wrdreg $0x188300  }
0xbf: {  	[dreg:$0xe] =	wrdreg $0x1AA400  }
0xc0: {  	[dreg:$0xf] =	wrdreg $0x9  }
0xc1: {  	_ =	task.clear_ibuf [dreg:s12], $0x10FFFF;
	_ =	strace $0x90000046  }
0xc2: {  	s29 =	simm.s32 $0x9;
	_ =	strace $0x80000048  }
0xc3: {  	_ =	swait.ge [sflag:s29], $0x1  }
0xc4: {  	[sflag:s29] =	ssyncadd.s32 $0xFFFFFFFF  }
0xc5: {  	_ =	strace $0x90000048  }
0xc6: {  	_ =	sfence  }
0xc7: {  	s30 =	sld [smem:$0x0];
	_ =	sdelay $0x2  }
0xc8: {  	s31 =	sshll.u32 s1, $0xD;
	s1 =	sshrl.u32 s1, $0x2  }
0xc9: {  	s3 =	sand.u32 $0x4000, s31;
	s1 =	sadd.s32 s1, s30  }
0xca: {  	s0 =	sor.u32 s3, s0;
	s1 =	sshll.u32 s1, $0x11  }
0xcb: {  	s0 =	sor.u32 s1, s0  }
0xcc: {  	s0 =	sadd.s32 $0x8F2B, s0  }
0xcd: {  	[sflag:s0] =	ssyncadd.remote.s32 $0x1  }
0xce: {  	_ =	sfence.sel $0xFFFF  }
0xcf: {  	[dreg:$0x0] =	wrdreg $0xFFFFFFFF;
	(pc) =	sbr.abs _section_cstart, $3  }
0xd0: {  	[dreg:$0x1] =	wrdreg $0xFFFFFFFF  }
0xd1: {  	_ =	task.clear_ibuf [dreg:s12], $0x2FFFF;
	_ =	strace $0x9FFFFFFF  }
0xd2: {  	(tm) =	ssettm $0x7FFFFFFF  }
0xd3: {  	_ =	shalt  }
tec
execute0_lowered:
.L_overlay_start_1:
0x0: {  	(tag) =	ssettag $0x1  }
0x1: {  	s1 =	rddreg [dreg:$0x0]  }
0x2: {  	s6 =	rddreg [dreg:$0x1]  }
0x3: {  	s7 =	rddreg [dreg:$0x2]  }
0x4: {  	s8 =	rddreg [dreg:$0x3]  }
0x5: {  	s9 =	rddreg [dreg:$0x4]  }
0x6: {  	s10 =	rddreg [dreg:$0x5]  }
0x7: {  	s2 =	srdreg.scid;
	s5 =	rddreg [dreg:$0x6]  }
0x8: {  	s0 =	stileid.u32;
	s23 =	rddreg [dreg:$0x7];
	s4 =	simm.s32 $0x0  }
0x9: {  	s11 =	sand.u32 $0x1, s2;
	s12 =	sshll.u32 s0, $0xE;
	s2 =	rddreg [dreg:$0x8]  }
0xa: {  	[smem:$0x7FF] =	sst s4;
	s14 =	sshll.u32 s0, $0x1;
	s15 =	sadd.s32 $0x11E00, s5  }
0xb: {  	s16 =	sadd.s32 $0x1A800, s5;
	s18 =	sadd.s32 $0x23200, s5;
	s3 =	sshll.u32 s11, $0x12  }
0xc: {  	s19 =	sadd.s32 $0x2BC00, s5;
	s20 =	sadd.s32 $0x34600, s5;
	s13 =	sor.u32 s12, s3  }
0xd: {  	s14 =	sadd.s32 s14, s5;
	s21 =	sshll.u32 s11, $0xD;
	s13 =	sshrl.u32 s13, $0x3  }
0xe: {  	s17 =	ssub.s32 $0x2, s11;
	s13 =	sadd.s32 s13, s5;
	s5 =	sor.u32 s21, s12  }
0xf: {  	s3 =	rddreg [dreg:$0x9];
	s29 =	sshrl.u32 s17, $0x1;
	s30 =	sshrl.u32 s5, $0x3  }
0x10: {  	s22 =	ssub.s32 s17, s29;
	s17 =	rddreg [dreg:$0xa];
	s1 =	sadd.s32 s1, s30  }
0x11: {  	s6 =	sadd.s32 s6, s30;
	[dreg:$0xe] =	wrdreg s1  }
0x12: {  	s31 =	sshll.u32 s11, $0x5;
	s21 =	sadd.s32 s8, s30;
	[dreg:$0xf] =	wrdreg s6  }
0x13: {  	s11 =	smul.u32 $0x22100, s11;
	s25 =	sadd.s32 s9, s30;
	[dreg:$0x11] =	wrdreg s21  }
0x14: {  	s12 =	smul.u32 $0x2210, s0;
	s26 =	sadd.s32 s10, s30;
	[dreg:$0x12] =	wrdreg s25  }
0x15: {  	[dreg:$0x13] =	wrdreg s26  }
0x16: {  	s24 =	sadd.s32 s11, s12;
	s1 =	sadd.s32 s31, s14;
	s21 =	rddreg [dreg:$0xb]  }
0x17: {  	s14 =	sadd.s32 s7, s30;
	s6 =	sshrl.u32 s24, $0x3;
	s24 =	rddreg [dreg:$0xc]  }
0x18: {  	[dreg:$0x10] =	wrdreg s14;
	s29 =	sadd.s32 s15, s6  }
0x19: {  	s30 =	sadd.s32 s16, s6;
	[dreg:$0x14] =	wrdreg s29  }
0x1a: {  	s14 =	sadd.s32 $0x1108, s12;
	s9 =	sadd.s32 s18, s6;
	[dreg:$0x15] =	wrdreg s30  }
0x1b: {  	s10 =	sadd.s32 s19, s6;
	s31 =	sadd.s32 s11, s14;
	[dreg:$0x16] =	wrdreg s9  }
0x1c: {  	s6 =	sadd.s32 s20, s6;
	[dreg:$0x17] =	wrdreg s10;
	s11 =	sshrl.u32 s31, $0x3  }
0x1d: {  	s28 =	simm.s32 $0x0;
	[dreg:$0x18] =	wrdreg s6;
	s7 =	sadd.s32 s15, s11  }
0x1e: {  	s25 =	sadd.s32 s12, s2;
	s15 =	sadd.s32 s16, s11;
	[dreg:$0x19] =	wrdreg s7  }
0x1f: {  	s26 =	sadd.s32 s12, s3;
	s16 =	sadd.s32 s18, s11;
	[dreg:$0x1a] =	wrdreg s15  }
0x20: {  	s1 =	sadd.s32 $0x11C00, s1;
	s18 =	sadd.s32 s19, s11;
	[dreg:$0x1b] =	wrdreg s16  }
0x21: {  	s6 =	sadd.s32 s20, s11;
	s19 =	sshll.u32 s0, $0x4;
	[dreg:$0x1c] =	wrdreg s18  }
0x22: {  	s29 =	sadd.s32 s12, s17;
	[dreg:$0x1d] =	wrdreg s6;
	s6 =	sadd.s32 s19, s23  }
0x23: {  	s30 =	sadd.s32 s12, s21;
	_ =	strace $0x80000047;
	[dreg:$0x1e] =	wrdreg s6  }
0x24: {  	s8 =	sadd.s32 s14, s2;
	s20 =	sadd.s32 $0x1C00, s13;
	[dreg:$0x1f] =	wrdreg s1  }
0x25: {  	s9 =	sadd.s32 s14, s3;
	s23 =	smax.u32 s22, $0x1;
	[smem:$0x7F7] =	sst s20  }
0x26: {  	s10 =	sadd.s32 s14, s17;
	s31 =	sadd.s32 s12, s24;
	[smem:$0x7F8] =	sst s23  }
0x27: {  	s12 =	sadd.s32 s14, s24;
	s11 =	sadd.s32 s14, s21;
	[smem:$0x7F9] =	sst s25  }
.Ltmp0:
0x28: {  	s13 =	simm.s32 $0x2000;
	[smem:$0x7FA] =	sst s26;
	(pc) =	sbr.rel .LBB2_1-.Ltmp0, $4  }
0x29: {  	s14 =	simm.s32 $0x4000;
	s15 =	simm.s32 $0x1;
	[smem:$0x7FB] =	sst s29  }
0x2a: {  	v0 =	vlaneseq.u32;
	v1 =	vimm.s32 $0x0;
	s16 =	simm.s32 $0x12100;
	s18 =	simm.s32 $0x2;
	[smem:$0x7FC] =	sst s30  }
0x2b: {  	vm1 =	vmmov $0xffff;
	v3 =	vimm.f32 $1.000000020e+30;
	v2 =	vmov s0;
	s22 =	simm.s32 $0x8000;
	[smem:$0x7FD] =	sst s31;
	s20 =	simm.s32 $0x6000  }
0x2c: {  	v4 =	vimm.f32 $0.0e+00;
	vm0 =	veq.s32 v2, v0;
	v2 =	vimm.s32 $0xFFFFFFFF;
	s23 =	simm.s32 $0x80;
	s25 =	simm.s32 $0xC000;
	s26 =	simm.s32 $0xE000  }
.LBB2_18:
0x2d: {  	s1 =	sld [smem:$0x7F7];
	_ =	sdelay $0x2  }
0x2e: {  	[hbm4b:s1+s4] =	stream.linear.scatter [tilespmem:s26], [sflag:$0x2], $0x4000, $0x38;
	[tilespmem:$0x1CC60] =	vst v63  }
0x2f: {  	_ =	swait.ge [sflag:s18], $0x4000  }
0x30: {  	s19 =	sld [smem:$0x7F9]  }
0x31: {  	[sflag:s18] =	ssyncset.done $0x0  }
0x32: {  	s29 =	sld [smem:$0x7FA];
	[sflag:s18] =	ssyncadd.s32 $0xFFFFC000  }
0x33: {  	[tilespmem:s25], [sflag:$0x1] =	stream.linear.gather [spmem:s19], $0x1108, $0x38;
	[tilespmem:$0x1CC60] =	vst v63  }
0x34: {  	s30 =	sld [smem:$0x7FB]  }
0x35: {  	[tilespmem:s20], [sflag:$0x1] =	stream.linear.gather [spmem:s29], $0x1108, $0x38;
	[tilespmem:$0x1CC60] =	vst v63  }
0x36: {  	s31 =	sld [smem:$0x7FC]  }
0x37: {  	[tilespmem:s13], [sflag:$0x1] =	stream.linear.gather [spmem:s30], $0x1108, $0x38;
	[tilespmem:$0x1CC60] =	vst v63  }
0x38: {  	s6 =	sld [smem:$0x7FD]  }
0x39: {  	[tilespmem:s14], [sflag:$0x1] =	stream.linear.gather [spmem:s31], $0x1108, $0x38;
	[tilespmem:$0x1CC60] =	vst v63  }
0x3a: {  	_ = 	snop  }
0x3b: {  	[tilespmem:s22], [sflag:$0x1] =	stream.linear.gather [spmem:s6], $0x1108, $0x38;
	[tilespmem:$0x1CC60] =	vst v63  }
0x3c: {  	_ =	swait.ge [sflag:s15], $0x1108  }
0x3d: {  	[sflag:s15] =	ssyncset.done $0x0  }
0x3e: {  	[sflag:s15] =	ssyncadd.s32 $0xFFFFEEF8  }
0x3f: {  	_ =	swait.ge [sflag:s15], $0x1108  }
0x40: {  	[sflag:s15] =	ssyncset.done $0x0  }
0x41: {  	[sflag:s15] =	ssyncadd.s32 $0xFFFFEEF8  }
0x42: {  	_ =	swait.ge [sflag:s15], $0x1108  }
0x43: {  	[sflag:s15] =	ssyncset.done $0x0  }
0x44: {  	[sflag:s15] =	ssyncadd.s32 $0xFFFFEEF8  }
0x45: {  	_ =	swait.ge [sflag:s15], $0x1108  }
0x46: {  	[sflag:s15] =	ssyncset.done $0x0  }
0x47: {  	[sflag:s15] =	ssyncadd.s32 $0xFFFFEEF8  }
0x48: {  	_ =	swait.ge [sflag:s15], $0x1108  }
0x49: {  	[sflag:s15] =	ssyncset.done $0x0  }
0x4a: {  	s7 =	rddreg [dreg:$0x14];
	[sflag:s15] =	ssyncadd.s32 $0xFFFFEEF8  }
0x4b: {  	[hbm4b:s7+s4] =	stream.linear.scatter [tilespmem:s25], [sflag:$0x1], $0x1108, $0x38;
	[tilespmem:$0x1CC60] =	vst v63  }
0x4c: {  	s19 =	rddreg [dreg:$0x15]  }
0x4d: {  	[hbm4b:s19+s4] =	stream.linear.scatter [tilespmem:s20], [sflag:$0x1], $0x1108, $0x38;
	[tilespmem:$0x1CC60] =	vst v63  }
0x4e: {  	s29 =	rddreg [dreg:$0x16]  }
0x4f: {  	[hbm4b:s29+s4] =	stream.linear.scatter [tilespmem:s13], [sflag:$0x1], $0x1108, $0x38;
	[tilespmem:$0x1CC60] =	vst v63  }
0x50: {  	s30 =	rddreg [dreg:$0x17]  }
0x51: {  	[hbm4b:s30+s4] =	stream.linear.scatter [tilespmem:s14], [sflag:$0x1], $0x1108, $0x38;
	[tilespmem:$0x1CC60] =	vst v63  }
0x52: {  	s31 =	rddreg [dreg:$0x18]  }
0x53: {  	[hbm4b:s31+s4] =	stream.linear.scatter [tilespmem:s22], [sflag:$0x1], $0x1108, $0x38;
	[tilespmem:$0x1CC60] =	vst v63  }
0x54: {  	_ =	swait.ge [sflag:s15], $0x1108  }
0x55: {  	[sflag:s15] =	ssyncset.done $0x0  }
0x56: {  	[sflag:s15] =	ssyncadd.s32 $0xFFFFEEF8  }
0x57: {  	_ =	swait.ge [sflag:s15], $0x1108  }
0x58: {  	[sflag:s15] =	ssyncset.done $0x0  }
0x59: {  	[sflag:s15] =	ssyncadd.s32 $0xFFFFEEF8  }
0x5a: {  	_ =	swait.ge [sflag:s15], $0x1108  }
0x5b: {  	[sflag:s15] =	ssyncset.done $0x0  }
0x5c: {  	[sflag:s15] =	ssyncadd.s32 $0xFFFFEEF8  }
0x5d: {  	_ =	swait.ge [sflag:s15], $0x1108  }
0x5e: {  	[sflag:s15] =	ssyncset.done $0x0  }
0x5f: {  	[sflag:s15] =	ssyncadd.s32 $0xFFFFEEF8  }
0x60: {  	_ =	swait.ge [sflag:s15], $0x1108  }
0x61: {  	[sflag:s15] =	ssyncset.done $0x0  }
0x62: {  	[sflag:s15] =	ssyncadd.s32 $0xFFFFEEF8  }
0x63: {  	[tilespmem:s25], [sflag:$0x1] =	stream.linear.gather [spmem:s8], $0x1108, $0x38;
	[tilespmem:$0x1CC60] =	vst v63  }
0x64: {  	_ = 	snop  }
0x65: {  	[tilespmem:s20], [sflag:$0x1] =	stream.linear.gather [spmem:s9], $0x1108, $0x38;
	[tilespmem:$0x1CC60] =	vst v63  }
0x66: {  	_ = 	snop  }
0x67: {  	[tilespmem:s13], [sflag:$0x1] =	stream.linear.gather [spmem:s10], $0x1108, $0x38;
	[tilespmem:$0x1CC60] =	vst v63  }
0x68: {  	_ = 	snop  }
0x69: {  	[tilespmem:s14], [sflag:$0x1] =	stream.linear.gather [spmem:s11], $0x1108, $0x38;
	[tilespmem:$0x1CC60] =	vst v63  }
0x6a: {  	_ = 	snop  }
0x6b: {  	[tilespmem:s22], [sflag:$0x1] =	stream.linear.gather [spmem:s12], $0x1108, $0x38;
	[tilespmem:$0x1CC60] =	vst v63  }
0x6c: {  	_ =	swait.ge [sflag:s15], $0x1108  }
0x6d: {  	[sflag:s15] =	ssyncset.done $0x0  }
0x6e: {  	[sflag:s15] =	ssyncadd.s32 $0xFFFFEEF8  }
0x6f: {  	_ =	swait.ge [sflag:s15], $0x1108  }
0x70: {  	[sflag:s15] =	ssyncset.done $0x0  }
0x71: {  	[sflag:s15] =	ssyncadd.s32 $0xFFFFEEF8  }
0x72: {  	_ =	swait.ge [sflag:s15], $0x1108  }
0x73: {  	[sflag:s15] =	ssyncset.done $0x0  }
0x74: {  	[sflag:s15] =	ssyncadd.s32 $0xFFFFEEF8  }
0x75: {  	_ =	swait.ge [sflag:s15], $0x1108  }
0x76: {  	[sflag:s15] =	ssyncset.done $0x0  }
0x77: {  	[sflag:s15] =	ssyncadd.s32 $0xFFFFEEF8  }
0x78: {  	_ =	swait.ge [sflag:s15], $0x1108  }
0x79: {  	[sflag:s15] =	ssyncset.done $0x0  }
0x7a: {  	s6 =	rddreg [dreg:$0x19];
	[sflag:s15] =	ssyncadd.s32 $0xFFFFEEF8  }
0x7b: {  	[hbm4b:s6+s4] =	stream.linear.scatter [tilespmem:s25], [sflag:$0x1], $0x1108, $0x38;
	[tilespmem:$0x1CC60] =	vst v63  }
0x7c: {  	s7 =	rddreg [dreg:$0x1a]  }
0x7d: {  	[hbm4b:s7+s4] =	stream.linear.scatter [tilespmem:s20], [sflag:$0x1], $0x1108, $0x38;
	[tilespmem:$0x1CC60] =	vst v63  }
0x7e: {  	s19 =	rddreg [dreg:$0x1b]  }
0x7f: {  	[hbm4b:s19+s4] =	stream.linear.scatter [tilespmem:s13], [sflag:$0x1], $0x1108, $0x38;
	[tilespmem:$0x1CC60] =	vst v63  }
0x80: {  	s29 =	rddreg [dreg:$0x1c]  }
0x81: {  	[hbm4b:s29+s4] =	stream.linear.scatter [tilespmem:s14], [sflag:$0x1], $0x1108, $0x38;
	[tilespmem:$0x1CC60] =	vst v63  }
0x82: {  	s30 =	rddreg [dreg:$0x1d]  }
0x83: {  	[hbm4b:s30+s4] =	stream.linear.scatter [tilespmem:s22], [sflag:$0x1], $0x1108, $0x38;
	[tilespmem:$0x1CC60] =	vst v63  }
0x84: {  	_ =	swait.ge [sflag:s15], $0x1108  }
0x85: {  	[sflag:s15] =	ssyncset.done $0x0  }
0x86: {  	[sflag:s15] =	ssyncadd.s32 $0xFFFFEEF8  }
0x87: {  	_ =	swait.ge [sflag:s15], $0x1108  }
0x88: {  	[sflag:s15] =	ssyncset.done $0x0  }
0x89: {  	[sflag:s15] =	ssyncadd.s32 $0xFFFFEEF8  }
0x8a: {  	_ =	swait.ge [sflag:s15], $0x1108  }
0x8b: {  	[sflag:s15] =	ssyncset.done $0x0  }
0x8c: {  	[sflag:s15] =	ssyncadd.s32 $0xFFFFEEF8  }
0x8d: {  	_ =	swait.ge [sflag:s15], $0x1108  }
0x8e: {  	[sflag:s15] =	ssyncset.done $0x0  }
0x8f: {  	[sflag:s15] =	ssyncadd.s32 $0xFFFFEEF8  }
0x90: {  	_ =	swait.ge [sflag:s15], $0x1108  }
0x91: {  	s31 =	sld [smem:$0x7F8];
	_ =	sdelay $0x1  }
0x92: {  	s28 =	sadd.s32 $0x1, s28  }
0x93: {  	p0 =	sne.s32 s28, s31  }
.Ltmp1:
0x94: {  	_ = 	snop;
	(pc) =	sbr.rel @!p0 .LBB2_19-.Ltmp1, $3  }
0x95: {  	_ =	sdelay $0x1  }
0x96: {  	[sflag:s15] =	ssyncset.done $0x0  }
0x97: {  	[sflag:s15] =	ssyncadd.s32 $0xFFFFEEF8  }
.LBB2_1:
0x98: {  	s1 =	rddreg [dreg:$0xe]  }
0x99: {  	[tilespmem:s13], [sflag:$0x1] =	stream.linear.gather [hbm4b:s1+s4], $0x2000, $0x38;
	[tilespmem:$0x1CC60] =	vst v63  }
0x9a: {  	s7 =	rddreg [dreg:$0xf]  }
0x9b: {  	[tilespmem:s14], [sflag:$0x1] =	stream.linear.gather [hbm4b:s7+s4], $0x2000, $0x38;
	[tilespmem:$0x1CC60] =	vst v63  }
0x9c: {  	_ =	swait.ge [sflag:s15], $0x2000  }
0x9d: {  	[sflag:s15] =	ssyncset.done $0x0  }
0x9e: {  	[sflag:s15] =	ssyncadd.s32 $0xFFFFE000  }
0x9f: {  	_ =	swait.ge [sflag:s15], $0x2000  }
0xa0: {  	[sflag:s15] =	ssyncset.done $0x0  }
0xa1: {  	[sflag:s15] =	ssyncadd.s32 $0xFFFFE000  }
0xa2: {  	s19 =	simm.s32 $0x0;
	[tilespmem:$0x12100] =	vst v1  }
0xa3: {  	v5 =	vld [tilespmem:s19+$0x4000]  }
0xa4: {  	v6 =	vmov s5;
	v7 =	vld [tilespmem:s19+$0x2000]  }
0xa5: {  	v8 =	vor.u32 s5, v0;
	v6 =	vshrl.u32 v6, $0x9  }
0xa6: {  	v8 =	vand.u32 $0x1FF, v8;
	v6 =	vcvt.s32.f32 v6  }
0xa7: {  	v8 =	vcvt.s32.f32 v8  }
0xa8: {  	v5 =	vadd.f32 v6, v5  }
0xa9: {  	v6 =	vadd.f32 v8, v7  }
0xaa: {  	v5 =	vmax.f32 v5, $0.0e+00  }
0xab: {  	v6 =	vmax.f32 v6, $0.0e+00;
	v5 =	vmin.f32 v5, $5.110000000e+02  }
0xac: {  	v6 =	vmin.f32 v6, $5.110000000e+02;
	v7 =	vtrunc.f32 v5  }
0xad: {  	v61 =	vtrunc.f32 v6;
	v7 =	vcvt.f32.s32 v7  }
0xae: {  	v8 =	vcvt.f32.s32 v61  }
0xaf: {  	v9 =	vcvt.s32.f32 v7  }
0xb0: {  	v10 =	vcvt.s32.f32 v8  }
0xb1: {  	v5 =	vsub.f32 v5, v9  }
0xb2: {  	v62 =	vand.u32 $0x1, v8;
	v63 =	vand.u32 $0x1, v7;
	v6 =	vsub.f32 v6, v10  }
0xb3: {  	vm2 =	veq.s32 v62, $0x1;
	vm4 =	veq.s32 v63, $0x1;
	vm3 =	veq.f32 v5, $5.000000000e-01  }
0xb4: {  	vm5 =	veq.f32 v6, $5.000000000e-01;
	vm6 =	vgt.f32 v5, $5.000000000e-01;
	vm3 =	vmand vm3, vm4  }
0xb5: {  	vm15 =	vgt.f32 v6, $5.000000000e-01;
	vm2 =	vmand vm5, vm2;
	vm3 =	vmor vm6, vm3  }
0xb6: {  	vm2 =	vmor vm15, vm2;
	v5 =	vsel vm3, $0x1, v1  }
0xb7: {  	v6 =	vsel vm2, $0x1, v1;
	v5 =	vadd.s32 v7, v5  }
0xb8: {  	v6 =	vadd.s32 v8, v6;
	v5 =	vshll.u32 v5, $0x9  }
0xb9: {  	v5 =	vor.u32 v6, v5  }
0xba: {  	v6 =	vshrl.u32 v5, $0xE  }
0xbb: {  	(xrf1) =	vunique.msk.u32 $0xffff, v6;
	_ =	sdelay $0xc  }
0xbc: {  	[tilespmem:s19+$0x0] =	vst v5  }
0xbd: {  	v5 =	vld.idx.msk [tilespmem:v6+s16+$0x0], $0xffff;
	_, v7, vm2 =	vpop (xrf1);
	_ =	sdelay $0x4  }
0xbe: {  	v5 =	vadd.s32 v5, v7  }
0xbf: {  	s29 =	simm.s32 $0x10;
	s31 =	simm.s32 $0x80;
	s30 =	smov.u32 s5;
	[tilespmem:v6+s16+$0x0] =	vst.idx.msk vm2, v5  }
.LBB2_2:
0xc0: {  	p0 =	sne.s32 s31, $0x7FC0;
	v5 =	vld [tilespmem:s29+$0x4000];
	s30 =	sadd.s32 $0x10, s30  }
0xc1: {  	v6 =	vmov s30;
	v7 =	vld [tilespmem:s29+$0x2000]  }
0xc2: {  	v8 =	vor.u32 s30, v0;
	v6 =	vshrl.u32 v6, $0x9  }
0xc3: {  	v8 =	vand.u32 $0x1FF, v8;
	v6 =	vcvt.s32.f32 v6  }
0xc4: {  	v8 =	vcvt.s32.f32 v8  }
0xc5: {  	v5 =	vadd.f32 v6, v5  }
0xc6: {  	v6 =	vadd.f32 v8, v7  }
0xc7: {  	v5 =	vmax.f32 v5, $0.0e+00  }
0xc8: {  	v6 =	vmax.f32 v6, $0.0e+00;
	v5 =	vmin.f32 v5, $5.110000000e+02  }
0xc9: {  	v6 =	vmin.f32 v6, $5.110000000e+02;
	v7 =	vtrunc.f32 v5  }
0xca: {  	v8 =	vtrunc.f32 v6;
	v7 =	vcvt.f32.s32 v7  }
0xcb: {  	v8 =	vcvt.f32.s32 v8  }
0xcc: {  	v9 =	vcvt.s32.f32 v7  }
0xcd: {  	v10 =	vcvt.s32.f32 v8  }
0xce: {  	v5 =	vsub.f32 v5, v9  }
0xcf: {  	v9 =	vand.u32 $0x1, v8;
	v6 =	vsub.f32 v6, v10;
	v10 =	vand.u32 $0x1, v7  }
0xd0: {  	vm2 =	veq.s32 v9, $0x1;
	vm3 =	veq.f32 v5, $5.000000000e-01;
	vm4 =	veq.s32 v10, $0x1  }
0xd1: {  	vm6 =	vgt.f32 v5, $5.000000000e-01;
	vm5 =	veq.f32 v6, $5.000000000e-01;
	vm3 =	vmand vm3, vm4  }
0xd2: {  	vm4 =	vgt.f32 v6, $5.000000000e-01;
	vm2 =	vmand vm5, vm2;
	vm3 =	vmor vm6, vm3  }
0xd3: {  	vm2 =	vmor vm4, vm2;
	v5 =	vsel vm3, $0x1, v1  }
0xd4: {  	v6 =	vsel vm2, $0x1, v1;
	v5 =	vadd.s32 v7, v5  }
0xd5: {  	v6 =	vadd.s32 v8, v6;
	v5 =	vshll.u32 v5, $0x9  }
0xd6: {  	v5 =	vor.u32 v6, v5  }
0xd7: {  	v6 =	vshrl.u32 v5, $0xE  }
0xd8: {  	(xrf1) =	vunique.msk.u32 $0xffff, v6;
	_ =	sdelay $0xb  }
0xd9: {  	[tilespmem:s29+$0x0] =	vst v5  }
0xda: {  	v5 =	vld.idx.msk [tilespmem:v6+s16+$0x0], $0xffff  }
0xdb: {  	_, v7, vm2 =	vpop (xrf1);
	_ =	sdelay $0x1  }
.Ltmp2:
0xdc: {  	(pc) =	sbr.rel @p0 .LBB2_2-.Ltmp2, $3  }
0xdd: {  	_ =	sdelay $0x1  }
0xde: {  	v5 =	vadd.s32 v5, v7  }
0xdf: {  	s29 =	sshra.s32 s31, $0x2;
	s31 =	sadd.s32 $0x40, s31;
	[tilespmem:v6+s16+$0x0] =	vst.idx.msk vm2, v5  }
0xe0: {  	v5 =	vld [tilespmem:s29+$0x4000];
	s1 =	sadd.s32 $0x10, s30  }
0xe1: {  	v7 =	vld [tilespmem:s29+$0x2000];
	v6 =	vmov s1  }
0xe2: {  	v8 =	vor.u32 s1, v0;
	v6 =	vshrl.u32 v6, $0x9  }
0xe3: {  	v8 =	vand.u32 $0x1FF, v8;
	v6 =	vcvt.s32.f32 v6  }
0xe4: {  	v8 =	vcvt.s32.f32 v8  }
0xe5: {  	v5 =	vadd.f32 v6, v5  }
0xe6: {  	v6 =	vadd.f32 v8, v7  }
0xe7: {  	v5 =	vmax.f32 v5, $0.0e+00  }
0xe8: {  	v6 =	vmax.f32 v6, $0.0e+00;
	v5 =	vmin.f32 v5, $5.110000000e+02  }
0xe9: {  	v6 =	vmin.f32 v6, $5.110000000e+02;
	v7 =	vtrunc.f32 v5  }
0xea: {  	v8 =	vtrunc.f32 v6;
	v7 =	vcvt.f32.s32 v7  }
0xeb: {  	v8 =	vcvt.f32.s32 v8  }
0xec: {  	v9 =	vcvt.s32.f32 v7  }
0xed: {  	v10 =	vcvt.s32.f32 v8  }
0xee: {  	v5 =	vsub.f32 v5, v9  }
0xef: {  	v62 =	vand.u32 $0x1, v8;
	v63 =	vand.u32 $0x1, v7;
	v6 =	vsub.f32 v6, v10  }
0xf0: {  	vm2 =	veq.s32 v62, $0x1;
	vm4 =	veq.s32 v63, $0x1;
	vm3 =	veq.f32 v5, $5.000000000e-01  }
0xf1: {  	vm5 =	veq.f32 v6, $5.000000000e-01;
	vm6 =	vgt.f32 v5, $5.000000000e-01;
	vm3 =	vmand vm3, vm4  }
0xf2: {  	vm15 =	vgt.f32 v6, $5.000000000e-01;
	vm2 =	vmand vm5, vm2;
	vm3 =	vmor vm6, vm3  }
0xf3: {  	vm2 =	vmor vm15, vm2;
	v5 =	vsel vm3, $0x1, v1  }
0xf4: {  	v6 =	vsel vm2, $0x1, v1;
	v5 =	vadd.s32 v7, v5  }
0xf5: {  	v6 =	vadd.s32 v8, v6;
	v5 =	vshll.u32 v5, $0x9  }
0xf6: {  	v5 =	vor.u32 v6, v5  }
0xf7: {  	v6 =	vshrl.u32 v5, $0xE  }
0xf8: {  	(xrf1) =	vunique.msk.u32 $0xffff, v6;
	_ =	sdelay $0xc  }
0xf9: {  	[tilespmem:s29+$0x0] =	vst v5  }
0xfa: {  	v5 =	vld.idx.msk [tilespmem:v6+s16+$0x0], $0xffff;
	_, v7, vm2 =	vpop (xrf1);
	_ =	sdelay $0x4  }
0xfb: {  	v5 =	vadd.s32 v5, v7  }
0xfc: {  	s29 =	rddreg [dreg:$0x1e];
	[tilespmem:v6+s16+$0x0] =	vst.idx.msk vm2, v5  }
0xfd: {  	[spmem:s29] =	stream.linear.scatter [tilespmem:s16], [sflag:$0x2], $0x10, $0x38;
	[tilespmem:$0x1CC60] =	vst v63  }
0xfe: {  	_ =	swait.ge [sflag:s18], $0x10  }
0xff: {  	[sflag:s18] =	ssyncset.done $0x0  }
0x100: {  	s30 =	simm.s32 $0x0;
	s6 =	rddreg [dreg:$0x1f];
	[sflag:s18] =	ssyncadd.s32 $0xFFFFFFF0  }
0x101: {  	[hbm4b:s6+s30] =	stream.linear.scatter [tilespmem:s16], [sflag:$0x2], $0x10, $0x38;
	[tilespmem:$0x1CC60] =	vst v63  }
0x102: {  	_ =	swait.ge [sflag:s18], $0x10  }
0x103: {  	[sflag:s18] =	ssyncset.done $0x0  }
0x104: {  	s31 =	rddreg [dreg:$0x10];
	[sflag:s18] =	ssyncadd.s32 $0xFFFFFFF0  }
0x105: {  	[tilespmem:s20], [sflag:$0x1] =	stream.linear.gather [hbm4b:s31+s30], $0x2000, $0x38;
	[tilespmem:$0x1CC60] =	vst v63  }
0x106: {  	s7 =	rddreg [dreg:$0x11]  }
0x107: {  	[tilespmem:s13], [sflag:$0x1] =	stream.linear.gather [hbm4b:s7+s30], $0x2000, $0x38;
	[tilespmem:$0x1CC60] =	vst v63  }
0x108: {  	s19 =	rddreg [dreg:$0x12]  }
0x109: {  	[tilespmem:s14], [sflag:$0x1] =	stream.linear.gather [hbm4b:s19+s30], $0x2000, $0x38;
	[tilespmem:$0x1CC60] =	vst v63  }
0x10a: {  	s29 =	rddreg [dreg:$0x13]  }
0x10b: {  	[tilespmem:s22], [sflag:$0x1] =	stream.linear.gather [hbm4b:s29+s30], $0x2000, $0x38;
	[tilespmem:$0x1CC60] =	vst v63  }
0x10c: {  	_ =	swait.ge [sflag:s15], $0x2000  }
0x10d: {  	[sflag:s15] =	ssyncset.done $0x0  }
0x10e: {  	[sflag:s15] =	ssyncadd.s32 $0xFFFFE000  }
0x10f: {  	_ =	swait.ge [sflag:s15], $0x2000  }
0x110: {  	[sflag:s15] =	ssyncset.done $0x0  }
0x111: {  	[sflag:s15] =	ssyncadd.s32 $0xFFFFE000  }
0x112: {  	_ =	swait.ge [sflag:s15], $0x2000  }
0x113: {  	[sflag:s15] =	ssyncset.done $0x0  }
0x114: {  	[sflag:s15] =	ssyncadd.s32 $0xFFFFE000  }
0x115: {  	_ =	swait.ge [sflag:s15], $0x2000  }
0x116: {  	[sflag:s15] =	ssyncset.done $0x0  }
0x117: {  	[sflag:s15] =	ssyncadd.s32 $0xFFFFE000  }
0x118: {  	[bflag:$0x0] =	sbarrier.arrive $0xFFFF  }
0x119: {  	s30 =	simm.s32 $0x12000;
	s31 =	rddreg [dreg:$0x7]  }
0x11a: {  	[tilespmem:s30], [sflag:$0x2] =	stream.linear.gather [spmem:s31], $0x100, $0x38;
	[tilespmem:$0x1CC60] =	vst v63  }
0x11b: {  	_ =	swait.ge [sflag:s18], $0x100  }
0x11c: {  	[sflag:s18] =	ssyncset.done $0x0  }
0x11d: {  	[sflag:s18] =	ssyncadd.s32 $0xFFFFFF00  }
0x11e: {  	v7 =	vld [tilespmem:s30+$0x0];
	_ =	sdelay $0x2  }
0x11f: {  	p0 =	sgt.u32 s0, $0x0;
	s6 =	simm.s32 $0x1  }
0x120: {  	v6 =	vimm.s32 $0x0;
	s6 =	simm.s32 @!p0 $0x0  }
0x121: {  	s1 =	simm.s32 $0x1;
	s19 =	simm.s32 $0x12010;
	v5 =	vadd.s32 v6, v7;
	v7 =	vmul.u32 s6, v7  }
.LBB2_4:
0x122: {  	v8 =	vld [tilespmem:s19+$0x0];
	p0 =	sne.s32 s1, $0xF;
	s6 =	smov.u32 s1;
	s1 =	sadd.s32 $0x1, s1  }
.Ltmp3:
0x123: {  	v6 =	vadd.s32 v6, v7;
	(pc) =	sbr.rel @p0 .LBB2_4-.Ltmp3, $4  }
0x124: {  	_ = 	snop  }
0x125: {  	p1 =	slt.u32 s6, s0;
	s6 =	simm.s32 $0x1  }
0x126: {  	s6 =	simm.s32 @!p1 $0x0  }
0x127: {  	s19 =	sadd.s32 $0x10, s19;
	v5 =	vadd.s32 v5, v8;
	v7 =	vmul.u32 s6, v8  }
0x128: {  	v8 =	vadd.s32 $0xF, v5  }
0x129: {  	v8 =	vand.u32 $0xFFFFFFF0, v8  }
0x12a: {  	(xrf0) =	vadd.scan.msk.s32 $0xffff, v8;
	_ =	sdelay $0x5  }
0x12b: {  	v9, _, _ =	vpop (xrf0)  }
0x12c: {  	v9 =	vsub.s32 v9, v8  }
0x12d: {  	v10 =	vnsel vm0, $0x0, v9  }
0x12e: {  	v8 =	vnsel vm0, $0x0, v8;
	(xrf0) =	vadd.scan.msk.s32 $0xffff, v10  }
0x12f: {  	v5 =	vnsel vm0, $0x0, v5;
	(xrf0) =	vadd.scan.msk.s32 $0xffff, v8  }
0x130: {  	(xrf0) =	vadd.scan.msk.s32 $0xffff, v5;
	_ =	sdelay $0x3  }
0x131: {  	v61, _, _ =	vpop (xrf0)  }
0x132: {  	v5, _, _ =	vpop (xrf0);
	(v2sf) =	vpush v61, $0xF  }
0x133: {  	(v2sf) =	vpush v5, $0xF;
	v62, _, _ =	vpop (xrf0)  }
0x134: {  	(v2sf) =	vpush v62, $0xF;
	_ =	sdelay $0xc  }
0x135: {  	s29 =	spop (v2sf)  }
0x136: {  	s30 =	spop (v2sf)  }
0x137: {  	s1 =	spop (v2sf)  }
0x138: {  	s1 =	sadd.s32 s1, s29  }
0x139: {  	v63 =	vadd.s32 s1, v0;
	_ =	sdelay $0x3  }
0x13a: {  	[tilespmem:$0x12180] =	vst v2;
	s19 =	simm.s32 $0x12180  }
0x13b: {  	[spmem:s2] =	stream.indirect_vreg.scatter [tilespmem:s19], [sflag:$0x1], $0x1, v63, vm1, $0xb8;
	[tilespmem:$0x1CC60] =	vst v63  }
0x13c: {  	_ =	swait.ge [sflag:s15], $0x10  }
0x13d: {  	[sflag:s15] =	ssyncset.done $0x0  }
0x13e: {  	v6 =	vadd.s32 v6, v7;
	[sflag:s15] =	ssyncadd.s32 $0xFFFFFFF0  }
0x13f: {  	s31 =	simm.s32 $0x0;
	v6 =	vadd.s32 v6, v9;
	[bflag:$0x0] =	sbarrier.arrive $0xFFFF  }
0x140: {  	s6 =	simm.s32 $0x0;
	s1 =	simm.s32 $0x10;
	s19 =	simm.s32 $0x0;
	[tilespmem:$0x12100] =	vst v6  }
.LBB2_6:
0x141: {  	p0 =	sne.s32 s1, $0x1FF0;
	v6 =	vld [tilespmem:s6+$0x0];
	_ =	sdelay $0x4  }
0x142: {  	v6 =	vshrl.u32 v6, $0xE  }
0x143: {  	(xrf1) =	vunique.msk.u32 $0xffff, v6;
	_ =	sdelay $0xa  }
0x144: {  	v7 =	vld.idx.msk [tilespmem:v6+s16+$0x0], $0xffff;
	_ =	sdelay $0x2  }
0x145: {  	_, v8, vm2 =	vpop (xrf1);
	_ =	sdelay $0x1  }
.Ltmp4:
0x146: {  	s6 =	sand.u32 $0x7E00, s31;
	(pc) =	sbr.rel @p0 .LBB2_6-.Ltmp4, $4  }
0x147: {  	s7 =	sand.u32 $0x70, s19;
	s19 =	smov.u32 s1;
	s6 =	sshrl.u32 s6, $0x2;
	v7 =	vadd.s32 v7, v8  }
0x148: {  	s6 =	sor.u32 s7, s6;
	v8 =	vadd.s32 $0xFFFFFFFF, v7  }
0x149: {  	s31 =	sadd.s32 $0x40, s31;
	[tilespmem:s6+$0xA000] =	vst v8  }
0x14a: {  	s1 =	sadd.s32 $0x10, s1;
	s6 =	sshra.s32 s31, $0x2;
	[tilespmem:v6+s16+$0x0] =	vst.idx.msk vm2, v7  }
0x14b: {  	v6 =	vld [tilespmem:s6+$0x0];
	_ =	sdelay $0x4  }
0x14c: {  	v6 =	vshrl.u32 v6, $0xE  }
0x14d: {  	(xrf1) =	vunique.msk.u32 $0xffff, v6;
	_ =	sdelay $0xb  }
0x14e: {  	v7 =	vld.idx.msk [tilespmem:v6+s16+$0x0], $0xffff;
	_ =	sdelay $0x1  }
0x14f: {  	_, v8, vm2 =	vpop (xrf1);
	_ =	sdelay $0x1  }
0x150: {  	s1 =	sand.u32 $0x7E00, s31  }
0x151: {  	s7 =	sand.u32 $0x70, s19;
	s1 =	sshrl.u32 s1, $0x2;
	v7 =	vadd.s32 v7, v8  }
0x152: {  	s1 =	sor.u32 s7, s1;
	v8 =	vadd.s32 $0xFFFFFFFF, v7  }
0x153: {  	[tilespmem:s1+$0xA000] =	vst v8  }
0x154: {  	s19 =	simm.s32 $0x0;
	s6 =	simm.s32 $0xA000;
	[tilespmem:v6+s16+$0x0] =	vst.idx.msk vm2, v7  }
0x155: {  	[spmem:s2] =	stream.indirect.scatter [tilespmem:s19], [sflag:$0x1], $0x1, s6, s23, $0xb8;
	[tilespmem:$0x1CC60] =	vst v63  }
0x156: {  	s31 =	simm.s32 $0x6000  }
0x157: {  	[spmem:s3] =	stream.indirect.scatter [tilespmem:s31], [sflag:$0x1], $0x1, s6, s23, $0xb8;
	[tilespmem:$0x1CC60] =	vst v63  }
0x158: {  	s7 =	simm.s32 $0x2000  }
0x159: {  	[spmem:s17] =	stream.indirect.scatter [tilespmem:s7], [sflag:$0x1], $0x1, s6, s23, $0xb8;
	[tilespmem:$0x1CC60] =	vst v63  }
0x15a: {  	s19 =	simm.s32 $0x4000  }
0x15b: {  	[spmem:s21] =	stream.indirect.scatter [tilespmem:s19], [sflag:$0x1], $0x1, s6, s23, $0xb8;
	[tilespmem:$0x1CC60] =	vst v63  }
0x15c: {  	s31 =	simm.s32 $0x8000  }
0x15d: {  	[spmem:s24] =	stream.indirect.scatter [tilespmem:s31], [sflag:$0x1], $0x1, s6, s23, $0xb8;
	[tilespmem:$0x1CC60] =	vst v63  }
0x15e: {  	_ =	swait.ge [sflag:s15], $0x80  }
0x15f: {  	[sflag:s15] =	ssyncset.done $0x0  }
0x160: {  	[sflag:s15] =	ssyncadd.s32 $0xFFFFFF80  }
0x161: {  	_ =	swait.ge [sflag:s15], $0x80  }
0x162: {  	[sflag:s15] =	ssyncset.done $0x0  }
0x163: {  	[sflag:s15] =	ssyncadd.s32 $0xFFFFFF80  }
0x164: {  	_ =	swait.ge [sflag:s15], $0x80  }
0x165: {  	[sflag:s15] =	ssyncset.done $0x0  }
0x166: {  	[sflag:s15] =	ssyncadd.s32 $0xFFFFFF80  }
0x167: {  	_ =	swait.ge [sflag:s15], $0x80  }
0x168: {  	[sflag:s15] =	ssyncset.done $0x0  }
0x169: {  	[sflag:s15] =	ssyncadd.s32 $0xFFFFFF80  }
0x16a: {  	_ =	swait.ge [sflag:s15], $0x80  }
0x16b: {  	s1 =	simm.s32 $0x80;
	s19 =	simm.s32 $0x400;
	[sflag:s15] =	ssyncset.done $0x0  }
.LBB2_8:
0x16c: {  	s6 =	sadd.s32 $0xA000, s1  }
0x16d: {  	[sflag:s15] =	ssyncadd.s32 $0xFFFFFF80;
	s7 =	smov.u32 s19;
	s31 =	sadd.s32 $0x200, s19  }
0x16e: {  	[spmem:s2] =	stream.indirect.scatter [tilespmem:s1], [sflag:$0x1], $0x1, s6, s23, $0xb8;
	[tilespmem:$0x1CC60] =	vst v63  }
0x16f: {  	p0 =	sne.s32 s19, $0x7E00;
	s19 =	sadd.s32 $0x6000, s1  }
0x170: {  	[spmem:s3] =	stream.indirect.scatter [tilespmem:s19], [sflag:$0x1], $0x1, s6, s23, $0xb8;
	[tilespmem:$0x1CC60] =	vst v63  }
0x171: {  	s19 =	sadd.s32 $0x2000, s1  }
0x172: {  	[spmem:s17] =	stream.indirect.scatter [tilespmem:s19], [sflag:$0x1], $0x1, s6, s23, $0xb8;
	[tilespmem:$0x1CC60] =	vst v63  }
0x173: {  	s19 =	sadd.s32 $0x4000, s1  }
0x174: {  	[spmem:s21] =	stream.indirect.scatter [tilespmem:s19], [sflag:$0x1], $0x1, s6, s23, $0xb8;
	[tilespmem:$0x1CC60] =	vst v63  }
0x175: {  	s1 =	sadd.s32 $0x8000, s1  }
0x176: {  	[spmem:s24] =	stream.indirect.scatter [tilespmem:s1], [sflag:$0x1], $0x1, s6, s23, $0xb8;
	[tilespmem:$0x1CC60] =	vst v63  }
0x177: {  	_ =	swait.ge [sflag:s15], $0x80  }
0x178: {  	[sflag:s15] =	ssyncset.done $0x0  }
0x179: {  	[sflag:s15] =	ssyncadd.s32 $0xFFFFFF80  }
0x17a: {  	_ =	swait.ge [sflag:s15], $0x80  }
0x17b: {  	[sflag:s15] =	ssyncset.done $0x0  }
0x17c: {  	[sflag:s15] =	ssyncadd.s32 $0xFFFFFF80  }
0x17d: {  	_ =	swait.ge [sflag:s15], $0x80  }
0x17e: {  	[sflag:s15] =	ssyncset.done $0x0  }
0x17f: {  	[sflag:s15] =	ssyncadd.s32 $0xFFFFFF80  }
.Ltmp5:
0x180: {  	_ =	swait.ge [sflag:s15], $0x80;
	(pc) =	sbr.rel @p0 .LBB2_8-.Ltmp5, $4  }
0x181: {  	[sflag:s15] =	ssyncset.done $0x0  }
0x182: {  	[sflag:s15] =	ssyncadd.s32 $0xFFFFFF80  }
0x183: {  	_ =	swait.ge [sflag:s15], $0x80  }
0x184: {  	s19 =	smov.u32 s31;
	s1 =	sshra.s32 s7, $0x2;
	[sflag:s15] =	ssyncset.done $0x0  }
0x185: {  	s6 =	sadd.s32 $0xA000, s1;
	[sflag:s15] =	ssyncadd.s32 $0xFFFFFF80  }
0x186: {  	[spmem:s2] =	stream.indirect.scatter [tilespmem:s1], [sflag:$0x1], $0x1, s6, s23, $0xb8;
	[tilespmem:$0x1CC60] =	vst v63  }
0x187: {  	s7 =	sadd.s32 $0x6000, s1  }
0x188: {  	[spmem:s3] =	stream.indirect.scatter [tilespmem:s7], [sflag:$0x1], $0x1, s6, s23, $0xb8;
	[tilespmem:$0x1CC60] =	vst v63  }
0x189: {  	s31 =	sadd.s32 $0x2000, s1  }
0x18a: {  	[spmem:s17] =	stream.indirect.scatter [tilespmem:s31], [sflag:$0x1], $0x1, s6, s23, $0xb8;
	[tilespmem:$0x1CC60] =	vst v63  }
0x18b: {  	s19 =	sadd.s32 $0x4000, s1  }
0x18c: {  	[spmem:s21] =	stream.indirect.scatter [tilespmem:s19], [sflag:$0x1], $0x1, s6, s23, $0xb8;
	[tilespmem:$0x1CC60] =	vst v63  }
0x18d: {  	s31 =	sadd.s32 $0x8000, s1  }
0x18e: {  	[spmem:s24] =	stream.indirect.scatter [tilespmem:s31], [sflag:$0x1], $0x1, s6, s23, $0xb8;
	[tilespmem:$0x1CC60] =	vst v63  }
0x18f: {  	_ =	swait.ge [sflag:s15], $0x80  }
0x190: {  	[sflag:s15] =	ssyncset.done $0x0  }
0x191: {  	[sflag:s15] =	ssyncadd.s32 $0xFFFFFF80  }
0x192: {  	_ =	swait.ge [sflag:s15], $0x80  }
0x193: {  	[sflag:s15] =	ssyncset.done $0x0  }
0x194: {  	[sflag:s15] =	ssyncadd.s32 $0xFFFFFF80  }
0x195: {  	_ =	swait.ge [sflag:s15], $0x80  }
0x196: {  	[sflag:s15] =	ssyncset.done $0x0  }
0x197: {  	[sflag:s15] =	ssyncadd.s32 $0xFFFFFF80  }
0x198: {  	_ =	swait.ge [sflag:s15], $0x80  }
0x199: {  	[sflag:s15] =	ssyncset.done $0x0  }
0x19a: {  	[sflag:s15] =	ssyncadd.s32 $0xFFFFFF80  }
0x19b: {  	_ =	swait.ge [sflag:s15], $0x80  }
0x19c: {  	[sflag:s15] =	ssyncset.done $0x0  }
0x19d: {  	[sflag:s15] =	ssyncadd.s32 $0xFFFFFF80  }
0x19e: {  	s1 =	simm.s32 $0x40;
	s19 =	simm.s32 $0x0;
	[bflag:$0x0] =	sbarrier.arrive $0xFFFF  }
.LBB2_10:
0x19f: {  	p0 =	sne.s32 s1, $0xFFC0;
	[tilespmem:s19+$0xE000] =	vst v3;
	s6 =	smov.u32 s1;
	s1 =	sadd.s32 $0x40, s1  }
.Ltmp6:
0x1a0: {  	(pc) =	sbr.rel @p0 .LBB2_10-.Ltmp6, $2  }
0x1a1: {  	_ =	sdelay $0x2  }
0x1a2: {  	s19 =	sshra.s32 s6, $0x2  }
0x1a3: {  	s1 =	sadd.s32 $0x1FFF, s30  }
0x1a4: {  	s6 =	sshra.s32 s1, $0x1F  }
0x1a5: {  	s7 =	sshrl.u32 s6, $0x13  }
0x1a6: {  	s1 =	sadd.s32 s7, s1  }
0x1a7: {  	s1 =	sshra.s32 s1, $0xD  }
0x1a8: {  	s30 =	sadd.s32 s6, s1  }
0x1a9: {  	p0 =	slt.s32 s30, $0x1  }
.Ltmp7:
0x1aa: {  	_ = 	snop;
	(pc) =	sbr.rel @p0 .LBB2_18-.Ltmp7, $2  }
0x1ab: {  	_ =	sdelay $0x2  }
0x1ac: {  	[tilespmem:s19+$0xE000] =	vst v3  }
0x1ad: {  	v5 =	vbroadcast v5, $0xF;
	s19 =	simm.s32 $0x0  }
.LBB2_13:
0x1ae: {  	s1 =	sshll.u32 s19, $0xD  }
0x1af: {  	s6 =	sadd.s32 s29, s1  }
0x1b0: {  	s7 =	sadd.s32 s6, s2  }
0x1b1: {  	[tilespmem:s25], [sflag:$0x1] =	stream.linear.gather [spmem:s7], $0x2000, $0x38;
	[tilespmem:$0x1CC60] =	vst v63  }
0x1b2: {  	s6 =	sadd.s32 s6, s3  }
0x1b3: {  	[tilespmem:s20], [sflag:$0x1] =	stream.linear.gather [spmem:s6], $0x2000, $0x38;
	[tilespmem:$0x1CC60] =	vst v63  }
0x1b4: {  	_ =	swait.ge [sflag:s15], $0x2000  }
0x1b5: {  	[sflag:s15] =	ssyncset.done $0x0  }
0x1b6: {  	[sflag:s15] =	ssyncadd.s32 $0xFFFFE000  }
0x1b7: {  	_ =	swait.ge [sflag:s15], $0x2000  }
0x1b8: {  	[sflag:s15] =	ssyncset.done $0x0  }
0x1b9: {  	s31 =	simm.s32 $0x0;
	[sflag:s15] =	ssyncadd.s32 $0xFFFFE000  }
.LBB2_14:
0x1ba: {  	s6 =	sshll.u32 s31, $0x4  }
0x1bb: {  	v7 =	vld [tilespmem:s6+$0xC000];
	_ =	sdelay $0x2  }
0x1bc: {  	s7 =	sor.u32 s1, s6  }
0x1bd: {  	v6 =	vor.u32 s7, v0  }
0x1be: {  	vm2 =	vlt.s32 v6, v5;
	vm3 =	vgt.s32 v7, $0xFFFFFFFF  }
0x1bf: {  	vm2 =	vmand vm2, vm3  }
0x1c0: {  	v7 =	vand.u32 $0x3FFF, v7;
	_ =	sdelay $0x3  }
0x1c1: {  	v6 =	vld [tilespmem:s6+$0x6000]  }
.LBB2_15:
0x1c2: {  	v8 =	vld.idx.msk [tilespmem:v7+s26+$0x0], vm2;
	_ =	sdelay $0x4  }
0x1c3: {  	vm3 =	vlt.f32 v6, v8  }
0x1c4: {  	vm3 =	vmand vm2, vm3;
	_ =	sdelay $0x5  }
0x1c5: {  	[tilespmem:v7+s26+$0x0] =	vst.idx.msk vm3, v6  }
0x1c6: {  	v8 =	vld.idx.msk [tilespmem:v7+s26+$0x0], vm2;
	_ =	sdelay $0x4  }
0x1c7: {  	vm3 =	vlt.f32 v6, v8  }
0x1c8: {  	vm3 =	vmand vm2, vm3  }
0x1c9: {  	v8 =	vsel vm3, $0x3F800000, v4  }
0x1ca: {  	(xrf2) =	vadd.scan.msk.f32 $0xffff, v8;
	_ =	sdelay $0x9  }
0x1cb: {  	v8, _, _ =	vpop (xrf2)  }
0x1cc: {  	(v2sf) =	vpush v8, $0xF;
	_ =	sdelay $0xe  }
0x1cd: {  	s6 =	spop (v2sf)  }
0x1ce: {  	p0 =	sgt.f32 s6, $0.0e+00  }
.Ltmp8:
0x1cf: {  	_ = 	snop;
	(pc) =	sbr.rel @p0 .LBB2_15-.Ltmp8, $1  }
0x1d0: {  	_ =	sdelay $0x3  }
0x1d1: {  	s31 =	sadd.s32 $0x1, s31  }
0x1d2: {  	p0 =	sne.s32 s31, $0x200  }
.Ltmp9:
0x1d3: {  	_ = 	snop;
	(pc) =	sbr.rel @p0 .LBB2_14-.Ltmp9, $1  }
0x1d4: {  	_ =	sdelay $0x3  }
0x1d5: {  	s19 =	sadd.s32 $0x1, s19  }
0x1d6: {  	p0 =	sne.s32 s19, s30  }
.Ltmp10:
0x1d7: {  	_ = 	snop;
	(pc) =	sbr.rel @p0 .LBB2_13-.Ltmp10, $4  }
.Ltmp11:
0x1d8: {  	_ = 	snop;
	(pc) =	sbr.rel @!p0 .LBB2_18-.Ltmp11, $4  }
0x1d9: {  	_ = 	snop  }
0x1da: {  	_ = 	snop  }
0x1db: {  	_ = 	snop  }
0x1dc: {  	_ = 	snop  }
.LBB2_19:
0x1dd: {  	_ =	sfence.sel $0x180000  }
0x1de: {  	[bflag:$0x0] =	sbarrier.arrive $0xFFFF  }
0x1df: {  	_ =	strace $0x90000047  }
0x1e0: {  	[bflag:$0x2] =	sbarrier.arrive $0xFFFF  }
0x1e1: {  	p0 =	sne.s32 s0, $0x0;
	s0 =	rddreg [dreg:$0xd]  }
0x1e2: {  	s0 =	sadd.s32 @!p0 $0x100000, s0  }
0x1e3: {  	[sflag:s0] =	ssyncadd.tile.s32 @!p0 $0x1;
	_ =	shalt  }
.Lfunc_end2:
_tile_overlayer_lowered:
.L_overlay_start_2:
0x1e4: {  	(tag) =	ssettag $0x2  }
0x1e5: {  	s0 =	rddreg [dreg:$0x0];
	s2 =	stileid.u32  }
0x1e6: {  	s1 =	rddreg [dreg:$0x1];
	p0 =	sne.s32 s2, $0x0  }
0x1e7: {  	s3 =	rddreg [dreg:$0x2];
	[bflag:$0x3] =	sbarrier.arrive $0xFFFF;
	s2 =	simm.s32 @!p0 $0x1C02  }
0x1e8: {  	[timem:s3], [sflag:s2] =	dma.local @!p0 [hbm:s0], s1  }
0x1e9: {  	s0 =	simm.s32 @!p0 $0x2  }
0x1ea: {  	_ =	swait.ge @!p0 [sflag:s0], s1  }
0x1eb: {  	s1 =	ssub.s32 @!p0 $0x0, s1;
	[sflag:s0] =	ssyncset.done @!p0 $0x0  }
0x1ec: {  	[sflag:s0] =	ssyncadd.s32 @!p0 s1  }
0x1ed: {  	[bflag:$0x3] =	sbarrier.arrive $0xFFFF  }
0x1ee: {  	_ =	shalt  }

// kernel: _run.8.cloned.1.call-start
scs
__scs_entry_jumppad:
0x0: {  	(pc) =	sbr.rel $0x88, $3  }
0x1: {  	(tag) =	ssettag $0x0;
	lr =	simm.s32 $0x1  }
0x2: {  	[smem:$0x3F9A] =	sst lr;
	_ =	strace $0xD0000000  }
0x3: {  	_ = 	snop  }
0x4: {  	_ = 	snop  }
0x5: {  	_ = 	snop  }
0x6: {  	_ = 	snop  }
0x7: {  	_ = 	snop  }
__scs_overlays_trampoline_lowered:
0x8: {  	[smem:$0x3FA9] =	sst s0  }
0x9: {  	[smem:$0x3FAA] =	sst s1  }
0xa: {  	[smem:$0x3FAB] =	sst s2  }
0xb: {  	[smem:$0x3FAC] =	sst s3  }
0xc: {  	[smem:$0x3FAD] =	sst s4  }
0xd: {  	[smem:$0x3FAE] =	sst s5  }
0xe: {  	[smem:$0x3FAF] =	sst s6  }
0xf: {  	[smem:$0x3FB0] =	sst s7  }
0x10: {  	[smem:$0x3FB1] =	sst s8  }
0x11: {  	[smem:$0x3FB2] =	sst s9;
	s0 =	simm.s32 @!p0 $0x0  }
0x12: {  	s1 =	sld [smem:$0x3F98];
	s0 =	simm.s32 @p0 $0x1  }
0x13: {  	[smem:$0x3FB3] =	sst s0;
	s0 =	simm.s32 @!p1 $0x0  }
0x14: {  	s2 =	sld [smem:$0x3F97];
	s0 =	simm.s32 @p1 $0x1  }
0x15: {  	[smem:$0x3FB4] =	sst s0;
	s0 =	simm.s32 @!p2 $0x0  }
0x16: {  	s3 =	sld [smem:$0x3FDB];
	s0 =	simm.s32 @p2 $0x1  }
0x17: {  	s4 =	simm.s32 $0x1BF5;
	[smem:$0x3FB6] =	sst s0  }
0x18: {  	s0 =	sld [smem:$0x3F99];
	_ =	swait.ge [sflag:s4], $0x0  }
0x19: {  	s7 =	sld [smem:$0x3F9A]  }
0x1a: {  	s8 =	sadd.s32 $0xFFFFE003, lr  }
0x1b: {  	s9 =	sadd.s32 $0xFFFFFEF7, lr;
	s5 =	simm.s32 $0xFFFFFFFF;
	p2 =	slt.u32 s8, $0xFFFFF086  }
0x1c: {  	p1 =	slt.u32 s9, $0xF7A;
	s5 =	simm.s32 @!p2 $0x0  }
0x1d: {  	s5 =	simm.s32 @p1 $0x1;
	p0 =	seq.s32 s7, s2  }
0x1e: {  	s7 =	smul.u32 @!p0 $0xF7A, s2;
	p2 =	seq.s32 @!p0 s5, $0x0  }
0x1f: {  	s9 =	smul.u32 $0xF7A, s1;
	s8 =	simm.s32 @!p0 $0x1BF5;
	p2 =	por !p2, p0  }
0x20: {  	[sflag:s8] =	ssyncset.s32 @!p0 $0xFFFFF086;
	s6 =	sadd.s32 @!p0 s3, s7;
	s7 =	simm.s32 @!p0 $0x108  }
0x21: {  	s3 =	sadd.s32 s3, s9;
	s6 =	sadd.s32 @!p0 $0x88, s6;
	s7 =	simm.s32 @p2 $0x1082  }
0x22: {  	[simem:s7], [sflag:s8] =	dma.local @!p0 [hbm:s6], $0xF7A  }
0x23: {  	s9 =	sor.u32 $0xD0000000, s2;
	s6 =	simm.s32 $0x108;
	_ =	swait.ge @!p0 [sflag:s8], $0x0  }
0x24: {  	s3 =	sadd.s32 $0x88, s3;
	s6 =	simm.s32 @!p1 $0x1082;
	[sflag:s4] =	ssyncset.s32 $0xFFFFF086  }
0x25: {  	[simem:s6], [sflag:s4] =	dma.local [hbm:s3], $0xF7A  }
0x26: {  	[smem:$0x3F9A] =	sst s1;
	(tag) =	ssettag s2;
	_ =	strace s9  }
0x27: {  	s1 =	sld [smem:$0x3FAA]  }
0x28: {  	s2 =	sld [smem:$0x3FAB]  }
0x29: {  	s4 =	sld [smem:$0x3FAD]  }
0x2a: {  	p0 =	seq.s32 s5, $0x0;
	s5 =	sld [smem:$0x3FAE]  }
0x2b: {  	s6 =	sld [smem:$0x3FAF]  }
0x2c: {  	s7 =	sld [smem:$0x3FB0]  }
0x2d: {  	s3 =	simm.s32 $0x108;
	s8 =	sld [smem:$0x3FB1]  }
0x2e: {  	s3 =	simm.s32 @!p0 $0x1082;
	s9 =	sld [smem:$0x3FB2]  }
0x2f: {  	lr =	sadd.s32 s0, s3;
	s0 =	sld [smem:$0x3FA9]  }
0x30: {  	s3 =	sld [smem:$0x3FAC]  }
0x31: {  	[smem:$0x3FB5] =	sst s10  }
0x32: {  	s10 =	sld [smem:$0x3FB3];
	_ =	sdelay $0x3  }
0x33: {  	p0 =	seq.s32 s10, $0x1;
	s10 =	sld [smem:$0x3FB5];
	_ =	sdelay $0x3  }
0x34: {  	[smem:$0x3FB5] =	sst s10  }
0x35: {  	s10 =	sld [smem:$0x3FB4];
	_ =	sdelay $0x3  }
0x36: {  	p1 =	seq.s32 s10, $0x1;
	s10 =	sld [smem:$0x3FB5];
	_ =	sdelay $0x3  }
0x37: {  	[smem:$0x3FB5] =	sst s10  }
0x38: {  	s10 =	sld [smem:$0x3FB6]  }
0x39: {  	_ = 	snop;
	(pc) =	sbr.ind lr, $3  }
0x3a: {  	_ = 	snop  }
0x3b: {  	_ = 	snop  }
0x3c: {  	p2 =	seq.s32 s10, $0x1;
	s10 =	sld [smem:$0x3FB5]  }
0x3d: {  	_ =	shalt  }
0x3e: {  	_ =	shalt  }
0x3f: {  	_ =	shalt  }
0x40: {  	_ =	shalt  }
0x41: {  	_ =	shalt  }
0x42: {  	_ =	shalt  }
0x43: {  	_ =	shalt  }
0x44: {  	_ =	shalt  }
0x45: {  	_ =	shalt  }
0x46: {  	_ =	shalt  }
0x47: {  	_ =	shalt  }
0x48: {  	_ =	shalt  }
0x49: {  	_ =	shalt  }
0x4a: {  	_ =	shalt  }
0x4b: {  	_ =	shalt  }
0x4c: {  	_ =	shalt  }
0x4d: {  	_ =	shalt  }
0x4e: {  	_ =	shalt  }
0x4f: {  	_ =	shalt  }
0x50: {  	_ =	shalt  }
0x51: {  	_ =	shalt  }
0x52: {  	_ =	shalt  }
0x53: {  	_ =	shalt  }
0x54: {  	_ =	shalt  }
0x55: {  	_ =	shalt  }
0x56: {  	_ =	shalt  }
0x57: {  	_ =	shalt  }
0x58: {  	_ =	shalt  }
0x59: {  	_ =	shalt  }
0x5a: {  	_ =	shalt  }
0x5b: {  	_ =	shalt  }
0x5c: {  	_ =	shalt  }
0x5d: {  	_ =	shalt  }
0x5e: {  	_ =	shalt  }
0x5f: {  	_ =	shalt  }
0x60: {  	_ =	shalt  }
0x61: {  	_ =	shalt  }
0x62: {  	_ =	shalt  }
0x63: {  	_ =	shalt  }
0x64: {  	_ =	shalt  }
0x65: {  	_ =	shalt  }
0x66: {  	_ =	shalt  }
0x67: {  	_ =	shalt  }
0x68: {  	_ =	shalt  }
0x69: {  	_ =	shalt  }
0x6a: {  	_ =	shalt  }
0x6b: {  	_ =	shalt  }
0x6c: {  	_ =	shalt  }
0x6d: {  	_ =	shalt  }
0x6e: {  	_ =	shalt  }
0x6f: {  	_ =	shalt  }
0x70: {  	_ =	shalt  }
0x71: {  	_ =	shalt  }
0x72: {  	_ =	shalt  }
0x73: {  	_ =	shalt  }
0x74: {  	_ =	shalt  }
0x75: {  	_ =	shalt  }
0x76: {  	_ =	shalt  }
0x77: {  	_ =	shalt  }
0x78: {  	_ =	shalt  }
0x79: {  	_ =	shalt  }
0x7a: {  	_ =	shalt  }
0x7b: {  	_ =	shalt  }
0x7c: {  	_ =	shalt  }
0x7d: {  	_ =	shalt  }
0x7e: {  	_ =	shalt  }
0x7f: {  	_ =	shalt  }
0x80: {  	_ =	shalt  }
0x81: {  	_ =	shalt  }
0x82: {  	_ =	shalt  }
0x83: {  	_ =	shalt  }
0x84: {  	_ =	shalt  }
0x85: {  	_ =	shalt  }
0x86: {  	_ =	shalt  }
0x87: {  	_ =	shalt  }
.Lfunc_end0:
.L_simem_size_0:
called_computation.1_lowered:
.L_overlay_start_0:
0x88: {  	s2 =	sld [smem:$0x3FD9]  }
0x89: {  	s3 =	sld [smem:$0x3FFE];
	_ =	sdelay $0x1  }
0x8a: {  	s1 =	srdreg.scid  }
0x8b: {  	s0 =	sand.u32 $0x1, s1  }
0x8c: {  	s17 =	sshll.u32 s0, $0xA;
	s2 =	sadd.s32 s3, s2  }
0x8d: {  	s2 =	sadd.s32 s2, s17  }
0x8e: {  	[smem:$0x3FC1] =	sst s2  }
0x8f: {  	_ = 	snop  }
0x90: {  	s2 =	sld [smem:$0x3FC3]  }
0x91: {  	s18 =	sld [smem:$0x3FD0];
	(tm) =	ssettm $0x1  }
0x92: {  	s4 =	sld [smem:$0x3FFB];
	_ =	sdelay $0x3  }
0x93: {  	_ =	strace s4  }
0x94: {  	s4 =	sld [smem:$0x3FFC];
	_ =	sdelay $0x3  }
0x95: {  	_ =	strace s4  }
0x96: {  	s4 =	sld [smem:$0x3FFD];
	_ =	sdelay $0x3  }
0x97: {  	_ =	strace s4  }
0x98: {  	_ =	strace $0x8FFFFFFF  }
0x99: {  	s19 =	sld [smem:$0x3FDB];
	_ =	sdelay $0x1  }
0x9a: {  	s5 =	simm.s32 $_scs_section_size  }
0x9b: {  	s6 =	simm.s32 $_size__tile_overlayer_lowered;
	s7 =	simm.s32 $_tile_overlayer_lowered  }
0x9c: {  	s22 =	simm.s32 $0x1BFF;
	s21 =	sshll.u32 s7, $0x1;
	s4 =	sadd.s32 s5, s19  }
0x9d: {  	s8 =	simm.s32 $0x0;
	s20 =	sshll.u32 s6, $0x1;
	s6 =	sadd.s32 s21, s4  }
0x9e: {  	[timem:s8], [sflag:s22] =	dma.local [hbm:s6], s20  }
0x9f: {  	_ =	swait.ge [sflag:s22], s20  }
0xa0: {  	s5 =	ssub.s32 $0x0, s20;
	[sflag:s22] =	ssyncset.done $0x0  }
0xa1: {  	[sflag:s22] =	ssyncadd.s32 s5;
	_ =	sdelay $0x1  }
0xa2: {  	s23 =	simm.s32 $0x1B8B  }
0xa3: {  	_ =	swait.ge [sflag:s23], $0x1  }
0xa4: {  	[sflag:s23] =	ssyncset.done $0x0  }
0xa5: {  	s25 =	simm.s32 $0x1B8E;
	s24 =	sld [smem:$0x3FFE];
	[sflag:s23] =	ssyncadd.s32 $0xFFFFFFFF  }
0xa6: {  	s26 =	simm.s32 $execute0_lowered;
	[smem:$0x3FD2] =	sst s25  }
0xa7: {  	s6 =	sshll.u32 s26, $0x1;
	_ =	strace $0x80000049;
	[dreg:$0x1] =	wrdreg $0xFFFFFFFF  }
0xa8: {  	s28 =	simm.s32 $_size_execute0_lowered;
	s4 =	sadd.s32 s4, s6;
	[dreg:$0x0] =	wrdreg $0x0  }
0xa9: {  	s6 =	sshll.u32 s28, $0x1;
	[dreg:$0x2] =	wrdreg s4  }
0xaa: {  	[dreg:$0x3] =	wrdreg s6  }
0xab: {  	[dreg:$0x4] =	wrdreg $0xC0  }
0xac: {  	_ =	task [dreg:s8], $0x5FFFF  }
0xad: {  	[dreg:$0x1] =	wrdreg $0xFFFFFFFF  }
0xae: {  	[dreg:$0x0] =	wrdreg $0x60  }
0xaf: {  	[dreg:$0x2] =	wrdreg s24  }
0xb0: {  	[dreg:$0x3] =	wrdreg s2  }
0xb1: {  	[dreg:$0x4] =	wrdreg s18  }
0xb2: {  	[dreg:$0x5] =	wrdreg $0x9  }
0xb3: {  	_ =	task.clear_ibuf [dreg:s8], $0x6FFFF;
	_ =	strace $0x90000049  }
0xb4: {  	s29 =	simm.s32 $0x9;
	_ =	strace $0x8000004B  }
0xb5: {  	_ =	swait.ge [sflag:s29], $0x1  }
0xb6: {  	[sflag:s29] =	ssyncadd.s32 $0xFFFFFFFF  }
0xb7: {  	_ =	strace $0x9000004B  }
0xb8: {  	_ =	sfence  }
0xb9: {  	s30 =	sld [smem:$0x0];
	_ =	sdelay $0x2  }
0xba: {  	s31 =	sshll.u32 s1, $0xD;
	s1 =	sshrl.u32 s1, $0x2  }
0xbb: {  	s3 =	sand.u32 $0x4000, s31;
	s1 =	sadd.s32 s1, s30  }
0xbc: {  	s0 =	sor.u32 s3, s0;
	s1 =	sshll.u32 s1, $0x11  }
0xbd: {  	s0 =	sor.u32 s1, s0  }
0xbe: {  	s0 =	sadd.s32 $0x8F2B, s0  }
0xbf: {  	[sflag:s0] =	ssyncadd.remote.s32 $0x1  }
0xc0: {  	_ =	sfence.sel $0xFFFF  }
0xc1: {  	[dreg:$0x0] =	wrdreg $0xFFFFFFFF;
	(pc) =	sbr.abs _section_cstart, $3  }
0xc2: {  	[dreg:$0x1] =	wrdreg $0xFFFFFFFF  }
0xc3: {  	_ =	task.clear_ibuf [dreg:s8], $0x2FFFF;
	_ =	strace $0x9FFFFFFF  }
0xc4: {  	(tm) =	ssettm $0x7FFFFFFF  }
0xc5: {  	_ =	shalt  }
tec
execute0_lowered:
.L_overlay_start_1:
0x0: {  	(tag) =	ssettag $0x1  }
0x1: {  	s0 =	rddreg [dreg:$0x0]  }
0x2: {  	s1 =	rddreg [dreg:$0x2];
	s3 =	srdreg.scid;
	s2 =	simm.s32 $0x0  }
0x3: {  	s20 =	stileid.u32;
	s21 =	simm.s32 $0x2;
	s28 =	simm.s32 $0x1A100  }
0x4: {  	s29 =	simm.s32 $0x1C100;
	s30 =	simm.s32 $0x1;
	s31 =	simm.s32 $0x10000  }
0x5: {  	s3 =	sand.u32 $0x1, s3;
	[smem:$0x7FF] =	sst s2;
	s10 =	sadd.s32 $0x1C00, s0  }
0x6: {  	s5 =	sadd.s32 $0x1A800, s0;
	s6 =	sadd.s32 $0x23200, s0;
	s7 =	sadd.s32 $0x2BC00, s0  }
0x7: {  	s11 =	sshll.u32 s20, $0xB;
	s8 =	sadd.s32 $0x34600, s0;
	v2 =	vmov s20;
	s20 =	simm.s32 $0x0  }
0x8: {  	s4 =	sshll.u32 s3, $0x5;
	_ =	strace $0x8000004A;
	s12 =	sshll.u32 s3, $0xF  }
0x9: {  	s13 =	ssub.s32 $0x2, s3;
	s3 =	smul.u32 $0x22100, s3;
	s16 =	sadd.s32 s10, s11  }
0xa: {  	s26 =	sor.u32 $0x400, s11;
	s9 =	sadd.s32 s4, s0;
	s4 =	sadd.s32 $0x11E00, s0  }
0xb: {  	s12 =	sor.u32 s11, s12;
	s14 =	sshrl.u32 s13, $0x1;
	s18 =	sadd.s32 s10, s26  }
0xc: {  	s15 =	sadd.s32 s12, s0;
	s9 =	sadd.s32 $0x11C00, s9;
	[dreg:$0x5] =	wrdreg s3  }
0xd: {  	s13 =	ssub.s32 s13, s14;
	s1 =	sadd.s32 s1, s12;
	[dreg:$0x4] =	wrdreg s9  }
0xe: {  	s0 =	sadd.s32 $0x9C00, s0;
	s3 =	simm.s32 $0x8000;
	[dreg:$0x6] =	wrdreg s1  }
.Ltmp0:
0xf: {  	s23 =	sadd.s32 $0x3D000, s15;
	s24 =	sadd.s32 $0x4D000, s15;
	(pc) =	sbr.rel .LBB2_1-.Ltmp0, $4  }
0x10: {  	s25 =	sadd.s32 $0x5D000, s15;
	s15 =	smax.u32 s13, $0x1;
	s17 =	sadd.s32 s11, s0  }
0x11: {  	s19 =	sadd.s32 s26, s0;
	s26 =	simm.s32 $0x18100;
	[dreg:$0x7] =	wrdreg s23  }
0x12: {  	v0 =	vlaneseq.u32;
	s0 =	simm.s32 $0x4000;
	s1 =	simm.s32 $0xC000;
	[dreg:$0x8] =	wrdreg s24  }
0x13: {  	v1 =	vimm.f32 $0.0e+00;
	vm0 =	veq.s32 v2, v0;
	[dreg:$0x9] =	wrdreg s25;
	s24 =	simm.s32 $0x14100;
	s25 =	simm.s32 $0x16100  }
.LBB2_12:
0x14: {  	s9 =	rddreg [dreg:$0x6]  }
0x15: {  	[hbm4b:s9+s2] =	stream.linear.scatter [tilespmem:s0], [sflag:$0x1], $0x4000, $0x38;
	[tilespmem:$0x1E180] =	vst v63  }
0x16: {  	s14 =	rddreg [dreg:$0x7]  }
0x17: {  	[hbm4b:s14+s2] =	stream.linear.scatter [tilespmem:s3], [sflag:$0x1], $0x4000, $0x38;
	[tilespmem:$0x1E180] =	vst v63  }
0x18: {  	s22 =	rddreg [dreg:$0x8]  }
0x19: {  	[hbm4b:s22+s2] =	stream.linear.scatter [tilespmem:s1], [sflag:$0x1], $0x4000, $0x38;
	[tilespmem:$0x1E180] =	vst v63  }
0x1a: {  	s23 =	rddreg [dreg:$0x9]  }
0x1b: {  	[hbm4b:s23+s2] =	stream.linear.scatter [tilespmem:s31], [sflag:$0x1], $0x4000, $0x38;
	[tilespmem:$0x1E180] =	vst v63  }
0x1c: {  	_ =	swait.ge [sflag:s30], $0x4000  }
0x1d: {  	[sflag:s30] =	ssyncset.done $0x0  }
0x1e: {  	[sflag:s30] =	ssyncadd.s32 $0xFFFFC000  }
0x1f: {  	_ =	swait.ge [sflag:s30], $0x4000  }
0x20: {  	[sflag:s30] =	ssyncset.done $0x0  }
0x21: {  	s20 =	sadd.s32 $0x1, s20;
	[sflag:s30] =	ssyncadd.s32 $0xFFFFC000  }
0x22: {  	p0 =	sne.s32 s20, s15;
	_ =	swait.ge [sflag:s30], $0x4000  }
.Ltmp1:
0x23: {  	[sflag:s30] =	ssyncset.done $0x0;
	(pc) =	sbr.rel @!p0 .LBB2_13-.Ltmp1, $4  }
0x24: {  	[sflag:s30] =	ssyncadd.s32 $0xFFFFC000  }
0x25: {  	_ =	swait.ge [sflag:s30], $0x4000  }
0x26: {  	[sflag:s30] =	ssyncset.done $0x0  }
0x27: {  	[sflag:s30] =	ssyncadd.s32 $0xFFFFC000  }
.LBB2_1:
0x28: {  	s9 =	rddreg [dreg:$0x1];
	s10 =	simm.s32 $0x1E100  }
0x29: {  	[tilespmem:s10], [sflag:$0x2] =	stream.linear.gather [hbm4b:s9+s2], $0x80, $0x38;
	[tilespmem:$0x1E180] =	vst v63  }
0x2a: {  	_ =	swait.ge [sflag:s21], $0x80  }
0x2b: {  	[sflag:s21] =	ssyncset.done $0x0  }
0x2c: {  	[sflag:s21] =	ssyncadd.s32 $0xFFFFFF80  }
0x2d: {  	v2 =	vld [tilespmem:$0x1E100];
	[tilespmem:s2], [sflag:$0x2] =	stream.linear.gather [hbm4b:s16+s2], $0x2000, $0x38  }
0x2e: {  	_ =	swait.ge [sflag:s21], $0x2000  }
0x2f: {  	[sflag:s21] =	ssyncset.done $0x0  }
0x30: {  	[sflag:s21] =	ssyncadd.s32 $0xFFFFE000  }
0x31: {  	[tilespmem:s25], [sflag:$0x2] =	stream.linear.gather [hbm4b:s17+s2], $0x2000, $0x38;
	[tilespmem:$0x1E180] =	vst v63  }
0x32: {  	_ =	swait.ge [sflag:s21], $0x2000  }
0x33: {  	[sflag:s21] =	ssyncset.done $0x0  }
0x34: {  	[sflag:s21] =	ssyncadd.s32 $0xFFFFE000  }
0x35: {  	s11 =	simm.s32 $0x16100;
	s9 =	sand.u32 $0x1FF0, s2;
	s10 =	simm.s32 $0x10;
	v3 =	vld [tilespmem:s25+$0x0]  }
.LBB2_2:
0x36: {  	p0 =	sne.s32 s10, $0x1FF0;
	v4 =	vld [tilespmem:s9+$0x0];
	_ =	sdelay $0x2  }
.Ltmp2:
0x37: {  	(pc) =	sbr.rel @p0 .LBB2_2-.Ltmp2, $4  }
0x38: {  	_ = 	snop  }
0x39: {  	v3 =	vmin.f32 v4, v3  }
0x3a: {  	s11 =	sadd.s32 $0x10, s11;
	[tilespmem:s9+$0x0] =	vst v3  }
0x3b: {  	s9 =	sand.u32 $0x1FF0, s10;
	s10 =	sadd.s32 $0x10, s10;
	v3 =	vld [tilespmem:s11+$0x0]  }
0x3c: {  	v4 =	vld [tilespmem:s9+$0x0];
	_ =	sdelay $0x4  }
0x3d: {  	v3 =	vmin.f32 v4, v3  }
0x3e: {  	s10 =	simm.s32 $0x0;
	s23 =	simm.s32 $0x2000;
	[tilespmem:s9+$0x0] =	vst v3  }
0x3f: {  	[tilespmem:s23], [sflag:$0x2] =	stream.linear.gather [hbm4b:s18+s10], $0x2000, $0x38;
	[tilespmem:$0x1E180] =	vst v63  }
0x40: {  	_ =	swait.ge [sflag:s21], $0x2000  }
0x41: {  	[sflag:s21] =	ssyncset.done $0x0  }
0x42: {  	s9 =	simm.s32 $0x16100;
	[sflag:s21] =	ssyncadd.s32 $0xFFFFE000  }
0x43: {  	[tilespmem:s9], [sflag:$0x2] =	stream.linear.gather [hbm4b:s19+s10], $0x2000, $0x38;
	[tilespmem:$0x1E180] =	vst v63  }
0x44: {  	_ =	swait.ge [sflag:s21], $0x2000  }
0x45: {  	[sflag:s21] =	ssyncset.done $0x0  }
0x46: {  	[sflag:s21] =	ssyncadd.s32 $0xFFFFE000  }
0x47: {  	s11 =	simm.s32 $0x10;
	s10 =	sand.u32 $0x1FF0, s10;
	v3 =	vld [tilespmem:s9+$0x0]  }
.LBB2_4:
0x48: {  	p0 =	sne.s32 s11, $0x1FF0;
	v4 =	vld [tilespmem:s10+$0x2000];
	_ =	sdelay $0x2  }
.Ltmp3:
0x49: {  	(pc) =	sbr.rel @p0 .LBB2_4-.Ltmp3, $4  }
0x4a: {  	_ = 	snop  }
0x4b: {  	v3 =	vmin.f32 v4, v3  }
0x4c: {  	s9 =	sadd.s32 $0x10, s9;
	[tilespmem:s10+$0x2000] =	vst v3  }
0x4d: {  	s10 =	sand.u32 $0x1FF0, s11;
	s11 =	sadd.s32 $0x10, s11;
	v3 =	vld [tilespmem:s9+$0x0]  }
0x4e: {  	v4 =	vld [tilespmem:s10+$0x2000];
	_ =	sdelay $0x4  }
0x4f: {  	v3 =	vmin.f32 v4, v3  }
0x50: {  	s9 =	simm.s32 $0x0;
	[tilespmem:s10+$0x2000] =	vst v3;
	s10 =	simm.s32 $0x40  }
.LBB2_6:
0x51: {  	p0 =	sne.s32 s10, $0xFFC0;
	[tilespmem:s9+$0x10000] =	vst v1;
	s11 =	smov.u32 s10;
	s10 =	sadd.s32 $0x40, s10  }
.Ltmp4:
0x52: {  	[tilespmem:s9+$0xC000] =	vst v1;
	(pc) =	sbr.rel @p0 .LBB2_6-.Ltmp4, $3  }
0x53: {  	[tilespmem:s9+$0x4000] =	vst v1  }
0x54: {  	[tilespmem:s9+$0x8000] =	vst v1;
	_ =	sdelay $0x1  }
0x55: {  	s9 =	sshra.s32 s11, $0x2  }
0x56: {  	[tilespmem:s9+$0x10000] =	vst v1  }
0x57: {  	[tilespmem:s9+$0xC000] =	vst v1  }
0x58: {  	[tilespmem:s9+$0x4000] =	vst v1  }
0x59: {  	[tilespmem:s9+$0x8000] =	vst v1;
	s22 =	rddreg [dreg:$0x4];
	s10 =	simm.s32 $0x14000  }
0x5a: {  	[tilespmem:s10], [sflag:$0x2] =	stream.linear.gather [hbm4b:s22+s2], $0x100, $0x38;
	[tilespmem:$0x1E180] =	vst v63  }
0x5b: {  	_ =	swait.ge [sflag:s21], $0x100  }
0x5c: {  	[sflag:s21] =	ssyncset.done $0x0  }
0x5d: {  	[sflag:s21] =	ssyncadd.s32 $0xFFFFFF00  }
0x5e: {  	v3 =	vld [tilespmem:$0x14000]  }
0x5f: {  	v4 =	vld [tilespmem:$0x14010]  }
0x60: {  	v5 =	vld [tilespmem:$0x14020]  }
0x61: {  	v6 =	vld [tilespmem:$0x14030]  }
0x62: {  	v7 =	vld [tilespmem:$0x14040]  }
0x63: {  	v8 =	vld [tilespmem:$0x14050]  }
0x64: {  	v3 =	vadd.s32 v3, v4;
	v4 =	vld [tilespmem:$0x14060]  }
0x65: {  	v3 =	vadd.s32 v3, v5;
	v5 =	vld [tilespmem:$0x14070]  }
0x66: {  	v58 =	vld [tilespmem:$0x14080];
	v3 =	vadd.s32 v3, v6  }
0x67: {  	v59 =	vld [tilespmem:$0x14090];
	v3 =	vadd.s32 v3, v7  }
0x68: {  	v60 =	vld [tilespmem:$0x140A0];
	v3 =	vadd.s32 v3, v8  }
0x69: {  	v3 =	vadd.s32 v3, v4;
	v4 =	vld [tilespmem:$0x140B0]  }
0x6a: {  	v3 =	vadd.s32 v3, v5;
	v5 =	vld [tilespmem:$0x140C0]  }
0x6b: {  	v61 =	vld [tilespmem:$0x140D0];
	v3 =	vadd.s32 v3, v58  }
0x6c: {  	v62 =	vld [tilespmem:$0x140E0];
	v3 =	vadd.s32 v3, v59  }
0x6d: {  	v63 =	vld [tilespmem:$0x140F0];
	v3 =	vadd.s32 v3, v60  }
0x6e: {  	v3 =	vadd.s32 v3, v4  }
0x6f: {  	v3 =	vadd.s32 v3, v5  }
0x70: {  	v3 =	vadd.s32 v3, v61  }
0x71: {  	v3 =	vadd.s32 v3, v62  }
0x72: {  	v3 =	vadd.s32 v3, v63  }
0x73: {  	v3 =	vadd.s32 $0xF, v3  }
0x74: {  	v3 =	vand.u32 $0xFFFFFFF0, v3  }
0x75: {  	(xrf0) =	vadd.scan.msk.s32 $0xffff, v3;
	_ =	sdelay $0x5  }
0x76: {  	v4, _, _ =	vpop (xrf0)  }
0x77: {  	v4 =	vsub.s32 v4, v3  }
0x78: {  	v4 =	vnsel vm0, $0x0, v4  }
0x79: {  	v3 =	vnsel vm0, $0x0, v3;
	(xrf0) =	vadd.scan.msk.s32 $0xffff, v4  }
0x7a: {  	(xrf0) =	vadd.scan.msk.s32 $0xffff, v3;
	_ =	sdelay $0x4  }
0x7b: {  	v3, _, _ =	vpop (xrf0)  }
0x7c: {  	(v2sf) =	vpush v3, $0xF;
	v3, _, _ =	vpop (xrf0)  }
0x7d: {  	(v2sf) =	vpush v3, $0xF;
	_ =	sdelay $0xd  }
0x7e: {  	s9 =	spop (v2sf)  }
0x7f: {  	s23 =	spop (v2sf)  }
0x80: {  	s10 =	sadd.s32 $0x1FFF, s23  }
0x81: {  	s11 =	sshra.s32 s10, $0x1F  }
0x82: {  	s12 =	sshrl.u32 s11, $0x13  }
0x83: {  	s10 =	sadd.s32 s12, s10  }
0x84: {  	s10 =	sshra.s32 s10, $0xD  }
0x85: {  	s22 =	sadd.s32 s11, s10  }
0x86: {  	p0 =	slt.s32 s22, $0x1  }
.Ltmp5:
0x87: {  	_ = 	snop;
	(pc) =	sbr.rel @p0 .LBB2_12-.Ltmp5, $1  }
0x88: {  	_ =	sdelay $0x3  }
0x89: {  	s10 =	rddreg [dreg:$0x5];
	s12 =	simm.s32 $0x0  }
0x8a: {  	v3 =	vbroadcast v3, $0xF;
	s11 =	simm.s32 $0x0;
	s23 =	sadd.s32 s10, s9;
	s10 =	simm.s32 $0x0  }
.LBB2_9:
0x8b: {  	s9 =	sshll.u32 s11, $0xD  }
0x8c: {  	s9 =	sadd.s32 s9, s23  }
0x8d: {  	s9 =	sshrl.u32 s9, $0x3  }
0x8e: {  	s13 =	sadd.s32 s4, s9  }
0x8f: {  	[tilespmem:s24], [sflag:$0x1] =	stream.linear.gather [hbm4b:s13+s10], $0x2000, $0x38;
	[tilespmem:$0x1E180] =	vst v63  }
0x90: {  	s14 =	sadd.s32 s5, s9  }
0x91: {  	[tilespmem:s25], [sflag:$0x1] =	stream.linear.gather [hbm4b:s14+s10], $0x2000, $0x38;
	[tilespmem:$0x1E180] =	vst v63  }
0x92: {  	s14 =	sadd.s32 s6, s9  }
0x93: {  	[tilespmem:s26], [sflag:$0x1] =	stream.linear.gather [hbm4b:s14+s10], $0x2000, $0x38;
	[tilespmem:$0x1E180] =	vst v63  }
0x94: {  	s14 =	sadd.s32 s7, s9  }
0x95: {  	[tilespmem:s28], [sflag:$0x1] =	stream.linear.gather [hbm4b:s14+s10], $0x2000, $0x38;
	[tilespmem:$0x1E180] =	vst v63  }
0x96: {  	s9 =	sadd.s32 s8, s9  }
0x97: {  	[tilespmem:s29], [sflag:$0x1] =	stream.linear.gather [hbm4b:s9+s10], $0x2000, $0x38;
	[tilespmem:$0x1E180] =	vst v63  }
0x98: {  	_ =	swait.ge [sflag:s30], $0x2000  }
0x99: {  	[sflag:s30] =	ssyncset.done $0x0  }
0x9a: {  	[sflag:s30] =	ssyncadd.s32 $0xFFFFE000  }
0x9b: {  	_ =	swait.ge [sflag:s30], $0x2000  }
0x9c: {  	[sflag:s30] =	ssyncset.done $0x0  }
0x9d: {  	[sflag:s30] =	ssyncadd.s32 $0xFFFFE000  }
0x9e: {  	_ =	swait.ge [sflag:s30], $0x2000  }
0x9f: {  	[sflag:s30] =	ssyncset.done $0x0  }
0xa0: {  	[sflag:s30] =	ssyncadd.s32 $0xFFFFE000  }
0xa1: {  	_ =	swait.ge [sflag:s30], $0x2000  }
0xa2: {  	[sflag:s30] =	ssyncset.done $0x0  }
0xa3: {  	[sflag:s30] =	ssyncadd.s32 $0xFFFFE000  }
0xa4: {  	_ =	swait.ge [sflag:s30], $0x2000  }
0xa5: {  	[sflag:s30] =	ssyncset.done $0x0  }
0xa6: {  	s13 =	simm.s32 $0x0;
	s9 =	smov.u32 s12;
	[sflag:s30] =	ssyncadd.s32 $0xFFFFE000  }
.LBB2_10:
0xa7: {  	s14 =	sshra.s32 s13, $0x2  }
0xa8: {  	v4 =	vld [tilespmem:s14+$0x14100];
	_ =	sdelay $0x3  }
0xa9: {  	v5 =	vor.u32 s9, v0  }
0xaa: {  	vm1 =	vlt.s32 v5, v3;
	vm2 =	vgt.s32 v4, $0xFFFFFFFF  }
0xab: {  	vm1 =	vmand vm1, vm2  }
0xac: {  	v4 =	vand.u32 $0x3FFF, v4;
	_ =	sdelay $0x4  }
0xad: {  	v5 =	vld.idx.msk [tilespmem:v4+s2+$0x0], vm1;
	_ =	sdelay $0x1  }
0xae: {  	v6 =	vld [tilespmem:s14+$0x16100];
	_ =	sdelay $0x2  }
0xaf: {  	v5 =	vadd.f32 v5, v2;
	_ =	sdelay $0x1  }
0xb0: {  	vm2 =	vle.f32 v6, v5  }
0xb1: {  	vm1 =	vmand vm1, vm2;
	_ =	sdelay $0x4  }
0xb2: {  	v5 =	vsel vm1, $0x3F800000, v1  }
0xb3: {  	[tilespmem:v4+s31+$0x0] =	vst.idx.add.f32.msk vm1, v5  }
0xb4: {  	v5 =	vld [tilespmem:s14+$0x18100];
	_ =	sdelay $0x4  }
0xb5: {  	[tilespmem:v4+s0+$0x0] =	vst.idx.add.f32.msk vm1, v5  }
0xb6: {  	v5 =	vld [tilespmem:s14+$0x1A100];
	_ =	sdelay $0x4  }
0xb7: {  	[tilespmem:v4+s3+$0x0] =	vst.idx.add.f32.msk vm1, v5  }
0xb8: {  	p0 =	sne.s32 s13, $0x7FC0;
	v5 =	vld [tilespmem:s14+$0x1C100]  }
.Ltmp6:
0xb9: {  	_ = 	snop;
	(pc) =	sbr.rel @p0 .LBB2_10-.Ltmp6, $2  }
0xba: {  	_ =	sdelay $0x2  }
0xbb: {  	s9 =	sadd.s32 $0x10, s9;
	s13 =	sadd.s32 $0x40, s13;
	[tilespmem:v4+s1+$0x0] =	vst.idx.add.f32.msk vm1, v5  }
0xbc: {  	s11 =	sadd.s32 $0x1, s11  }
0xbd: {  	p0 =	sne.s32 s11, s22  }
.Ltmp7:
0xbe: {  	_ = 	snop;
	(pc) =	sbr.rel @p0 .LBB2_9-.Ltmp7, $4  }
.Ltmp8:
0xbf: {  	_ = 	snop;
	(pc) =	sbr.rel @!p0 .LBB2_12-.Ltmp8, $4  }
0xc0: {  	_ = 	snop  }
0xc1: {  	_ = 	snop  }
0xc2: {  	s12 =	sadd.s32 $0x2000, s12  }
0xc3: {  	_ = 	snop  }
.LBB2_13:
0xc4: {  	_ =	sfence.sel $0x180000  }
0xc5: {  	[bflag:$0x0] =	sbarrier.arrive $0xFFFF  }
0xc6: {  	_ =	strace $0x9000004A  }
0xc7: {  	s0 =	stileid.u32;
	[bflag:$0x2] =	sbarrier.arrive $0xFFFF  }
0xc8: {  	p0 =	sne.s32 s0, $0x0;
	s0 =	rddreg [dreg:$0x3]  }
0xc9: {  	s0 =	sadd.s32 @!p0 $0x100000, s0  }
0xca: {  	[sflag:s0] =	ssyncadd.tile.s32 @!p0 $0x1;
	_ =	shalt  }
.Lfunc_end2:
_tile_overlayer_lowered:
.L_overlay_start_2:
0xcb: {  	(tag) =	ssettag $0x2  }
0xcc: {  	s0 =	rddreg [dreg:$0x0];
	s2 =	stileid.u32  }
0xcd: {  	s1 =	rddreg [dreg:$0x1];
	p0 =	sne.s32 s2, $0x0  }
0xce: {  	s3 =	rddreg [dreg:$0x2];
	[bflag:$0x3] =	sbarrier.arrive $0xFFFF;
	s2 =	simm.s32 @!p0 $0x1C02  }
0xcf: {  	[timem:s3], [sflag:s2] =	dma.local @!p0 [hbm:s0], s1  }
0xd0: {  	s0 =	simm.s32 @!p0 $0x2  }
0xd1: {  	_ =	swait.ge @!p0 [sflag:s0], s1  }
0xd2: {  	s1 =	ssub.s32 @!p0 $0x0, s1;
	[sflag:s0] =	ssyncset.done @!p0 $0x0  }
0xd3: {  	[sflag:s0] =	ssyncadd.s32 @!p0 s1  }
0xd4: {  	[bflag:$0x3] =	sbarrier.arrive $0xFFFF  }
0xd5: {  	_ =	shalt  }

</sc_bundles>
